<compile_context>
chip_gen: v7x
topology: tpu7x:2x2x1
jax: 0.10.2.dev20260603
libtpu: 0.0.44.dev20260713+nightly
codegen_flags: <defaults>
</compile_context>

<pallas_src>
import dataclasses
import functools

import jax
import jax.numpy as jnp
from jax import lax
from jax.experimental import pallas as pl
from jax.experimental.pallas import tpu as pltpu
from jax.experimental.pallas import tpu_sc as plsc

N = 10000
E_H = 10000
NNZ = 320000
D_IN = 128
D_H = 128
D_OUT = 64
_EPS_BN = 1e-5

_NW = 32
_EPW = NNZ // _NW
_C = 200
_NCHUNK = _EPW // _C
_NPAD = 10240
_RPS = _NPAD // 16


def _lrelu(x, slope=0.01):
    return jnp.where(x >= 0, x, slope * x)



def _tc_pre_body(x_ref, xe_in_ref, W1_ref, b1_ref, g1_ref, be1_ref,
                 Wr1_ref, br1_ref, Wr2_ref, br2_ref, Wh_ref,
                 atta_ref, attb_ref, Ws_ref, bs_ref, Wc1b_ref, bc1_ref,
                 xt_ref, rp_ref, xep_ref, sn_ref, se_ref):
    f32 = jnp.float32
    xb = _lrelu(jnp.dot(x_ref[...], W1_ref[...], preferred_element_type=f32)
                + b1_ref[...])
    m = jnp.mean(xb, axis=0, keepdims=True)
    v = jnp.mean((xb - m) ** 2, axis=0, keepdims=True)
    xb = (xb - m) / jnp.sqrt(v + _EPS_BN) * g1_ref[...] + be1_ref[...]

    xe1 = _lrelu(jnp.dot(xe_in_ref[...], Wr1_ref[...], preferred_element_type=f32)
                 + br1_ref[...])
    xe = jnp.dot(xe1, Wr2_ref[...], preferred_element_type=f32) + br2_ref[...]

    xt = jnp.dot(xb, Wh_ref[...], preferred_element_type=f32)
    he = jnp.dot(xe, Wh_ref[...], preferred_element_type=f32)

    xt_ref[...] = xt
    sn_ref[...] = jnp.dot(xt, atta_ref[...], preferred_element_type=f32)
    se_ref[...] = jnp.dot(he, attb_ref[...], preferred_element_type=f32)
    rp_ref[...] = jnp.dot(xb, Ws_ref[...], preferred_element_type=f32) + bs_ref[...]
    xep_ref[...] = (jnp.dot(xe, Wc1b_ref[...], preferred_element_type=f32)
                    + bc1_ref[...])


def _tc_pre(x, x_e, W1, b1, g1, be1, Wr1, br1, Wr2, br2, Wh, att, Ws, bs,
            Wc1, bc1):
    f32 = jnp.float32
    atta = att[:D_H].reshape(D_H, 1)
    attb = att[D_H:].reshape(D_H, 1)
    return pl.pallas_call(
        _tc_pre_body,
        out_shape=[
            jax.ShapeDtypeStruct((N, D_H), f32),
            jax.ShapeDtypeStruct((N, D_H), f32),
            jax.ShapeDtypeStruct((E_H, D_H), f32),
            jax.ShapeDtypeStruct((N, 1), f32),
            jax.ShapeDtypeStruct((E_H, 1), f32),
        ],
    )(x, x_e, W1, b1.reshape(1, D_H), g1.reshape(1, D_H), be1.reshape(1, D_H),
      Wr1, br1.reshape(1, D_H), Wr2, br2.reshape(1, D_H), Wh,
      atta, attb, Ws, bs.reshape(1, D_H), Wc1[D_H:], bc1.reshape(1, D_H))


def _tc_mid1_body(pp_ref, as_ref, bd_ref, q_ref):
    P = pp_ref[...][0, :E_H] + pp_ref[...][1, :E_H]
    asum = as_ref[...][0] + as_ref[...][1] + 1e-16
    bd = bd_ref[...][0] + bd_ref[...][1]
    binv = jnp.where(bd > 0, 1.0 / bd, 0.0)
    scale = binv / (asum * asum)
    q_ref[...] = P * scale[:, None]


def _tc_mid1(pp, asum_p, bd_p):
    return pl.pallas_call(
        _tc_mid1_body,
        out_shape=jax.ShapeDtypeStruct((E_H, D_H), jnp.float32),
    )(pp, asum_p, bd_p)


def _tc_mid2_body(rr_ref, dd_ref, resp_ref, bh_ref, g2_ref, be2_ref, h_ref):
    R = rr_ref[...][0, :N] + rr_ref[...][1, :N]
    dd = dd_ref[...][0] + dd_ref[...][1]
    dinv = jnp.where(dd > 0, 1.0 / dd, 0.0)
    out = R * dinv[:, None] + bh_ref[...]
    h = _lrelu(out)
    m = jnp.mean(h, axis=0, keepdims=True)
    v = jnp.mean((h - m) ** 2, axis=0, keepdims=True)
    h = (h - m) / jnp.sqrt(v + _EPS_BN) * g2_ref[...] + be2_ref[...]
    h_ref[...] = h + resp_ref[...]


def _tc_mid2(rr, dd_p, resp, bh, g2, be2):
    return pl.pallas_call(
        _tc_mid2_body,
        out_shape=jax.ShapeDtypeStruct((N, D_H), jnp.float32),
    )(rr, dd_p, resp, bh.reshape(1, D_H), g2.reshape(1, D_H),
      be2.reshape(1, D_H))


def _tc_post_body(agg_ref, xep_ref, Wc1a_ref, Wc2_ref, bc2_ref, o_ref):
    f32 = jnp.float32
    c = _lrelu(jnp.dot(agg_ref[...], Wc1a_ref[...], preferred_element_type=f32)
               + xep_ref[...])
    o_ref[...] = jnp.dot(c, Wc2_ref[...], preferred_element_type=f32) + bc2_ref[...]


def _tc_post(agg, xep, Wc1, Wc2, bc2):
    return pl.pallas_call(
        _tc_post_body,
        out_shape=jax.ShapeDtypeStruct((E_H, D_OUT), jnp.float32),
    )(agg, xep, Wc1[:D_H], Wc2, bc2.reshape(1, D_OUT))



def _make_conv_pass(scatter_by_col, with_scalars):
    f32 = jnp.float32
    i32 = jnp.int32
    mesh = plsc.VectorSubcoreMesh(core_axis_name="c", subcore_axis_name="s")

    if with_scalars:
        out_type = ([jax.ShapeDtypeStruct((2, _NPAD, D_H), f32)]
                    + [jax.ShapeDtypeStruct((2, N), f32)] * 3)
    else:
        out_type = jax.ShapeDtypeStruct((2, _NPAD, D_H), f32)

    scratch = [
        pltpu.VMEM((_C,), f32),
        pltpu.VMEM((_C,), f32),
        pltpu.VMEM((_C,), i32),
        pltpu.VMEM((_C,), i32),
        pltpu.VMEM((_C,), f32),
        pltpu.VMEM((_C,), f32),
        pltpu.VMEM((_C, D_H), f32),
        pltpu.VMEM_SHARED((_NPAD, D_H), f32),
    ]
    if with_scalars:
        scratch += [pltpu.VMEM_SHARED((N,), f32)] * 3

    def body(*refs):
        if with_scalars:
            (table, row_h, col_h, sn_h, se_h, zr_h, zs_h,
             p_out, asum_o, bd_o, dd_o,
             sn_v, se_v, ridx, cidx, ae_v, ones_v, rows_v, acc,
             asum_s, bd_s, dd_s) = refs
        else:
            (table, row_h, col_h, sn_h, se_h, zr_h,
             p_out,
             sn_v, se_v, ridx, cidx, ae_v, ones_v, rows_v, acc) = refs

        ci = lax.axis_index("c")
        si = lax.axis_index("s")
        wid = si * 2 + ci

        pltpu.sync_copy(zr_h.at[pl.ds(_RPS * si, _RPS)],
                        acc.at[pl.ds(_RPS * si, _RPS)])
        if with_scalars:
            @pl.when(si == 0)
            def _():
                pltpu.sync_copy(zs_h, asum_s)
                pltpu.sync_copy(zs_h, bd_s)
                pltpu.sync_copy(zs_h, dd_s)

        @pl.loop(0, _C, step=16)
        def _(i):
            ones_v[pl.ds(i, 16)] = jnp.full((16,), 1.0, f32)

        plsc.subcore_barrier()

        iot = lax.broadcasted_iota(i32, (16,), 0)
        ebase = wid * _EPW

        @pl.loop(0, _NCHUNK)
        def _(k):
            base = ebase + k * _C
            pltpu.sync_copy(row_h.at[pl.ds(base, _C)], ridx)
            pltpu.sync_copy(col_h.at[pl.ds(base, _C)], cidx)
            gidx = ridx if scatter_by_col else cidx
            sidx = cidx if scatter_by_col else ridx
            pltpu.sync_copy(table.at[gidx], rows_v)
            pltpu.sync_copy(sn_h.at[ridx], sn_v)
            pltpu.sync_copy(se_h.at[cidx], se_v)

            @pl.loop(0, _C, step=16)
            def _(g):
                s = sn_v[pl.ds(g, 16)] + se_v[pl.ds(g, 16)]
                ae_v[pl.ds(g, 16)] = jnp.exp(jnp.maximum(s, 0.2 * s))

            @pl.loop(0, _C)
            def _(e):
                ev = jnp.full((16,), e, i32)
                wv = plsc.load_gather(ae_v, [ev])
                for j in range(8):
                    sl = pl.ds(16 * j, 16)
                    rows_v[e, sl] = rows_v[e, sl] * wv

            pltpu.sync_copy(rows_v, acc.at[sidx], add=True)
            if with_scalars:
                pltpu.sync_copy(ae_v, asum_s.at[cidx], add=True)
                pltpu.sync_copy(ones_v, bd_s.at[cidx], add=True)
                pltpu.sync_copy(ones_v, dd_s.at[ridx], add=True)

        plsc.subcore_barrier()
        pltpu.sync_copy(acc.at[pl.ds(_RPS * si, _RPS)],
                        p_out.at[ci, pl.ds(_RPS * si, _RPS)])
        if with_scalars:
            @pl.when(si == 0)
            def _():
                pltpu.sync_copy(asum_s, asum_o.at[ci])
                pltpu.sync_copy(bd_s, bd_o.at[ci])
                pltpu.sync_copy(dd_s, dd_o.at[ci])

    cp = pltpu.CompilerParams()
    if "needs_layout_passes" in pltpu.CompilerParams.__dataclass_fields__:
        cp = dataclasses.replace(cp, needs_layout_passes=False)
    return pl.kernel(body, out_type=out_type, mesh=mesh,
                     scratch_types=scratch, compiler_params=cp)


_conv_pass_b = _make_conv_pass(scatter_by_col=True, with_scalars=True)
_conv_pass_c = _make_conv_pass(scatter_by_col=False, with_scalars=False)



_SEG = 320
_CS = 2000
_NSC = NNZ // _CS
_PB = 256
_PCAP = _PB + 16


def _make_segmin():
    f32 = jnp.float32
    i32 = jnp.int32
    mesh = plsc.VectorSubcoreMesh(core_axis_name="c", subcore_axis_name="s")

    out_type = jax.ShapeDtypeStruct((N, D_H), f32)
    scratch = [
        pltpu.VMEM((_SEG, D_H), f32),
        pltpu.VMEM((_CS,), i32),
        pltpu.VMEM((_CS,), i32),
        pltpu.VMEM((_PCAP,), i32),
        pltpu.VMEM((_PCAP,), i32),
        pltpu.VMEM((_PCAP, D_H), f32),
    ]

    def body(h_hbm, row_h, col_h, inf_h, agg_out,
             agg_loc, rbuf, cbuf, prow, pcol, rows_p):
        ci = lax.axis_index("c")
        si = lax.axis_index("s")
        wid = si * 2 + ci
        lo = wid * _SEG

        pltpu.sync_copy(inf_h, agg_loc)

        @pl.loop(0, _PCAP, step=16)
        def _(i):
            prow[pl.ds(i, 16)] = jnp.zeros((16,), i32)
            pcol[pl.ds(i, 16)] = jnp.zeros((16,), i32)

        iot = lax.broadcasted_iota(i32, (16,), 0)
        fjs = [iot + 16 * j for j in range(8)]
        lov = jnp.full((16,), lo, i32)

        def drain(cnt):
            pltpu.sync_copy(h_hbm.at[prow], rows_p)
            cntv = jnp.full((16,), cnt, i32)

            @pl.loop(0, _PCAP)
            def _(e):
                ev = jnp.full((16,), e, i32)
                valid = ev < cntv
                cl = plsc.load_gather(pcol, [ev])
                for j in range(8):
                    hr = rows_p[e, pl.ds(16 * j, 16)]
                    old = plsc.load_gather(agg_loc, [cl, fjs[j]])
                    plsc.store_scatter(agg_loc, [cl, fjs[j]],
                                       jnp.minimum(old, hr), mask=valid)

        def vec_body(g, cnt):
            g16 = g * 16
            rv = rbuf[pl.ds(g16, 16)]
            cv = cbuf[pl.ds(g16, 16)]
            m = (cv >= lov) & (cv < lov + _SEG)
            mi = m.astype(i32)
            tot = jnp.sum(mi)

            @pl.when(tot != 0)
            def _():
                pos = jnp.full((16,), cnt, i32) + plsc.cumsum(mi) - 1
                plsc.store_scatter(pcol, [pos], cv - lov, mask=m)
                plsc.store_scatter(prow, [pos], rv, mask=m)

            cnt = cnt + tot
            did = (cnt >= _PB).astype(i32)

            @pl.when(did == 1)
            def _():
                drain(_PB)
                left = jnp.full((16,), cnt - _PB, i32)
                lm = iot < left
                lc = plsc.load_gather(pcol, [iot + _PB])
                lr = plsc.load_gather(prow, [iot + _PB])
                plsc.store_scatter(pcol, [iot], lc, mask=lm)
                plsc.store_scatter(prow, [iot], lr, mask=lm)

            return cnt - did * _PB

        def chunk_body(k, cnt):
            base = k * _CS
            pltpu.sync_copy(row_h.at[pl.ds(base, _CS)], rbuf)
            pltpu.sync_copy(col_h.at[pl.ds(base, _CS)], cbuf)
            return lax.fori_loop(0, _CS // 16, vec_body, cnt)

        cnt = lax.fori_loop(0, _NSC, chunk_body, 0)
        drain(cnt)

        @pl.when(lo + _SEG <= N)
        def _():
            pltpu.sync_copy(agg_loc, agg_out.at[pl.ds(lo, _SEG)])

        @pl.when(lo + _SEG > N)
        def _():
            pltpu.sync_copy(agg_loc.at[pl.ds(0, N - _SEG * 31)],
                            agg_out.at[pl.ds(lo, N - _SEG * 31)])

    cp = pltpu.CompilerParams()
    if "needs_layout_passes" in pltpu.CompilerParams.__dataclass_fields__:
        cp = dataclasses.replace(cp, needs_layout_passes=False)
    return pl.kernel(body, out_type=out_type, mesh=mesh,
                     scratch_types=scratch, compiler_params=cp)


_sc_segmin = _make_segmin()



def kernel(x, x_struct, x_e, edge_index, W1, b1, g1, be1, Wr1, br1, Wr2, br2,
           Wh, att, bh, g2, be2, Ws, bs, Wc1, bc1, Wc2, bc2):
    f32 = jnp.float32
    row = edge_index[0]
    col = edge_index[1]

    xt, resp, xep, sn, se = _tc_pre(x, x_e, W1, b1, g1, be1, Wr1, br1, Wr2,
                                    br2, Wh, att, Ws, bs, Wc1, bc1)
    sn1 = sn.reshape(N)
    se1 = se.reshape(E_H)

    zrows = jnp.zeros((_NPAD, D_H), f32)
    zscal = jnp.zeros((N,), f32)

    pp, asum_p, bd_p, dd_p = _conv_pass_b(xt, row, col, sn1, se1, zrows, zscal)
    q = _tc_mid1(pp, asum_p, bd_p)
    rr = _conv_pass_c(q, row, col, sn1, se1, zrows)
    h = _tc_mid2(rr, dd_p, resp, bh, g2, be2)

    inf_h = jnp.full((_SEG, D_H), jnp.inf, f32)
    agg = _sc_segmin(h, row, col, inf_h)

    return _tc_post(agg, xep, Wc1, Wc2, bc2)

# --- scband reference (transcript-rebuilt; emitter-appended) ---
"""Pipeline reference for scband-compare-hgcn-5901285065130 (READ-ONLY COPY).

The authoritative reference and input builder live on the scoring server;
editing this copy changes nothing except your own understanding.
"""

import jax, jax.numpy as jnp
import numpy as np

N = 10000
E_H = 10000
NNZ = 320000
D_IN = 128
D_H = 128
D_OUT = 64


def lrelu(x, slope=0.01):
    return jnp.where(x >= 0, x, slope * x)


def bn(x, g, b, eps=1e-5):
    m = x.mean(axis=0)
    v = x.var(axis=0)
    return (x - m) / jnp.sqrt(v + eps) * g + b


def setup_inputs(seed: int = 0):
    key = jax.random.key(seed)
    ks = jax.random.split(key, 16)

    def w(k, shape, fan_in):
        return (jax.random.normal(k, shape, dtype=jnp.float32) / np.sqrt(fan_in)).astype(jnp.float32)

    inp = {}
    inp["x"] = jax.random.normal(ks[0], (N, D_IN), dtype=jnp.float32)
    inp["x_struct"] = jax.random.normal(ks[1], (N, D_IN), dtype=jnp.float32)
    inp["x_e"] = jax.random.normal(ks[2], (E_H, D_IN), dtype=jnp.float32)
    inp["edge_index"] = jax.random.randint(ks[3], (2, NNZ), 0, N, dtype=jnp.int32)
    inp["W1"] = w(ks[4], (D_IN, D_H), D_IN)
    inp["b1"] = jnp.zeros((D_H,), jnp.float32)
    inp["g1"] = jnp.ones((D_H,), jnp.float32)
    inp["be1"] = jnp.zeros((D_H,), jnp.float32)
    inp["Wr1"] = w(ks[5], (D_IN, D_H), D_IN)
    inp["br1"] = jnp.zeros((D_H,), jnp.float32)
    inp["Wr2"] = w(ks[6], (D_H, D_H), D_H)
    inp["br2"] = jnp.zeros((D_H,), jnp.float32)
    inp["Wh"] = w(ks[7], (D_H, D_H), D_H)
    inp["att"] = w(ks[8], (2 * D_H,), 2 * D_H)
    inp["bh"] = jnp.zeros((D_H,), jnp.float32)
    inp["g2"] = jnp.ones((D_H,), jnp.float32)
    inp["be2"] = jnp.zeros((D_H,), jnp.float32)
    inp["Ws"] = w(ks[9], (D_H, D_H), D_H)
    inp["bs"] = jnp.zeros((D_H,), jnp.float32)
    inp["Wc1"] = w(ks[10], (2 * D_H, D_H), 2 * D_H)
    inp["bc1"] = jnp.zeros((D_H,), jnp.float32)
    inp["Wc2"] = w(ks[11], (D_H, D_OUT), D_H)
    inp["bc2"] = jnp.zeros((D_OUT,), jnp.float32)
    return inp


def reference(x, x_struct, x_e, edge_index, W1, b1, g1, be1, Wr1, br1, Wr2, br2,
              Wh, att, bh, g2, be2, Ws, bs, Wc1, bc1, Wc2, bc2):
    row = edge_index[0]
    col = edge_index[1]
    # input projection + norm (dropout p=0 is identity)
    x = lrelu(x @ W1 + b1)
    x = bn(x, g1, be1)
    # SemanticHyperedgeRefiner: 2-layer MLP in->hidden->hidden
    xe = lrelu(x_e @ Wr1 + br1)
    xe = xe @ Wr2 + br2
    res1 = x
    # HypergraphConv with attention (heads=1, attention_mode='node')
    xt = x @ Wh
    he = xe @ Wh
    x_i = xt[row]
    x_j = he[col]
    alpha = x_i @ att[:D_H] + x_j @ att[D_H:]
    alpha = lrelu(alpha, 0.2)
    amax = jax.ops.segment_max(alpha, col, num_segments=E_H)
    amax = jnp.where(jnp.isfinite(amax), amax, 0.0)
    ae = jnp.exp(alpha - jax.lax.stop_gradient(amax)[col])
    asum = jax.ops.segment_sum(ae, col, num_segments=E_H)
    alpha = ae / (asum[col] + 1e-16)
    ones = jnp.ones((NNZ,), jnp.float32)
    Dd = jax.ops.segment_sum(ones, row, num_segments=N)
    Dinv = jnp.where(Dd > 0, 1.0 / Dd, 0.0)
    Bd = jax.ops.segment_sum(ones, col, num_segments=E_H)
    Binv = jnp.where(Bd > 0, 1.0 / Bd, 0.0)
    msg1 = Binv[col][:, None] * xt[row] * alpha[:, None]
    out_e = jax.ops.segment_sum(msg1, col, num_segments=E_H)
    msg2 = Dinv[row][:, None] * out_e[col] * alpha[:, None]
    out = jax.ops.segment_sum(msg2, row, num_segments=N) + bh
    # post-conv
    h = lrelu(out)
    h = bn(h, g2, be2)
    h = h + res1 @ Ws + bs
    # MinAggregation: gather by src node, segment-min by hyperedge id
    agg = jax.ops.segment_min(h[row], col, num_segments=E_H)
    cat = jnp.concatenate([agg, xe], axis=1)
    c = lrelu(cat @ Wc1 + bc1)
    return c @ Wc2 + bc2

if __name__ == "__main__":
    import jax
    _d = setup_inputs()
    print(jax.jit(kernel)(*tuple(_d.values())))

</pallas_src>

<mosaic_0001>
#map = affine_map<(d0, d1) -> (0, 0)>
#map1 = affine_map<(d0, d1) -> (0)>
#map2 = affine_map<(d0, d1) -> (0, 0, 0)>
module attributes {stable_mosaic.version = 14 : i64} {
  func.func @body(%arg0: i32, %arg1: i32, %arg2: memref<10000x128xf32, #tpu.memory_space<hbm>>, %arg3: memref<320000xi32, #tpu.memory_space<hbm>>, %arg4: memref<320000xi32, #tpu.memory_space<hbm>>, %arg5: memref<10000xf32, #tpu.memory_space<hbm>>, %arg6: memref<10000xf32, #tpu.memory_space<hbm>>, %arg7: memref<10240x128xf32, #tpu.memory_space<hbm>>, %arg8: memref<2x10240x128xf32, #tpu.memory_space<hbm>>, %arg9: memref<200xf32, #tpu.memory_space<vmem>>, %arg10: memref<200xf32, #tpu.memory_space<vmem>>, %arg11: memref<200xi32, #tpu.memory_space<vmem>>, %arg12: memref<200xi32, #tpu.memory_space<vmem>>, %arg13: memref<200xf32, #tpu.memory_space<vmem>>, %arg14: memref<200xf32, #tpu.memory_space<vmem>>, %arg15: memref<200x128xf32, #tpu.memory_space<vmem>>, %arg16: memref<10240x128xf32, #tpu.memory_space<vmem_shared>>) attributes {dimension_semantics = [#tpu.dimension_semantics<core_parallel>, #tpu.dimension_semantics<subcore_parallel>], iteration_bounds = array<i64: 2, 16>, scalar_prefetch = 0 : i64, scratch_operands = 8 : i64, tpu.core_type = #tpu.core_type<sc_vector_subcore>, window_params = [{transform_indices = #map}, {transform_indices = #map1}, {transform_indices = #map1}, {transform_indices = #map1}, {transform_indices = #map1}, {transform_indices = #map}, {transform_indices = #map2}]} {
    %mul3A = arith.constant 2 : i32
    %mul3A_0 = arith.muli %arg1, %mul3A : i32
    %add3A = arith.addi %mul3A_0, %arg0 : i32
    %mul3A_1 = arith.constant 640 : i32
    %mul3A_2 = arith.muli %mul3A_1, %arg1 : i32
    %mul3A_3 = arith.constant 640 : i32
    %mul3A_4 = arith.muli %mul3A_3, %arg1 : i32
    "tpu.region"() ({
      %run_scoped3A = tpu.sem_alloc : memref<!tpu.dma_semaphore, #tpu.memory_space<semaphore_mem>>
      %dma_start3A = arith.constant 0 : i32
      %dma_start3A_21 = tpu.memref_slice %arg16[%mul3A_4, %dma_start3A] : memref<10240x128xf32, #tpu.memory_space<vmem_shared>> -> memref<640x128xf32, #tpu.memory_space<vmem_shared>>
      %dma_start3A_22 = arith.constant 0 : i32
      %dma_start3A_23 = tpu.memref_slice %arg7[%mul3A_2, %dma_start3A_22] : memref<10240x128xf32, #tpu.memory_space<hbm>> -> memref<640x128xf32, #tpu.memory_space<hbm>>
      tpu.enqueue_dma source(%dma_start3A_23 : memref<640x128xf32, #tpu.memory_space<hbm>>) target(%dma_start3A_21 : memref<640x128xf32, #tpu.memory_space<vmem_shared>>) target_semaphore(%run_scoped3A : memref<!tpu.dma_semaphore, #tpu.memory_space<semaphore_mem>>)
      %dma_wait3A = arith.constant 0 : i32
      %dma_wait3A_24 = tpu.memref_slice %arg16[%mul3A_4, %dma_wait3A] : memref<10240x128xf32, #tpu.memory_space<vmem_shared>> -> memref<640x128xf32, #tpu.memory_space<vmem_shared>>
      %dma_wait3A_25 = arith.constant 0 : i32
      %dma_wait3A_26 = tpu.memref_slice %arg7[%mul3A_2, %dma_wait3A_25] : memref<10240x128xf32, #tpu.memory_space<hbm>> -> memref<640x128xf32, #tpu.memory_space<hbm>>
      tpu.wait_dma2 semaphore(%run_scoped3A : memref<!tpu.dma_semaphore, #tpu.memory_space<semaphore_mem>>) src(%dma_wait3A_26 : memref<640x128xf32, #tpu.memory_space<hbm>>) dst(%dma_wait3A_24 : memref<640x128xf32, #tpu.memory_space<vmem_shared>>)
      tpu.yield
    }) : () -> ()
    %scan3A = arith.constant 0 : i32
    %scan3A_5 = arith.constant 13 : i32
    %scan3A_6 = arith.addi %scan3A, %scan3A_5 : i32
    %scan3A_7 = arith.constant 1 : i32
    scf.for %scan3A_21 = %scan3A to %scan3A_6 step %scan3A_7  : i32 {
      %mul3A_22 = arith.constant 16 : i32
      %mul3A_23 = arith.muli %scan3A_21, %mul3A_22 : i32
      %add3A_24 = arith.constant 0 : i32
      %add3A_25 = arith.addi %add3A_24, %mul3A_23 : i32
      %broadcast_in_dim3A = arith.constant 1.000000e+00 : f32
      %broadcast_in_dim3A_26 = vector.broadcast %broadcast_in_dim3A : f32 to vector<16xf32>
      %swap3A = arith.index_cast %add3A_25 : i32 to index
      %swap3A_27 = tpu.vector_load %arg14[%swap3A] {strides = array<i32>} : memref<200xf32, #tpu.memory_space<vmem>>, vector<16xf32>,
      tpu.vector_store %arg14[%swap3A], %broadcast_in_dim3A_26 {strides = array<i32>} : memref<200xf32, #tpu.memory_space<vmem>>, vector<16xf32>,
    }
    %scan3A_8 = arith.constant 13 : i32
    %barrier3A = arith.constant 0 : index
    tpu.barrier barrier_id(%barrier3A)
    %iota3A = tpu.iota {dimensions = array<i32: 0>} : vector<16xi32>
    %mul3A_9 = arith.constant 10000 : i32
    %mul3A_10 = arith.muli %add3A, %mul3A_9 : i32
    %scan3A_11 = arith.constant 0 : i32
    %scan3A_12 = arith.constant 50 : i32
    %scan3A_13 = arith.addi %scan3A_11, %scan3A_12 : i32
    %scan3A_14 = arith.constant 1 : i32
    scf.for %scan3A_21 = %scan3A_11 to %scan3A_13 step %scan3A_14  : i32 {
      %mul3A_22 = arith.constant 1 : i32
      %mul3A_23 = arith.muli %scan3A_21, %mul3A_22 : i32
      %add3A_24 = arith.constant 0 : i32
      %add3A_25 = arith.addi %add3A_24, %mul3A_23 : i32
      %mul3A_26 = arith.constant 200 : i32
      %mul3A_27 = arith.muli %add3A_25, %mul3A_26 : i32
      %add3A_28 = arith.addi %mul3A_10, %mul3A_27 : i32
      "tpu.region"() ({
        %run_scoped3A = tpu.sem_alloc : memref<!tpu.dma_semaphore, #tpu.memory_space<semaphore_mem>>
        %dma_start3A = tpu.memref_slice %arg3[%add3A_28] : memref<320000xi32, #tpu.memory_space<hbm>> -> memref<200xi32, #tpu.memory_space<hbm>>
        %dma_start3A_39 = tpu.memref_slice %arg3[%add3A_28] : memref<320000xi32, #tpu.memory_space<hbm>> -> memref<200xi32, #tpu.memory_space<hbm>>
        tpu.enqueue_dma source(%dma_start3A_39 : memref<200xi32, #tpu.memory_space<hbm>>) target(%arg11 : memref<200xi32, #tpu.memory_space<vmem>>) target_semaphore(%run_scoped3A : memref<!tpu.dma_semaphore, #tpu.memory_space<semaphore_mem>>)
        %dma_wait3A = tpu.memref_slice %arg3[%add3A_28] : memref<320000xi32, #tpu.memory_space<hbm>> -> memref<200xi32, #tpu.memory_space<hbm>>
        %dma_wait3A_40 = tpu.memref_slice %arg3[%add3A_28] : memref<320000xi32, #tpu.memory_space<hbm>> -> memref<200xi32, #tpu.memory_space<hbm>>
        tpu.wait_dma2 semaphore(%run_scoped3A : memref<!tpu.dma_semaphore, #tpu.memory_space<semaphore_mem>>) src(%dma_wait3A_40 : memref<200xi32, #tpu.memory_space<hbm>>) dst(%arg11 : memref<200xi32, #tpu.memory_space<vmem>>)
        tpu.yield
      }) : () -> ()
      "tpu.region"() ({
        %run_scoped3A = tpu.sem_alloc : memref<!tpu.dma_semaphore, #tpu.memory_space<semaphore_mem>>
        %dma_start3A = tpu.memref_slice %arg4[%add3A_28] : memref<320000xi32, #tpu.memory_space<hbm>> -> memref<200xi32, #tpu.memory_space<hbm>>
        %dma_start3A_39 = tpu.memref_slice %arg4[%add3A_28] : memref<320000xi32, #tpu.memory_space<hbm>> -> memref<200xi32, #tpu.memory_space<hbm>>
        tpu.enqueue_dma source(%dma_start3A_39 : memref<200xi32, #tpu.memory_space<hbm>>) target(%arg12 : memref<200xi32, #tpu.memory_space<vmem>>) target_semaphore(%run_scoped3A : memref<!tpu.dma_semaphore, #tpu.memory_space<semaphore_mem>>)
        %dma_wait3A = tpu.memref_slice %arg4[%add3A_28] : memref<320000xi32, #tpu.memory_space<hbm>> -> memref<200xi32, #tpu.memory_space<hbm>>
        %dma_wait3A_40 = tpu.memref_slice %arg4[%add3A_28] : memref<320000xi32, #tpu.memory_space<hbm>> -> memref<200xi32, #tpu.memory_space<hbm>>
        tpu.wait_dma2 semaphore(%run_scoped3A : memref<!tpu.dma_semaphore, #tpu.memory_space<semaphore_mem>>) src(%dma_wait3A_40 : memref<200xi32, #tpu.memory_space<hbm>>) dst(%arg12 : memref<200xi32, #tpu.memory_space<vmem>>)
        tpu.yield
      }) : () -> ()
      "tpu.region"() ({
        %run_scoped3A = tpu.sem_alloc : memref<!tpu.dma_semaphore, #tpu.memory_space<semaphore_mem>>
        %dma_start3A = arith.constant 0 : i32
        %dma_start3A_39 = arith.constant 0 : i32
        %dma_start3A_40 = tpu.memref_slice %arg2[%dma_start3A, %dma_start3A_39] : memref<10000x128xf32, #tpu.memory_space<hbm>> -> memref<10000x128xf32, #tpu.memory_space<hbm>>
        tpu.enqueue_indirect_dma source(%dma_start3A_40 : memref<10000x128xf32, #tpu.memory_space<hbm>>) target(%arg15 : memref<200x128xf32, #tpu.memory_space<vmem>>) offsets(%arg12 : memref<200xi32, #tpu.memory_space<vmem>>) semaphore(%run_scoped3A : memref<!tpu.dma_semaphore, #tpu.memory_space<semaphore_mem>>)
        %dma_wait3A = arith.constant 0 : i32
        %dma_wait3A_41 = arith.constant 0 : i32
        %dma_wait3A_42 = tpu.memref_slice %arg2[%dma_wait3A, %dma_wait3A_41] : memref<10000x128xf32, #tpu.memory_space<hbm>> -> memref<10000x128xf32, #tpu.memory_space<hbm>>
        tpu.wait_indirect_dma semaphore(%run_scoped3A : memref<!tpu.dma_semaphore, #tpu.memory_space<semaphore_mem>>) src(%dma_wait3A_42 : memref<10000x128xf32, #tpu.memory_space<hbm>>) dst(%arg15 : memref<200x128xf32, #tpu.memory_space<vmem>>)
        tpu.yield
      }) : () -> ()
      "tpu.region"() ({
        %run_scoped3A = tpu.sem_alloc : memref<!tpu.dma_semaphore, #tpu.memory_space<semaphore_mem>>
        %dma_start3A = arith.constant 0 : i32
        %dma_start3A_39 = tpu.memref_slice %arg5[%dma_start3A] : memref<10000xf32, #tpu.memory_space<hbm>> -> memref<10000xf32, #tpu.memory_space<hbm>>
        tpu.enqueue_indirect_dma source(%dma_start3A_39 : memref<10000xf32, #tpu.memory_space<hbm>>) target(%arg9 : memref<200xf32, #tpu.memory_space<vmem>>) offsets(%arg11 : memref<200xi32, #tpu.memory_space<vmem>>) semaphore(%run_scoped3A : memref<!tpu.dma_semaphore, #tpu.memory_space<semaphore_mem>>)
        %dma_wait3A = arith.constant 0 : i32
        %dma_wait3A_40 = tpu.memref_slice %arg5[%dma_wait3A] : memref<10000xf32, #tpu.memory_space<hbm>> -> memref<10000xf32, #tpu.memory_space<hbm>>
        tpu.wait_indirect_dma semaphore(%run_scoped3A : memref<!tpu.dma_semaphore, #tpu.memory_space<semaphore_mem>>) src(%dma_wait3A_40 : memref<10000xf32, #tpu.memory_space<hbm>>) dst(%arg9 : memref<200xf32, #tpu.memory_space<vmem>>)
        tpu.yield
      }) : () -> ()
      "tpu.region"() ({
        %run_scoped3A = tpu.sem_alloc : memref<!tpu.dma_semaphore, #tpu.memory_space<semaphore_mem>>
        %dma_start3A = arith.constant 0 : i32
        %dma_start3A_39 = tpu.memref_slice %arg6[%dma_start3A] : memref<10000xf32, #tpu.memory_space<hbm>> -> memref<10000xf32, #tpu.memory_space<hbm>>
        tpu.enqueue_indirect_dma source(%dma_start3A_39 : memref<10000xf32, #tpu.memory_space<hbm>>) target(%arg10 : memref<200xf32, #tpu.memory_space<vmem>>) offsets(%arg12 : memref<200xi32, #tpu.memory_space<vmem>>) semaphore(%run_scoped3A : memref<!tpu.dma_semaphore, #tpu.memory_space<semaphore_mem>>)
        %dma_wait3A = arith.constant 0 : i32
        %dma_wait3A_40 = tpu.memref_slice %arg6[%dma_wait3A] : memref<10000xf32, #tpu.memory_space<hbm>> -> memref<10000xf32, #tpu.memory_space<hbm>>
        tpu.wait_indirect_dma semaphore(%run_scoped3A : memref<!tpu.dma_semaphore, #tpu.memory_space<semaphore_mem>>) src(%dma_wait3A_40 : memref<10000xf32, #tpu.memory_space<hbm>>) dst(%arg10 : memref<200xf32, #tpu.memory_space<vmem>>)
        tpu.yield
      }) : () -> ()
      %scan3A_29 = arith.constant 0 : i32
      %scan3A_30 = arith.constant 13 : i32
      %scan3A_31 = arith.addi %scan3A_29, %scan3A_30 : i32
      %scan3A_32 = arith.constant 1 : i32
      scf.for %scan3A_39 = %scan3A_29 to %scan3A_31 step %scan3A_32  : i32 {
        %mul3A_40 = arith.constant 16 : i32
        %mul3A_41 = arith.muli %scan3A_39, %mul3A_40 : i32
        %add3A_42 = arith.constant 0 : i32
        %add3A_43 = arith.addi %add3A_42, %mul3A_41 : i32
        %get3A = arith.index_cast %add3A_43 : i32 to index
        %get3A_44 = tpu.vector_load %arg9[%get3A] {strides = array<i32>} : memref<200xf32, #tpu.memory_space<vmem>>, vector<16xf32>,
        %get3A_45 = arith.index_cast %add3A_43 : i32 to index
        %get3A_46 = tpu.vector_load %arg10[%get3A_45] {strides = array<i32>} : memref<200xf32, #tpu.memory_space<vmem>>, vector<16xf32>,
        %add3A_47 = arith.addf %get3A_44, %get3A_46 : vector<16xf32>
        %mul3A_48 = arith.constant 2.000000e-01 : f32
        %mul3A_49 = vector.broadcast %mul3A_48 : f32 to vector<16xf32>
        %mul3A_50 = arith.mulf %mul3A_49, %add3A_47 : vector<16xf32>
        %max3A = arith.maximumf %add3A_47, %mul3A_50 : vector<16xf32>
        %exp3A = math.exp %max3A : vector<16xf32>
        %swap3A = arith.index_cast %add3A_43 : i32 to index
        %swap3A_51 = tpu.vector_load %arg13[%swap3A] {strides = array<i32>} : memref<200xf32, #tpu.memory_space<vmem>>, vector<16xf32>,
        tpu.vector_store %arg13[%swap3A], %exp3A {strides = array<i32>} : memref<200xf32, #tpu.memory_space<vmem>>, vector<16xf32>,
      }
      %scan3A_33 = arith.constant 13 : i32
      %scan3A_34 = arith.constant 0 : i32
      %scan3A_35 = arith.constant 200 : i32
      %scan3A_36 = arith.addi %scan3A_34, %scan3A_35 : i32
      %scan3A_37 = arith.constant 1 : i32
      scf.for %scan3A_39 = %scan3A_34 to %scan3A_36 step %scan3A_37  : i32 {
        %mul3A_40 = arith.constant 1 : i32
        %mul3A_41 = arith.muli %scan3A_39, %mul3A_40 : i32
        %add3A_42 = arith.constant 0 : i32
        %add3A_43 = arith.addi %add3A_42, %mul3A_41 : i32
        %broadcast_in_dim3A = vector.broadcast %add3A_43 : i32 to vector<16xi32>
        %gather3A = tpu.vector_load_idx %arg13[%broadcast_in_dim3A] : memref<200xf32, #tpu.memory_space<vmem>>[vector<16xi32>], vector<16xf32>,
        %get3A = arith.index_cast %add3A_43 : i32 to index
        %get3A_44 = arith.constant 0 : index
        %get3A_45 = tpu.vector_load %arg15[%get3A, %get3A_44] {strides = array<i32>} : memref<200x128xf32, #tpu.memory_space<vmem>>, vector<16xf32>,
        %mul3A_46 = arith.mulf %get3A_45, %gather3A : vector<16xf32>
        %swap3A = arith.index_cast %add3A_43 : i32 to index
        %swap3A_47 = arith.constant 0 : index
        %swap3A_48 = tpu.vector_load %arg15[%swap3A, %swap3A_47] {strides = array<i32>} : memref<200x128xf32, #tpu.memory_space<vmem>>, vector<16xf32>,
        tpu.vector_store %arg15[%swap3A, %swap3A_47], %mul3A_46 {strides = array<i32>} : memref<200x128xf32, #tpu.memory_space<vmem>>, vector<16xf32>,
        %get3A_49 = arith.index_cast %add3A_43 : i32 to index
        %get3A_50 = arith.constant 16 : index
        %get3A_51 = tpu.vector_load %arg15[%get3A_49, %get3A_50] {strides = array<i32>} : memref<200x128xf32, #tpu.memory_space<vmem>>, vector<16xf32>,
        %mul3A_52 = arith.mulf %get3A_51, %gather3A : vector<16xf32>
        %swap3A_53 = arith.index_cast %add3A_43 : i32 to index
        %swap3A_54 = arith.constant 16 : index
        %swap3A_55 = tpu.vector_load %arg15[%swap3A_53, %swap3A_54] {strides = array<i32>} : memref<200x128xf32, #tpu.memory_space<vmem>>, vector<16xf32>,
        tpu.vector_store %arg15[%swap3A_53, %swap3A_54], %mul3A_52 {strides = array<i32>} : memref<200x128xf32, #tpu.memory_space<vmem>>, vector<16xf32>,
        %get3A_56 = arith.index_cast %add3A_43 : i32 to index
        %get3A_57 = arith.constant 32 : index
        %get3A_58 = tpu.vector_load %arg15[%get3A_56, %get3A_57] {strides = array<i32>} : memref<200x128xf32, #tpu.memory_space<vmem>>, vector<16xf32>,
        %mul3A_59 = arith.mulf %get3A_58, %gather3A : vector<16xf32>
        %swap3A_60 = arith.index_cast %add3A_43 : i32 to index
        %swap3A_61 = arith.constant 32 : index
        %swap3A_62 = tpu.vector_load %arg15[%swap3A_60, %swap3A_61] {strides = array<i32>} : memref<200x128xf32, #tpu.memory_space<vmem>>, vector<16xf32>,
        tpu.vector_store %arg15[%swap3A_60, %swap3A_61], %mul3A_59 {strides = array<i32>} : memref<200x128xf32, #tpu.memory_space<vmem>>, vector<16xf32>,
        %get3A_63 = arith.index_cast %add3A_43 : i32 to index
        %get3A_64 = arith.constant 48 : index
        %get3A_65 = tpu.vector_load %arg15[%get3A_63, %get3A_64] {strides = array<i32>} : memref<200x128xf32, #tpu.memory_space<vmem>>, vector<16xf32>,
        %mul3A_66 = arith.mulf %get3A_65, %gather3A : vector<16xf32>
        %swap3A_67 = arith.index_cast %add3A_43 : i32 to index
        %swap3A_68 = arith.constant 48 : index
        %swap3A_69 = tpu.vector_load %arg15[%swap3A_67, %swap3A_68] {strides = array<i32>} : memref<200x128xf32, #tpu.memory_space<vmem>>, vector<16xf32>,
        tpu.vector_store %arg15[%swap3A_67, %swap3A_68], %mul3A_66 {strides = array<i32>} : memref<200x128xf32, #tpu.memory_space<vmem>>, vector<16xf32>,
        %get3A_70 = arith.index_cast %add3A_43 : i32 to index
        %get3A_71 = arith.constant 64 : index
        %get3A_72 = tpu.vector_load %arg15[%get3A_70, %get3A_71] {strides = array<i32>} : memref<200x128xf32, #tpu.memory_space<vmem>>, vector<16xf32>,
        %mul3A_73 = arith.mulf %get3A_72, %gather3A : vector<16xf32>
        %swap3A_74 = arith.index_cast %add3A_43 : i32 to index
        %swap3A_75 = arith.constant 64 : index
        %swap3A_76 = tpu.vector_load %arg15[%swap3A_74, %swap3A_75] {strides = array<i32>} : memref<200x128xf32, #tpu.memory_space<vmem>>, vector<16xf32>,
        tpu.vector_store %arg15[%swap3A_74, %swap3A_75], %mul3A_73 {strides = array<i32>} : memref<200x128xf32, #tpu.memory_space<vmem>>, vector<16xf32>,
        %get3A_77 = arith.index_cast %add3A_43 : i32 to index
        %get3A_78 = arith.constant 80 : index
        %get3A_79 = tpu.vector_load %arg15[%get3A_77, %get3A_78] {strides = array<i32>} : memref<200x128xf32, #tpu.memory_space<vmem>>, vector<16xf32>,
        %mul3A_80 = arith.mulf %get3A_79, %gather3A : vector<16xf32>
        %swap3A_81 = arith.index_cast %add3A_43 : i32 to index
        %swap3A_82 = arith.constant 80 : index
        %swap3A_83 = tpu.vector_load %arg15[%swap3A_81, %swap3A_82] {strides = array<i32>} : memref<200x128xf32, #tpu.memory_space<vmem>>, vector<16xf32>,
        tpu.vector_store %arg15[%swap3A_81, %swap3A_82], %mul3A_80 {strides = array<i32>} : memref<200x128xf32, #tpu.memory_space<vmem>>, vector<16xf32>,
        %get3A_84 = arith.index_cast %add3A_43 : i32 to index
        %get3A_85 = arith.constant 96 : index
        %get3A_86 = tpu.vector_load %arg15[%get3A_84, %get3A_85] {strides = array<i32>} : memref<200x128xf32, #tpu.memory_space<vmem>>, vector<16xf32>,
        %mul3A_87 = arith.mulf %get3A_86, %gather3A : vector<16xf32>
        %swap3A_88 = arith.index_cast %add3A_43 : i32 to index
        %swap3A_89 = arith.constant 96 : index
        %swap3A_90 = tpu.vector_load %arg15[%swap3A_88, %swap3A_89] {strides = array<i32>} : memref<200x128xf32, #tpu.memory_space<vmem>>, vector<16xf32>,
        tpu.vector_store %arg15[%swap3A_88, %swap3A_89], %mul3A_87 {strides = array<i32>} : memref<200x128xf32, #tpu.memory_space<vmem>>, vector<16xf32>,
        %get3A_91 = arith.index_cast %add3A_43 : i32 to index
        %get3A_92 = arith.constant 112 : index
        %get3A_93 = tpu.vector_load %arg15[%get3A_91, %get3A_92] {strides = array<i32>} : memref<200x128xf32, #tpu.memory_space<vmem>>, vector<16xf32>,
        %mul3A_94 = arith.mulf %get3A_93, %gather3A : vector<16xf32>
        %swap3A_95 = arith.index_cast %add3A_43 : i32 to index
        %swap3A_96 = arith.constant 112 : index
        %swap3A_97 = tpu.vector_load %arg15[%swap3A_95, %swap3A_96] {strides = array<i32>} : memref<200x128xf32, #tpu.memory_space<vmem>>, vector<16xf32>,
        tpu.vector_store %arg15[%swap3A_95, %swap3A_96], %mul3A_94 {strides = array<i32>} : memref<200x128xf32, #tpu.memory_space<vmem>>, vector<16xf32>,
      }
      %scan3A_38 = arith.constant 200 : i32
      "tpu.region"() ({
        %run_scoped3A = tpu.sem_alloc : memref<!tpu.dma_semaphore, #tpu.memory_space<semaphore_mem>>
        %dma_start3A = arith.constant 0 : i32
        %dma_start3A_39 = arith.constant 0 : i32
        %dma_start3A_40 = tpu.memref_slice %arg16[%dma_start3A, %dma_start3A_39] : memref<10240x128xf32, #tpu.memory_space<vmem_shared>> -> memref<10240x128xf32, #tpu.memory_space<vmem_shared>>
        tpu.enqueue_indirect_dma source(%arg15 : memref<200x128xf32, #tpu.memory_space<vmem>>) target(%dma_start3A_40 : memref<10240x128xf32, #tpu.memory_space<vmem_shared>>) offsets(%arg11 : memref<200xi32, #tpu.memory_space<vmem>>) semaphore(%run_scoped3A : memref<!tpu.dma_semaphore, #tpu.memory_space<semaphore_mem>>) {add = true}
        %dma_wait3A = arith.constant 0 : i32
        %dma_wait3A_41 = arith.constant 0 : i32
        %dma_wait3A_42 = tpu.memref_slice %arg16[%dma_wait3A, %dma_wait3A_41] : memref<10240x128xf32, #tpu.memory_space<vmem_shared>> -> memref<10240x128xf32, #tpu.memory_space<vmem_shared>>
        tpu.wait_indirect_dma semaphore(%run_scoped3A : memref<!tpu.dma_semaphore, #tpu.memory_space<semaphore_mem>>) src(%arg15 : memref<200x128xf32, #tpu.memory_space<vmem>>) dst(%dma_wait3A_42 : memref<10240x128xf32, #tpu.memory_space<vmem_shared>>)
        tpu.yield
      }) : () -> ()
    }
    %scan3A_15 = arith.constant 50 : i32
    %barrier3A_16 = arith.constant 0 : index
    tpu.barrier barrier_id(%barrier3A_16)
    %mul3A_17 = arith.constant 640 : i32
    %mul3A_18 = arith.muli %mul3A_17, %arg1 : i32
    %mul3A_19 = arith.constant 640 : i32
    %mul3A_20 = arith.muli %mul3A_19, %arg1 : i32
    "tpu.region"() ({
      %run_scoped3A = tpu.sem_alloc : memref<!tpu.dma_semaphore, #tpu.memory_space<semaphore_mem>>
      %dma_start3A = arith.constant 0 : i32
      %dma_start3A_21 = tpu.memref_slice %arg8[%arg0, %mul3A_20, %dma_start3A] : memref<2x10240x128xf32, #tpu.memory_space<hbm>> -> memref<1x640x128xf32, #tpu.memory_space<hbm>>
      %dma_start3A_22 = tpu.memref_squeeze %dma_start3A_21 : memref<1x640x128xf32, #tpu.memory_space<hbm>> -> memref<640x128xf32, #tpu.memory_space<hbm>>
      %dma_start3A_23 = arith.constant 0 : i32
      %dma_start3A_24 = tpu.memref_slice %arg16[%mul3A_18, %dma_start3A_23] : memref<10240x128xf32, #tpu.memory_space<vmem_shared>> -> memref<640x128xf32, #tpu.memory_space<vmem_shared>>
      tpu.enqueue_dma source(%dma_start3A_24 : memref<640x128xf32, #tpu.memory_space<vmem_shared>>) target(%dma_start3A_22 : memref<640x128xf32, #tpu.memory_space<hbm>>) target_semaphore(%run_scoped3A : memref<!tpu.dma_semaphore, #tpu.memory_space<semaphore_mem>>)
      %dma_wait3A = arith.constant 0 : i32
      %dma_wait3A_25 = tpu.memref_slice %arg8[%arg0, %mul3A_20, %dma_wait3A] : memref<2x10240x128xf32, #tpu.memory_space<hbm>> -> memref<1x640x128xf32, #tpu.memory_space<hbm>>
      %dma_wait3A_26 = tpu.memref_squeeze %dma_wait3A_25 : memref<1x640x128xf32, #tpu.memory_space<hbm>> -> memref<640x128xf32, #tpu.memory_space<hbm>>
      %dma_wait3A_27 = arith.constant 0 : i32
      %dma_wait3A_28 = tpu.memref_slice %arg16[%mul3A_18, %dma_wait3A_27] : memref<10240x128xf32, #tpu.memory_space<vmem_shared>> -> memref<640x128xf32, #tpu.memory_space<vmem_shared>>
      tpu.wait_dma2 semaphore(%run_scoped3A : memref<!tpu.dma_semaphore, #tpu.memory_space<semaphore_mem>>) src(%dma_wait3A_28 : memref<640x128xf32, #tpu.memory_space<vmem_shared>>) dst(%dma_wait3A_26 : memref<640x128xf32, #tpu.memory_space<hbm>>)
      tpu.yield
    }) : () -> ()
    return
  }
}

#map = affine_map<(d0, d1) -> (0, 0)>
#map1 = affine_map<(d0, d1) -> (0)>
module attributes {stable_mosaic.version = 14 : i64} {
  func.func @body(%arg0: i32, %arg1: i32, %arg2: memref<10000x128xf32, #tpu.memory_space<hbm>>, %arg3: memref<320000xi32, #tpu.memory_space<hbm>>, %arg4: memref<320000xi32, #tpu.memory_space<hbm>>, %arg5: memref<320x128xf32, #tpu.memory_space<hbm>>, %arg6: memref<10000x128xf32, #tpu.memory_space<hbm>>, %arg7: memref<320x128xf32, #tpu.memory_space<vmem>>, %arg8: memref<2000xi32, #tpu.memory_space<vmem>>, %arg9: memref<2000xi32, #tpu.memory_space<vmem>>, %arg10: memref<272xi32, #tpu.memory_space<vmem>>, %arg11: memref<272xi32, #tpu.memory_space<vmem>>, %arg12: memref<272x128xf32, #tpu.memory_space<vmem>>) attributes {dimension_semantics = [#tpu.dimension_semantics<core_parallel>, #tpu.dimension_semantics<subcore_parallel>], iteration_bounds = array<i64: 2, 16>, scalar_prefetch = 0 : i64, scratch_operands = 6 : i64, tpu.core_type = #tpu.core_type<sc_vector_subcore>, window_params = [{transform_indices = #map}, {transform_indices = #map1}, {transform_indices = #map1}, {transform_indices = #map}, {transform_indices = #map}]} {
    %mul3A = arith.constant 2 : i32
    %mul3A_0 = arith.muli %arg1, %mul3A : i32
    %add3A = arith.addi %mul3A_0, %arg0 : i32
    %mul3A_1 = arith.constant 320 : i32
    %mul3A_2 = arith.muli %add3A, %mul3A_1 : i32
    "tpu.region"() ({
      %run_scoped3A = tpu.sem_alloc : memref<!tpu.dma_semaphore, #tpu.memory_space<semaphore_mem>>
      tpu.enqueue_dma source(%arg5 : memref<320x128xf32, #tpu.memory_space<hbm>>) target(%arg7 : memref<320x128xf32, #tpu.memory_space<vmem>>) target_semaphore(%run_scoped3A : memref<!tpu.dma_semaphore, #tpu.memory_space<semaphore_mem>>)
      tpu.wait_dma2 semaphore(%run_scoped3A : memref<!tpu.dma_semaphore, #tpu.memory_space<semaphore_mem>>) src(%arg5 : memref<320x128xf32, #tpu.memory_space<hbm>>) dst(%arg7 : memref<320x128xf32, #tpu.memory_space<vmem>>)
      tpu.yield
    }) : () -> ()
    %scan3A = arith.constant 0 : i32
    %scan3A_3 = arith.constant 17 : i32
    %scan3A_4 = arith.addi %scan3A, %scan3A_3 : i32
    %scan3A_5 = arith.constant 1 : i32
    scf.for %scan3A_54 = %scan3A to %scan3A_4 step %scan3A_5  : i32 {
      %mul3A_55 = arith.constant 16 : i32
      %mul3A_56 = arith.muli %scan3A_54, %mul3A_55 : i32
      %add3A_57 = arith.constant 0 : i32
      %add3A_58 = arith.addi %add3A_57, %mul3A_56 : i32
      %broadcast_in_dim3A_59 = arith.constant 0 : i32
      %broadcast_in_dim3A_60 = vector.broadcast %broadcast_in_dim3A_59 : i32 to vector<16xi32>
      %swap3A = arith.index_cast %add3A_58 : i32 to index
      %swap3A_61 = tpu.vector_load %arg10[%swap3A] {strides = array<i32>} : memref<272xi32, #tpu.memory_space<vmem>>, vector<16xi32>,
      tpu.vector_store %arg10[%swap3A], %broadcast_in_dim3A_60 {strides = array<i32>} : memref<272xi32, #tpu.memory_space<vmem>>, vector<16xi32>,
      %broadcast_in_dim3A_62 = arith.constant 0 : i32
      %broadcast_in_dim3A_63 = vector.broadcast %broadcast_in_dim3A_62 : i32 to vector<16xi32>
      %swap3A_64 = arith.index_cast %add3A_58 : i32 to index
      %swap3A_65 = tpu.vector_load %arg11[%swap3A_64] {strides = array<i32>} : memref<272xi32, #tpu.memory_space<vmem>>, vector<16xi32>,
      tpu.vector_store %arg11[%swap3A_64], %broadcast_in_dim3A_63 {strides = array<i32>} : memref<272xi32, #tpu.memory_space<vmem>>, vector<16xi32>,
    }
    %scan3A_6 = arith.constant 17 : i32
    %iota3A = tpu.iota {dimensions = array<i32: 0>} : vector<16xi32>
    %add3A_7 = arith.constant 0 : i32
    %add3A_8 = vector.broadcast %add3A_7 : i32 to vector<16xi32>
    %add3A_9 = arith.addi %iota3A, %add3A_8 : vector<16xi32>
    %add3A_10 = arith.constant 16 : i32
    %add3A_11 = vector.broadcast %add3A_10 : i32 to vector<16xi32>
    %add3A_12 = arith.addi %iota3A, %add3A_11 : vector<16xi32>
    %add3A_13 = arith.constant 32 : i32
    %add3A_14 = vector.broadcast %add3A_13 : i32 to vector<16xi32>
    %add3A_15 = arith.addi %iota3A, %add3A_14 : vector<16xi32>
    %add3A_16 = arith.constant 48 : i32
    %add3A_17 = vector.broadcast %add3A_16 : i32 to vector<16xi32>
    %add3A_18 = arith.addi %iota3A, %add3A_17 : vector<16xi32>
    %add3A_19 = arith.constant 64 : i32
    %add3A_20 = vector.broadcast %add3A_19 : i32 to vector<16xi32>
    %add3A_21 = arith.addi %iota3A, %add3A_20 : vector<16xi32>
    %add3A_22 = arith.constant 80 : i32
    %add3A_23 = vector.broadcast %add3A_22 : i32 to vector<16xi32>
    %add3A_24 = arith.addi %iota3A, %add3A_23 : vector<16xi32>
    %add3A_25 = arith.constant 96 : i32
    %add3A_26 = vector.broadcast %add3A_25 : i32 to vector<16xi32>
    %add3A_27 = arith.addi %iota3A, %add3A_26 : vector<16xi32>
    %add3A_28 = arith.constant 112 : i32
    %add3A_29 = vector.broadcast %add3A_28 : i32 to vector<16xi32>
    %add3A_30 = arith.addi %iota3A, %add3A_29 : vector<16xi32>
    %broadcast_in_dim3A = vector.broadcast %mul3A_2 : i32 to vector<16xi32>
    %scan3A_31 = arith.constant 0 : i32
    %scan3A_32 = arith.constant 0 : i32
    %scan3A_33 = arith.constant 160 : i32
    %scan3A_34 = arith.addi %scan3A_32, %scan3A_33 : i32
    %scan3A_35 = arith.constant 1 : i32
    %scan3A_36 = scf.for %scan3A_54 = %scan3A_32 to %scan3A_34 step %scan3A_35 iter_args(%scan3A_55 = %scan3A_31) -> (i32)  : i32 {
      %mul3A_56 = arith.constant 2000 : i32
      %mul3A_57 = arith.muli %scan3A_54, %mul3A_56 : i32
      "tpu.region"() ({
        %run_scoped3A = tpu.sem_alloc : memref<!tpu.dma_semaphore, #tpu.memory_space<semaphore_mem>>
        %dma_start3A = tpu.memref_slice %arg3[%mul3A_57] : memref<320000xi32, #tpu.memory_space<hbm>> -> memref<2000xi32, #tpu.memory_space<hbm>>
        %dma_start3A_64 = tpu.memref_slice %arg3[%mul3A_57] : memref<320000xi32, #tpu.memory_space<hbm>> -> memref<2000xi32, #tpu.memory_space<hbm>>
        tpu.enqueue_dma source(%dma_start3A_64 : memref<2000xi32, #tpu.memory_space<hbm>>) target(%arg8 : memref<2000xi32, #tpu.memory_space<vmem>>) target_semaphore(%run_scoped3A : memref<!tpu.dma_semaphore, #tpu.memory_space<semaphore_mem>>)
        %dma_wait3A = tpu.memref_slice %arg3[%mul3A_57] : memref<320000xi32, #tpu.memory_space<hbm>> -> memref<2000xi32, #tpu.memory_space<hbm>>
        %dma_wait3A_65 = tpu.memref_slice %arg3[%mul3A_57] : memref<320000xi32, #tpu.memory_space<hbm>> -> memref<2000xi32, #tpu.memory_space<hbm>>
        tpu.wait_dma2 semaphore(%run_scoped3A : memref<!tpu.dma_semaphore, #tpu.memory_space<semaphore_mem>>) src(%dma_wait3A_65 : memref<2000xi32, #tpu.memory_space<hbm>>) dst(%arg8 : memref<2000xi32, #tpu.memory_space<vmem>>)
        tpu.yield
      }) : () -> ()
      "tpu.region"() ({
        %run_scoped3A = tpu.sem_alloc : memref<!tpu.dma_semaphore, #tpu.memory_space<semaphore_mem>>
        %dma_start3A = tpu.memref_slice %arg4[%mul3A_57] : memref<320000xi32, #tpu.memory_space<hbm>> -> memref<2000xi32, #tpu.memory_space<hbm>>
        %dma_start3A_64 = tpu.memref_slice %arg4[%mul3A_57] : memref<320000xi32, #tpu.memory_space<hbm>> -> memref<2000xi32, #tpu.memory_space<hbm>>
        tpu.enqueue_dma source(%dma_start3A_64 : memref<2000xi32, #tpu.memory_space<hbm>>) target(%arg9 : memref<2000xi32, #tpu.memory_space<vmem>>) target_semaphore(%run_scoped3A : memref<!tpu.dma_semaphore, #tpu.memory_space<semaphore_mem>>)
        %dma_wait3A = tpu.memref_slice %arg4[%mul3A_57] : memref<320000xi32, #tpu.memory_space<hbm>> -> memref<2000xi32, #tpu.memory_space<hbm>>
        %dma_wait3A_65 = tpu.memref_slice %arg4[%mul3A_57] : memref<320000xi32, #tpu.memory_space<hbm>> -> memref<2000xi32, #tpu.memory_space<hbm>>
        tpu.wait_dma2 semaphore(%run_scoped3A : memref<!tpu.dma_semaphore, #tpu.memory_space<semaphore_mem>>) src(%dma_wait3A_65 : memref<2000xi32, #tpu.memory_space<hbm>>) dst(%arg9 : memref<2000xi32, #tpu.memory_space<vmem>>)
        tpu.yield
      }) : () -> ()
      %scan3A_58 = arith.constant 0 : i32
      %scan3A_59 = arith.constant 125 : i32
      %scan3A_60 = arith.addi %scan3A_58, %scan3A_59 : i32
      %scan3A_61 = arith.constant 1 : i32
      %scan3A_62 = scf.for %scan3A_64 = %scan3A_58 to %scan3A_60 step %scan3A_61 iter_args(%scan3A_65 = %scan3A_55) -> (i32)  : i32 {
        %mul3A_66 = arith.constant 16 : i32
        %mul3A_67 = arith.muli %scan3A_64, %mul3A_66 : i32
        %get3A = arith.index_cast %mul3A_67 : i32 to index
        %get3A_68 = tpu.vector_load %arg8[%get3A] {strides = array<i32>} : memref<2000xi32, #tpu.memory_space<vmem>>, vector<16xi32>,
        %get3A_69 = arith.index_cast %mul3A_67 : i32 to index
        %get3A_70 = tpu.vector_load %arg9[%get3A_69] {strides = array<i32>} : memref<2000xi32, #tpu.memory_space<vmem>>, vector<16xi32>,
        %ge3A = arith.cmpi sge, %get3A_70, %broadcast_in_dim3A : vector<16xi32>
        %add3A_71 = arith.constant 320 : i32
        %add3A_72 = vector.broadcast %add3A_71 : i32 to vector<16xi32>
        %add3A_73 = arith.addi %broadcast_in_dim3A, %add3A_72 : vector<16xi32>
        %lt3A = arith.cmpi slt, %get3A_70, %add3A_73 : vector<16xi32>
        %and3A = arith.andi %ge3A, %lt3A : vector<16xi1>
        %convert_element_type3A_74 = arith.extui %and3A : vector<16xi1> to vector<16xi32>
        %reduce_sum3A = arith.constant true
        %reduce_sum3A_75 = vector.broadcast %reduce_sum3A : i1 to vector<16xi1>
        %reduce_sum3A_76 = tpu.scan <sum>, %convert_element_type3A_74 masked %reduce_sum3A_75 : vector<16xi32>, vector<16xi1> -> vector<16xi32>
        %reduce_sum3A_77 = vector.extract %reduce_sum3A_76[15] : i32 from vector<16xi32>
        %ne3A = arith.constant 0 : i32
        %ne3A_78 = arith.cmpi ne, %reduce_sum3A_77, %ne3A : i32
        %convert_element_type3A_79 = arith.extui %ne3A_78 : i1 to i32
        %cond3A_80 = arith.constant 0 : i32
        %cond3A_81 = arith.cmpi ne, %convert_element_type3A_79, %cond3A_80 : i32
        scf.if %cond3A_81 {
          %broadcast_in_dim3A_92 = vector.broadcast %scan3A_65 : i32 to vector<16xi32>
          %broadcast_in_dim3A_93 = arith.constant true
          %broadcast_in_dim3A_94 = vector.broadcast %broadcast_in_dim3A_93 : i1 to vector<16xi1>
          %masked_cumsum3A = tpu.scan <sum>, %convert_element_type3A_74 masked %broadcast_in_dim3A_94 : vector<16xi32>, vector<16xi1> -> vector<16xi32>
          %add3A_95 = arith.addi %broadcast_in_dim3A_92, %masked_cumsum3A : vector<16xi32>
          %sub3A_96 = arith.constant 1 : i32
          %sub3A_97 = vector.broadcast %sub3A_96 : i32 to vector<16xi32>
          %sub3A_98 = arith.subi %add3A_95, %sub3A_97 : vector<16xi32>
          %sub3A_99 = arith.subi %get3A_70, %broadcast_in_dim3A : vector<16xi32>
          tpu.vector_store_idx %arg11[%sub3A_98], %sub3A_99 masked %and3A : memref<272xi32, #tpu.memory_space<vmem>>[vector<16xi32>], vector<16xi32>, vector<16xi1>
          tpu.vector_store_idx %arg10[%sub3A_98], %get3A_68 masked %and3A : memref<272xi32, #tpu.memory_space<vmem>>[vector<16xi32>], vector<16xi32>, vector<16xi1>
        } else {
        }
        %add3A_82 = arith.addi %scan3A_65, %reduce_sum3A_77 : i32
        %ge3A_83 = arith.constant 256 : i32
        %ge3A_84 = arith.cmpi sge, %add3A_82, %ge3A_83 : i32
        %convert_element_type3A_85 = arith.extui %ge3A_84 : i1 to i32
        %eq3A = arith.constant 1 : i32
        %eq3A_86 = arith.cmpi eq, %convert_element_type3A_85, %eq3A : i32
        %convert_element_type3A_87 = arith.extui %eq3A_86 : i1 to i32
        %cond3A_88 = arith.constant 0 : i32
        %cond3A_89 = arith.cmpi ne, %convert_element_type3A_87, %cond3A_88 : i32
        scf.if %cond3A_89 {
          "tpu.region"() ({
            %run_scoped3A = tpu.sem_alloc : memref<!tpu.dma_semaphore, #tpu.memory_space<semaphore_mem>>
            %dma_start3A = arith.constant 0 : i32
            %dma_start3A_110 = arith.constant 0 : i32
            %dma_start3A_111 = tpu.memref_slice %arg2[%dma_start3A, %dma_start3A_110] : memref<10000x128xf32, #tpu.memory_space<hbm>> -> memref<10000x128xf32, #tpu.memory_space<hbm>>
            tpu.enqueue_indirect_dma source(%dma_start3A_111 : memref<10000x128xf32, #tpu.memory_space<hbm>>) target(%arg12 : memref<272x128xf32, #tpu.memory_space<vmem>>) offsets(%arg10 : memref<272xi32, #tpu.memory_space<vmem>>) semaphore(%run_scoped3A : memref<!tpu.dma_semaphore, #tpu.memory_space<semaphore_mem>>)
            %dma_wait3A = arith.constant 0 : i32
            %dma_wait3A_112 = arith.constant 0 : i32
            %dma_wait3A_113 = tpu.memref_slice %arg2[%dma_wait3A, %dma_wait3A_112] : memref<10000x128xf32, #tpu.memory_space<hbm>> -> memref<10000x128xf32, #tpu.memory_space<hbm>>
            tpu.wait_indirect_dma semaphore(%run_scoped3A : memref<!tpu.dma_semaphore, #tpu.memory_space<semaphore_mem>>) src(%dma_wait3A_113 : memref<10000x128xf32, #tpu.memory_space<hbm>>) dst(%arg12 : memref<272x128xf32, #tpu.memory_space<vmem>>)
            tpu.yield
          }) : () -> ()
          %broadcast_in_dim3A_92 = arith.constant 256 : i32
          %broadcast_in_dim3A_93 = vector.broadcast %broadcast_in_dim3A_92 : i32 to vector<16xi32>
          %scan3A_94 = arith.constant 0 : i32
          %scan3A_95 = arith.constant 272 : i32
          %scan3A_96 = arith.addi %scan3A_94, %scan3A_95 : i32
          %scan3A_97 = arith.constant 1 : i32
          scf.for %scan3A_110 = %scan3A_94 to %scan3A_96 step %scan3A_97  : i32 {
            %mul3A_111 = arith.constant 1 : i32
            %mul3A_112 = arith.muli %scan3A_110, %mul3A_111 : i32
            %add3A_113 = arith.constant 0 : i32
            %add3A_114 = arith.addi %add3A_113, %mul3A_112 : i32
            %broadcast_in_dim3A_115 = vector.broadcast %add3A_114 : i32 to vector<16xi32>
            %lt3A_116 = arith.cmpi slt, %broadcast_in_dim3A_115, %broadcast_in_dim3A_93 : vector<16xi32>
            %gather3A_117 = tpu.vector_load_idx %arg11[%broadcast_in_dim3A_115] : memref<272xi32, #tpu.memory_space<vmem>>[vector<16xi32>], vector<16xi32>,
            %get3A_118 = arith.index_cast %add3A_114 : i32 to index
            %get3A_119 = arith.constant 0 : index
            %get3A_120 = tpu.vector_load %arg12[%get3A_118, %get3A_119] {strides = array<i32>} : memref<272x128xf32, #tpu.memory_space<vmem>>, vector<16xf32>,
            %gather3A_121 = tpu.vector_load_idx %arg7[%gather3A_117, %add3A_9] : memref<320x128xf32, #tpu.memory_space<vmem>>[vector<16xi32>, vector<16xi32>], vector<16xf32>,
            %min3A = arith.minimumf %gather3A_121, %get3A_120 : vector<16xf32>
            tpu.vector_store_idx %arg7[%gather3A_117, %add3A_9], %min3A masked %lt3A_116 : memref<320x128xf32, #tpu.memory_space<vmem>>[vector<16xi32>, vector<16xi32>], vector<16xf32>, vector<16xi1>
            %get3A_122 = arith.index_cast %add3A_114 : i32 to index
            %get3A_123 = arith.constant 16 : index
            %get3A_124 = tpu.vector_load %arg12[%get3A_122, %get3A_123] {strides = array<i32>} : memref<272x128xf32, #tpu.memory_space<vmem>>, vector<16xf32>,
            %gather3A_125 = tpu.vector_load_idx %arg7[%gather3A_117, %add3A_12] : memref<320x128xf32, #tpu.memory_space<vmem>>[vector<16xi32>, vector<16xi32>], vector<16xf32>,
            %min3A_126 = arith.minimumf %gather3A_125, %get3A_124 : vector<16xf32>
            tpu.vector_store_idx %arg7[%gather3A_117, %add3A_12], %min3A_126 masked %lt3A_116 : memref<320x128xf32, #tpu.memory_space<vmem>>[vector<16xi32>, vector<16xi32>], vector<16xf32>, vector<16xi1>
            %get3A_127 = arith.index_cast %add3A_114 : i32 to index
            %get3A_128 = arith.constant 32 : index
            %get3A_129 = tpu.vector_load %arg12[%get3A_127, %get3A_128] {strides = array<i32>} : memref<272x128xf32, #tpu.memory_space<vmem>>, vector<16xf32>,
            %gather3A_130 = tpu.vector_load_idx %arg7[%gather3A_117, %add3A_15] : memref<320x128xf32, #tpu.memory_space<vmem>>[vector<16xi32>, vector<16xi32>], vector<16xf32>,
            %min3A_131 = arith.minimumf %gather3A_130, %get3A_129 : vector<16xf32>
            tpu.vector_store_idx %arg7[%gather3A_117, %add3A_15], %min3A_131 masked %lt3A_116 : memref<320x128xf32, #tpu.memory_space<vmem>>[vector<16xi32>, vector<16xi32>], vector<16xf32>, vector<16xi1>
            %get3A_132 = arith.index_cast %add3A_114 : i32 to index
            %get3A_133 = arith.constant 48 : index
            %get3A_134 = tpu.vector_load %arg12[%get3A_132, %get3A_133] {strides = array<i32>} : memref<272x128xf32, #tpu.memory_space<vmem>>, vector<16xf32>,
            %gather3A_135 = tpu.vector_load_idx %arg7[%gather3A_117, %add3A_18] : memref<320x128xf32, #tpu.memory_space<vmem>>[vector<16xi32>, vector<16xi32>], vector<16xf32>,
            %min3A_136 = arith.minimumf %gather3A_135, %get3A_134 : vector<16xf32>
            tpu.vector_store_idx %arg7[%gather3A_117, %add3A_18], %min3A_136 masked %lt3A_116 : memref<320x128xf32, #tpu.memory_space<vmem>>[vector<16xi32>, vector<16xi32>], vector<16xf32>, vector<16xi1>
            %get3A_137 = arith.index_cast %add3A_114 : i32 to index
            %get3A_138 = arith.constant 64 : index
            %get3A_139 = tpu.vector_load %arg12[%get3A_137, %get3A_138] {strides = array<i32>} : memref<272x128xf32, #tpu.memory_space<vmem>>, vector<16xf32>,
            %gather3A_140 = tpu.vector_load_idx %arg7[%gather3A_117, %add3A_21] : memref<320x128xf32, #tpu.memory_space<vmem>>[vector<16xi32>, vector<16xi32>], vector<16xf32>,
            %min3A_141 = arith.minimumf %gather3A_140, %get3A_139 : vector<16xf32>
            tpu.vector_store_idx %arg7[%gather3A_117, %add3A_21], %min3A_141 masked %lt3A_116 : memref<320x128xf32, #tpu.memory_space<vmem>>[vector<16xi32>, vector<16xi32>], vector<16xf32>, vector<16xi1>
            %get3A_142 = arith.index_cast %add3A_114 : i32 to index
            %get3A_143 = arith.constant 80 : index
            %get3A_144 = tpu.vector_load %arg12[%get3A_142, %get3A_143] {strides = array<i32>} : memref<272x128xf32, #tpu.memory_space<vmem>>, vector<16xf32>,
            %gather3A_145 = tpu.vector_load_idx %arg7[%gather3A_117, %add3A_24] : memref<320x128xf32, #tpu.memory_space<vmem>>[vector<16xi32>, vector<16xi32>], vector<16xf32>,
            %min3A_146 = arith.minimumf %gather3A_145, %get3A_144 : vector<16xf32>
            tpu.vector_store_idx %arg7[%gather3A_117, %add3A_24], %min3A_146 masked %lt3A_116 : memref<320x128xf32, #tpu.memory_space<vmem>>[vector<16xi32>, vector<16xi32>], vector<16xf32>, vector<16xi1>
            %get3A_147 = arith.index_cast %add3A_114 : i32 to index
            %get3A_148 = arith.constant 96 : index
            %get3A_149 = tpu.vector_load %arg12[%get3A_147, %get3A_148] {strides = array<i32>} : memref<272x128xf32, #tpu.memory_space<vmem>>, vector<16xf32>,
            %gather3A_150 = tpu.vector_load_idx %arg7[%gather3A_117, %add3A_27] : memref<320x128xf32, #tpu.memory_space<vmem>>[vector<16xi32>, vector<16xi32>], vector<16xf32>,
            %min3A_151 = arith.minimumf %gather3A_150, %get3A_149 : vector<16xf32>
            tpu.vector_store_idx %arg7[%gather3A_117, %add3A_27], %min3A_151 masked %lt3A_116 : memref<320x128xf32, #tpu.memory_space<vmem>>[vector<16xi32>, vector<16xi32>], vector<16xf32>, vector<16xi1>
            %get3A_152 = arith.index_cast %add3A_114 : i32 to index
            %get3A_153 = arith.constant 112 : index
            %get3A_154 = tpu.vector_load %arg12[%get3A_152, %get3A_153] {strides = array<i32>} : memref<272x128xf32, #tpu.memory_space<vmem>>, vector<16xf32>,
            %gather3A_155 = tpu.vector_load_idx %arg7[%gather3A_117, %add3A_30] : memref<320x128xf32, #tpu.memory_space<vmem>>[vector<16xi32>, vector<16xi32>], vector<16xf32>,
            %min3A_156 = arith.minimumf %gather3A_155, %get3A_154 : vector<16xf32>
            tpu.vector_store_idx %arg7[%gather3A_117, %add3A_30], %min3A_156 masked %lt3A_116 : memref<320x128xf32, #tpu.memory_space<vmem>>[vector<16xi32>, vector<16xi32>], vector<16xf32>, vector<16xi1>
          }
          %scan3A_98 = arith.constant 272 : i32
          %sub3A_99 = arith.constant 256 : i32
          %sub3A_100 = arith.subi %add3A_82, %sub3A_99 : i32
          %broadcast_in_dim3A_101 = vector.broadcast %sub3A_100 : i32 to vector<16xi32>
          %lt3A_102 = arith.cmpi slt, %iota3A, %broadcast_in_dim3A_101 : vector<16xi32>
          %add3A_103 = arith.constant 256 : i32
          %add3A_104 = vector.broadcast %add3A_103 : i32 to vector<16xi32>
          %add3A_105 = arith.addi %iota3A, %add3A_104 : vector<16xi32>
          %gather3A = tpu.vector_load_idx %arg11[%add3A_105] : memref<272xi32, #tpu.memory_space<vmem>>[vector<16xi32>], vector<16xi32>,
          %add3A_106 = arith.constant 256 : i32
          %add3A_107 = vector.broadcast %add3A_106 : i32 to vector<16xi32>
          %add3A_108 = arith.addi %iota3A, %add3A_107 : vector<16xi32>
          %gather3A_109 = tpu.vector_load_idx %arg10[%add3A_108] : memref<272xi32, #tpu.memory_space<vmem>>[vector<16xi32>], vector<16xi32>,
          tpu.vector_store_idx %arg11[%iota3A], %gather3A masked %lt3A_102 : memref<272xi32, #tpu.memory_space<vmem>>[vector<16xi32>], vector<16xi32>, vector<16xi1>
          tpu.vector_store_idx %arg10[%iota3A], %gather3A_109 masked %lt3A_102 : memref<272xi32, #tpu.memory_space<vmem>>[vector<16xi32>], vector<16xi32>, vector<16xi1>
        } else {
        }
        %mul3A_90 = arith.constant 256 : i32
        %mul3A_91 = arith.muli %convert_element_type3A_85, %mul3A_90 : i32
        %sub3A = arith.subi %add3A_82, %mul3A_91 : i32
        scf.yield %sub3A : i32
      }
      %scan3A_63 = arith.constant 125 : i32
      scf.yield %scan3A_62 : i32
    }
    %scan3A_37 = arith.constant 160 : i32
    "tpu.region"() ({
      %run_scoped3A = tpu.sem_alloc : memref<!tpu.dma_semaphore, #tpu.memory_space<semaphore_mem>>
      %dma_start3A = arith.constant 0 : i32
      %dma_start3A_54 = arith.constant 0 : i32
      %dma_start3A_55 = tpu.memref_slice %arg2[%dma_start3A, %dma_start3A_54] : memref<10000x128xf32, #tpu.memory_space<hbm>> -> memref<10000x128xf32, #tpu.memory_space<hbm>>
      tpu.enqueue_indirect_dma source(%dma_start3A_55 : memref<10000x128xf32, #tpu.memory_space<hbm>>) target(%arg12 : memref<272x128xf32, #tpu.memory_space<vmem>>) offsets(%arg10 : memref<272xi32, #tpu.memory_space<vmem>>) semaphore(%run_scoped3A : memref<!tpu.dma_semaphore, #tpu.memory_space<semaphore_mem>>)
      %dma_wait3A = arith.constant 0 : i32
      %dma_wait3A_56 = arith.constant 0 : i32
      %dma_wait3A_57 = tpu.memref_slice %arg2[%dma_wait3A, %dma_wait3A_56] : memref<10000x128xf32, #tpu.memory_space<hbm>> -> memref<10000x128xf32, #tpu.memory_space<hbm>>
      tpu.wait_indirect_dma semaphore(%run_scoped3A : memref<!tpu.dma_semaphore, #tpu.memory_space<semaphore_mem>>) src(%dma_wait3A_57 : memref<10000x128xf32, #tpu.memory_space<hbm>>) dst(%arg12 : memref<272x128xf32, #tpu.memory_space<vmem>>)
      tpu.yield
    }) : () -> ()
    %broadcast_in_dim3A_38 = vector.broadcast %scan3A_36 : i32 to vector<16xi32>
    %scan3A_39 = arith.constant 0 : i32
    %scan3A_40 = arith.constant 272 : i32
    %scan3A_41 = arith.addi %scan3A_39, %scan3A_40 : i32
    %scan3A_42 = arith.constant 1 : i32
    scf.for %scan3A_54 = %scan3A_39 to %scan3A_41 step %scan3A_42  : i32 {
      %mul3A_55 = arith.constant 1 : i32
      %mul3A_56 = arith.muli %scan3A_54, %mul3A_55 : i32
      %add3A_57 = arith.constant 0 : i32
      %add3A_58 = arith.addi %add3A_57, %mul3A_56 : i32
      %broadcast_in_dim3A_59 = vector.broadcast %add3A_58 : i32 to vector<16xi32>
      %lt3A = arith.cmpi slt, %broadcast_in_dim3A_59, %broadcast_in_dim3A_38 : vector<16xi32>
      %gather3A = tpu.vector_load_idx %arg11[%broadcast_in_dim3A_59] : memref<272xi32, #tpu.memory_space<vmem>>[vector<16xi32>], vector<16xi32>,
      %get3A = arith.index_cast %add3A_58 : i32 to index
      %get3A_60 = arith.constant 0 : index
      %get3A_61 = tpu.vector_load %arg12[%get3A, %get3A_60] {strides = array<i32>} : memref<272x128xf32, #tpu.memory_space<vmem>>, vector<16xf32>,
      %gather3A_62 = tpu.vector_load_idx %arg7[%gather3A, %add3A_9] : memref<320x128xf32, #tpu.memory_space<vmem>>[vector<16xi32>, vector<16xi32>], vector<16xf32>,
      %min3A = arith.minimumf %gather3A_62, %get3A_61 : vector<16xf32>
      tpu.vector_store_idx %arg7[%gather3A, %add3A_9], %min3A masked %lt3A : memref<320x128xf32, #tpu.memory_space<vmem>>[vector<16xi32>, vector<16xi32>], vector<16xf32>, vector<16xi1>
      %get3A_63 = arith.index_cast %add3A_58 : i32 to index
      %get3A_64 = arith.constant 16 : index
      %get3A_65 = tpu.vector_load %arg12[%get3A_63, %get3A_64] {strides = array<i32>} : memref<272x128xf32, #tpu.memory_space<vmem>>, vector<16xf32>,
      %gather3A_66 = tpu.vector_load_idx %arg7[%gather3A, %add3A_12] : memref<320x128xf32, #tpu.memory_space<vmem>>[vector<16xi32>, vector<16xi32>], vector<16xf32>,
      %min3A_67 = arith.minimumf %gather3A_66, %get3A_65 : vector<16xf32>
      tpu.vector_store_idx %arg7[%gather3A, %add3A_12], %min3A_67 masked %lt3A : memref<320x128xf32, #tpu.memory_space<vmem>>[vector<16xi32>, vector<16xi32>], vector<16xf32>, vector<16xi1>
      %get3A_68 = arith.index_cast %add3A_58 : i32 to index
      %get3A_69 = arith.constant 32 : index
      %get3A_70 = tpu.vector_load %arg12[%get3A_68, %get3A_69] {strides = array<i32>} : memref<272x128xf32, #tpu.memory_space<vmem>>, vector<16xf32>,
      %gather3A_71 = tpu.vector_load_idx %arg7[%gather3A, %add3A_15] : memref<320x128xf32, #tpu.memory_space<vmem>>[vector<16xi32>, vector<16xi32>], vector<16xf32>,
      %min3A_72 = arith.minimumf %gather3A_71, %get3A_70 : vector<16xf32>
      tpu.vector_store_idx %arg7[%gather3A, %add3A_15], %min3A_72 masked %lt3A : memref<320x128xf32, #tpu.memory_space<vmem>>[vector<16xi32>, vector<16xi32>], vector<16xf32>, vector<16xi1>
      %get3A_73 = arith.index_cast %add3A_58 : i32 to index
      %get3A_74 = arith.constant 48 : index
      %get3A_75 = tpu.vector_load %arg12[%get3A_73, %get3A_74] {strides = array<i32>} : memref<272x128xf32, #tpu.memory_space<vmem>>, vector<16xf32>,
      %gather3A_76 = tpu.vector_load_idx %arg7[%gather3A, %add3A_18] : memref<320x128xf32, #tpu.memory_space<vmem>>[vector<16xi32>, vector<16xi32>], vector<16xf32>,
      %min3A_77 = arith.minimumf %gather3A_76, %get3A_75 : vector<16xf32>
      tpu.vector_store_idx %arg7[%gather3A, %add3A_18], %min3A_77 masked %lt3A : memref<320x128xf32, #tpu.memory_space<vmem>>[vector<16xi32>, vector<16xi32>], vector<16xf32>, vector<16xi1>
      %get3A_78 = arith.index_cast %add3A_58 : i32 to index
      %get3A_79 = arith.constant 64 : index
      %get3A_80 = tpu.vector_load %arg12[%get3A_78, %get3A_79] {strides = array<i32>} : memref<272x128xf32, #tpu.memory_space<vmem>>, vector<16xf32>,
      %gather3A_81 = tpu.vector_load_idx %arg7[%gather3A, %add3A_21] : memref<320x128xf32, #tpu.memory_space<vmem>>[vector<16xi32>, vector<16xi32>], vector<16xf32>,
      %min3A_82 = arith.minimumf %gather3A_81, %get3A_80 : vector<16xf32>
      tpu.vector_store_idx %arg7[%gather3A, %add3A_21], %min3A_82 masked %lt3A : memref<320x128xf32, #tpu.memory_space<vmem>>[vector<16xi32>, vector<16xi32>], vector<16xf32>, vector<16xi1>
      %get3A_83 = arith.index_cast %add3A_58 : i32 to index
      %get3A_84 = arith.constant 80 : index
      %get3A_85 = tpu.vector_load %arg12[%get3A_83, %get3A_84] {strides = array<i32>} : memref<272x128xf32, #tpu.memory_space<vmem>>, vector<16xf32>,
      %gather3A_86 = tpu.vector_load_idx %arg7[%gather3A, %add3A_24] : memref<320x128xf32, #tpu.memory_space<vmem>>[vector<16xi32>, vector<16xi32>], vector<16xf32>,
      %min3A_87 = arith.minimumf %gather3A_86, %get3A_85 : vector<16xf32>
      tpu.vector_store_idx %arg7[%gather3A, %add3A_24], %min3A_87 masked %lt3A : memref<320x128xf32, #tpu.memory_space<vmem>>[vector<16xi32>, vector<16xi32>], vector<16xf32>, vector<16xi1>
      %get3A_88 = arith.index_cast %add3A_58 : i32 to index
      %get3A_89 = arith.constant 96 : index
      %get3A_90 = tpu.vector_load %arg12[%get3A_88, %get3A_89] {strides = array<i32>} : memref<272x128xf32, #tpu.memory_space<vmem>>, vector<16xf32>,
      %gather3A_91 = tpu.vector_load_idx %arg7[%gather3A, %add3A_27] : memref<320x128xf32, #tpu.memory_space<vmem>>[vector<16xi32>, vector<16xi32>], vector<16xf32>,
      %min3A_92 = arith.minimumf %gather3A_91, %get3A_90 : vector<16xf32>
      tpu.vector_store_idx %arg7[%gather3A, %add3A_27], %min3A_92 masked %lt3A : memref<320x128xf32, #tpu.memory_space<vmem>>[vector<16xi32>, vector<16xi32>], vector<16xf32>, vector<16xi1>
      %get3A_93 = arith.index_cast %add3A_58 : i32 to index
      %get3A_94 = arith.constant 112 : index
      %get3A_95 = tpu.vector_load %arg12[%get3A_93, %get3A_94] {strides = array<i32>} : memref<272x128xf32, #tpu.memory_space<vmem>>, vector<16xf32>,
      %gather3A_96 = tpu.vector_load_idx %arg7[%gather3A, %add3A_30] : memref<320x128xf32, #tpu.memory_space<vmem>>[vector<16xi32>, vector<16xi32>], vector<16xf32>,
      %min3A_97 = arith.minimumf %gather3A_96, %get3A_95 : vector<16xf32>
      tpu.vector_store_idx %arg7[%gather3A, %add3A_30], %min3A_97 masked %lt3A : memref<320x128xf32, #tpu.memory_space<vmem>>[vector<16xi32>, vector<16xi32>], vector<16xf32>, vector<16xi1>
    }
    %scan3A_43 = arith.constant 272 : i32
    %add3A_44 = arith.constant 320 : i32
    %add3A_45 = arith.addi %mul3A_2, %add3A_44 : i32
    %le3A = arith.constant 10000 : i32
    %le3A_46 = arith.cmpi sle, %add3A_45, %le3A : i32
    %convert_element_type3A = arith.extui %le3A_46 : i1 to i32
    %cond3A = arith.constant 0 : i32
    %cond3A_47 = arith.cmpi ne, %convert_element_type3A, %cond3A : i32
    scf.if %cond3A_47 {
      "tpu.region"() ({
        %run_scoped3A = tpu.sem_alloc : memref<!tpu.dma_semaphore, #tpu.memory_space<semaphore_mem>>
        %dma_start3A = arith.constant 0 : i32
        %dma_start3A_54 = tpu.memref_slice %arg6[%mul3A_2, %dma_start3A] : memref<10000x128xf32, #tpu.memory_space<hbm>> -> memref<320x128xf32, #tpu.memory_space<hbm>>
        %dma_start3A_55 = arith.constant 0 : i32
        %dma_start3A_56 = tpu.memref_slice %arg6[%mul3A_2, %dma_start3A_55] : memref<10000x128xf32, #tpu.memory_space<hbm>> -> memref<320x128xf32, #tpu.memory_space<hbm>>
        tpu.enqueue_dma source(%arg7 : memref<320x128xf32, #tpu.memory_space<vmem>>) target(%dma_start3A_56 : memref<320x128xf32, #tpu.memory_space<hbm>>) target_semaphore(%run_scoped3A : memref<!tpu.dma_semaphore, #tpu.memory_space<semaphore_mem>>)
        %dma_wait3A = arith.constant 0 : i32
        %dma_wait3A_57 = tpu.memref_slice %arg6[%mul3A_2, %dma_wait3A] : memref<10000x128xf32, #tpu.memory_space<hbm>> -> memref<320x128xf32, #tpu.memory_space<hbm>>
        %dma_wait3A_58 = arith.constant 0 : i32
        %dma_wait3A_59 = tpu.memref_slice %arg6[%mul3A_2, %dma_wait3A_58] : memref<10000x128xf32, #tpu.memory_space<hbm>> -> memref<320x128xf32, #tpu.memory_space<hbm>>
        tpu.wait_dma2 semaphore(%run_scoped3A : memref<!tpu.dma_semaphore, #tpu.memory_space<semaphore_mem>>) src(%arg7 : memref<320x128xf32, #tpu.memory_space<vmem>>) dst(%dma_wait3A_59 : memref<320x128xf32, #tpu.memory_space<hbm>>)
        tpu.yield
      }) : () -> ()
    } else {
    }
    %add3A_48 = arith.constant 320 : i32
    %add3A_49 = arith.addi %mul3A_2, %add3A_48 : i32
    %gt3A = arith.constant 10000 : i32
    %gt3A_50 = arith.cmpi sgt, %add3A_49, %gt3A : i32
    %convert_element_type3A_51 = arith.extui %gt3A_50 : i1 to i32
    %cond3A_52 = arith.constant 0 : i32
    %cond3A_53 = arith.cmpi ne, %convert_element_type3A_51, %cond3A_52 : i32
    scf.if %cond3A_53 {
      "tpu.region"() ({
        %run_scoped3A = tpu.sem_alloc : memref<!tpu.dma_semaphore, #tpu.memory_space<semaphore_mem>>
        %dma_start3A = arith.constant 0 : i32
        %dma_start3A_54 = arith.constant 0 : i32
        %dma_start3A_55 = tpu.memref_slice %arg7[%dma_start3A, %dma_start3A_54] : memref<320x128xf32, #tpu.memory_space<vmem>> -> memref<80x128xf32, #tpu.memory_space<vmem>>
        %dma_start3A_56 = arith.constant 0 : i32
        %dma_start3A_57 = tpu.memref_slice %arg6[%mul3A_2, %dma_start3A_56] : memref<10000x128xf32, #tpu.memory_space<hbm>> -> memref<80x128xf32, #tpu.memory_space<hbm>>
        %dma_start3A_58 = arith.constant 0 : i32
        %dma_start3A_59 = tpu.memref_slice %arg6[%mul3A_2, %dma_start3A_58] : memref<10000x128xf32, #tpu.memory_space<hbm>> -> memref<80x128xf32, #tpu.memory_space<hbm>>
        %dma_start3A_60 = arith.constant 0 : i32
        %dma_start3A_61 = arith.constant 0 : i32
        %dma_start3A_62 = tpu.memref_slice %arg7[%dma_start3A_60, %dma_start3A_61] : memref<320x128xf32, #tpu.memory_space<vmem>> -> memref<80x128xf32, #tpu.memory_space<vmem>>
        tpu.enqueue_dma source(%dma_start3A_62 : memref<80x128xf32, #tpu.memory_space<vmem>>) target(%dma_start3A_59 : memref<80x128xf32, #tpu.memory_space<hbm>>) target_semaphore(%run_scoped3A : memref<!tpu.dma_semaphore, #tpu.memory_space<semaphore_mem>>)
        %dma_wait3A = arith.constant 0 : i32
        %dma_wait3A_63 = arith.constant 0 : i32
        %dma_wait3A_64 = tpu.memref_slice %arg7[%dma_wait3A, %dma_wait3A_63] : memref<320x128xf32, #tpu.memory_space<vmem>> -> memref<80x128xf32, #tpu.memory_space<vmem>>
        %dma_wait3A_65 = arith.constant 0 : i32
        %dma_wait3A_66 = tpu.memref_slice %arg6[%mul3A_2, %dma_wait3A_65] : memref<10000x128xf32, #tpu.memory_space<hbm>> -> memref<80x128xf32, #tpu.memory_space<hbm>>
        %dma_wait3A_67 = arith.constant 0 : i32
        %dma_wait3A_68 = tpu.memref_slice %arg6[%mul3A_2, %dma_wait3A_67] : memref<10000x128xf32, #tpu.memory_space<hbm>> -> memref<80x128xf32, #tpu.memory_space<hbm>>
        %dma_wait3A_69 = arith.constant 0 : i32
        %dma_wait3A_70 = arith.constant 0 : i32
        %dma_wait3A_71 = tpu.memref_slice %arg7[%dma_wait3A_69, %dma_wait3A_70] : memref<320x128xf32, #tpu.memory_space<vmem>> -> memref<80x128xf32, #tpu.memory_space<vmem>>
        tpu.wait_dma2 semaphore(%run_scoped3A : memref<!tpu.dma_semaphore, #tpu.memory_space<semaphore_mem>>) src(%dma_wait3A_71 : memref<80x128xf32, #tpu.memory_space<vmem>>) dst(%dma_wait3A_68 : memref<80x128xf32, #tpu.memory_space<hbm>>)
        tpu.yield
      }) : () -> ()
    } else {
    }
    return
  }
}

#map = affine_map<(d0, d1) -> (0, 0)>
#map1 = affine_map<(d0, d1) -> (0)>
#map2 = affine_map<(d0, d1) -> (0, 0, 0)>
module attributes {stable_mosaic.version = 14 : i64} {
  func.func @body(%arg0: i32, %arg1: i32, %arg2: memref<10000x128xf32, #tpu.memory_space<hbm>>, %arg3: memref<320000xi32, #tpu.memory_space<hbm>>, %arg4: memref<320000xi32, #tpu.memory_space<hbm>>, %arg5: memref<10000xf32, #tpu.memory_space<hbm>>, %arg6: memref<10000xf32, #tpu.memory_space<hbm>>, %arg7: memref<10240x128xf32, #tpu.memory_space<hbm>>, %arg8: memref<10000xf32, #tpu.memory_space<hbm>>, %arg9: memref<2x10240x128xf32, #tpu.memory_space<hbm>>, %arg10: memref<2x10000xf32, #tpu.memory_space<hbm>>, %arg11: memref<2x10000xf32, #tpu.memory_space<hbm>>, %arg12: memref<2x10000xf32, #tpu.memory_space<hbm>>, %arg13: memref<200xf32, #tpu.memory_space<vmem>>, %arg14: memref<200xf32, #tpu.memory_space<vmem>>, %arg15: memref<200xi32, #tpu.memory_space<vmem>>, %arg16: memref<200xi32, #tpu.memory_space<vmem>>, %arg17: memref<200xf32, #tpu.memory_space<vmem>>, %arg18: memref<200xf32, #tpu.memory_space<vmem>>, %arg19: memref<200x128xf32, #tpu.memory_space<vmem>>, %arg20: memref<10240x128xf32, #tpu.memory_space<vmem_shared>>, %arg21: memref<10000xf32, #tpu.memory_space<vmem_shared>>, %arg22: memref<10000xf32, #tpu.memory_space<vmem_shared>>, %arg23: memref<10000xf32, #tpu.memory_space<vmem_shared>>) attributes {dimension_semantics = [#tpu.dimension_semantics<core_parallel>, #tpu.dimension_semantics<subcore_parallel>], iteration_bounds = array<i64: 2, 16>, scalar_prefetch = 0 : i64, scratch_operands = 11 : i64, tpu.core_type = #tpu.core_type<sc_vector_subcore>, window_params = [{transform_indices = #map}, {transform_indices = #map1}, {transform_indices = #map1}, {transform_indices = #map1}, {transform_indices = #map1}, {transform_indices = #map}, {transform_indices = #map1}, {transform_indices = #map2}, {transform_indices = #map}, {transform_indices = #map}, {transform_indices = #map}]} {
    %mul3A = arith.constant 2 : i32
    %mul3A_0 = arith.muli %arg1, %mul3A : i32
    %add3A = arith.addi %mul3A_0, %arg0 : i32
    %mul3A_1 = arith.constant 640 : i32
    %mul3A_2 = arith.muli %mul3A_1, %arg1 : i32
    %mul3A_3 = arith.constant 640 : i32
    %mul3A_4 = arith.muli %mul3A_3, %arg1 : i32
    "tpu.region"() ({
      %run_scoped3A = tpu.sem_alloc : memref<!tpu.dma_semaphore, #tpu.memory_space<semaphore_mem>>
      %dma_start3A = arith.constant 0 : i32
      %dma_start3A_28 = tpu.memref_slice %arg20[%mul3A_4, %dma_start3A] : memref<10240x128xf32, #tpu.memory_space<vmem_shared>> -> memref<640x128xf32, #tpu.memory_space<vmem_shared>>
      %dma_start3A_29 = arith.constant 0 : i32
      %dma_start3A_30 = tpu.memref_slice %arg7[%mul3A_2, %dma_start3A_29] : memref<10240x128xf32, #tpu.memory_space<hbm>> -> memref<640x128xf32, #tpu.memory_space<hbm>>
      tpu.enqueue_dma source(%dma_start3A_30 : memref<640x128xf32, #tpu.memory_space<hbm>>) target(%dma_start3A_28 : memref<640x128xf32, #tpu.memory_space<vmem_shared>>) target_semaphore(%run_scoped3A : memref<!tpu.dma_semaphore, #tpu.memory_space<semaphore_mem>>)
      %dma_wait3A = arith.constant 0 : i32
      %dma_wait3A_31 = tpu.memref_slice %arg20[%mul3A_4, %dma_wait3A] : memref<10240x128xf32, #tpu.memory_space<vmem_shared>> -> memref<640x128xf32, #tpu.memory_space<vmem_shared>>
      %dma_wait3A_32 = arith.constant 0 : i32
      %dma_wait3A_33 = tpu.memref_slice %arg7[%mul3A_2, %dma_wait3A_32] : memref<10240x128xf32, #tpu.memory_space<hbm>> -> memref<640x128xf32, #tpu.memory_space<hbm>>
      tpu.wait_dma2 semaphore(%run_scoped3A : memref<!tpu.dma_semaphore, #tpu.memory_space<semaphore_mem>>) src(%dma_wait3A_33 : memref<640x128xf32, #tpu.memory_space<hbm>>) dst(%dma_wait3A_31 : memref<640x128xf32, #tpu.memory_space<vmem_shared>>)
      tpu.yield
    }) : () -> ()
    %eq3A = arith.constant 0 : i32
    %eq3A_5 = arith.cmpi eq, %arg1, %eq3A : i32
    %convert_element_type3A = arith.extui %eq3A_5 : i1 to i32
    %cond3A = arith.constant 0 : i32
    %cond3A_6 = arith.cmpi ne, %convert_element_type3A, %cond3A : i32
    scf.if %cond3A_6 {
      "tpu.region"() ({
        %run_scoped3A = tpu.sem_alloc : memref<!tpu.dma_semaphore, #tpu.memory_space<semaphore_mem>>
        tpu.enqueue_dma source(%arg8 : memref<10000xf32, #tpu.memory_space<hbm>>) target(%arg21 : memref<10000xf32, #tpu.memory_space<vmem_shared>>) target_semaphore(%run_scoped3A : memref<!tpu.dma_semaphore, #tpu.memory_space<semaphore_mem>>)
        tpu.wait_dma2 semaphore(%run_scoped3A : memref<!tpu.dma_semaphore, #tpu.memory_space<semaphore_mem>>) src(%arg8 : memref<10000xf32, #tpu.memory_space<hbm>>) dst(%arg21 : memref<10000xf32, #tpu.memory_space<vmem_shared>>)
        tpu.yield
      }) : () -> ()
      "tpu.region"() ({
        %run_scoped3A = tpu.sem_alloc : memref<!tpu.dma_semaphore, #tpu.memory_space<semaphore_mem>>
        tpu.enqueue_dma source(%arg8 : memref<10000xf32, #tpu.memory_space<hbm>>) target(%arg22 : memref<10000xf32, #tpu.memory_space<vmem_shared>>) target_semaphore(%run_scoped3A : memref<!tpu.dma_semaphore, #tpu.memory_space<semaphore_mem>>)
        tpu.wait_dma2 semaphore(%run_scoped3A : memref<!tpu.dma_semaphore, #tpu.memory_space<semaphore_mem>>) src(%arg8 : memref<10000xf32, #tpu.memory_space<hbm>>) dst(%arg22 : memref<10000xf32, #tpu.memory_space<vmem_shared>>)
        tpu.yield
      }) : () -> ()
      "tpu.region"() ({
        %run_scoped3A = tpu.sem_alloc : memref<!tpu.dma_semaphore, #tpu.memory_space<semaphore_mem>>
        tpu.enqueue_dma source(%arg8 : memref<10000xf32, #tpu.memory_space<hbm>>) target(%arg23 : memref<10000xf32, #tpu.memory_space<vmem_shared>>) target_semaphore(%run_scoped3A : memref<!tpu.dma_semaphore, #tpu.memory_space<semaphore_mem>>)
        tpu.wait_dma2 semaphore(%run_scoped3A : memref<!tpu.dma_semaphore, #tpu.memory_space<semaphore_mem>>) src(%arg8 : memref<10000xf32, #tpu.memory_space<hbm>>) dst(%arg23 : memref<10000xf32, #tpu.memory_space<vmem_shared>>)
        tpu.yield
      }) : () -> ()
    } else {
    }
    %scan3A = arith.constant 0 : i32
    %scan3A_7 = arith.constant 13 : i32
    %scan3A_8 = arith.addi %scan3A, %scan3A_7 : i32
    %scan3A_9 = arith.constant 1 : i32
    scf.for %scan3A_28 = %scan3A to %scan3A_8 step %scan3A_9  : i32 {
      %mul3A_29 = arith.constant 16 : i32
      %mul3A_30 = arith.muli %scan3A_28, %mul3A_29 : i32
      %add3A_31 = arith.constant 0 : i32
      %add3A_32 = arith.addi %add3A_31, %mul3A_30 : i32
      %broadcast_in_dim3A = arith.constant 1.000000e+00 : f32
      %broadcast_in_dim3A_33 = vector.broadcast %broadcast_in_dim3A : f32 to vector<16xf32>
      %swap3A = arith.index_cast %add3A_32 : i32 to index
      %swap3A_34 = tpu.vector_load %arg18[%swap3A] {strides = array<i32>} : memref<200xf32, #tpu.memory_space<vmem>>, vector<16xf32>,
      tpu.vector_store %arg18[%swap3A], %broadcast_in_dim3A_33 {strides = array<i32>} : memref<200xf32, #tpu.memory_space<vmem>>, vector<16xf32>,
    }
    %scan3A_10 = arith.constant 13 : i32
    %barrier3A = arith.constant 0 : index
    tpu.barrier barrier_id(%barrier3A)
    %iota3A = tpu.iota {dimensions = array<i32: 0>} : vector<16xi32>
    %mul3A_11 = arith.constant 10000 : i32
    %mul3A_12 = arith.muli %add3A, %mul3A_11 : i32
    %scan3A_13 = arith.constant 0 : i32
    %scan3A_14 = arith.constant 50 : i32
    %scan3A_15 = arith.addi %scan3A_13, %scan3A_14 : i32
    %scan3A_16 = arith.constant 1 : i32
    scf.for %scan3A_28 = %scan3A_13 to %scan3A_15 step %scan3A_16  : i32 {
      %mul3A_29 = arith.constant 1 : i32
      %mul3A_30 = arith.muli %scan3A_28, %mul3A_29 : i32
      %add3A_31 = arith.constant 0 : i32
      %add3A_32 = arith.addi %add3A_31, %mul3A_30 : i32
      %mul3A_33 = arith.constant 200 : i32
      %mul3A_34 = arith.muli %add3A_32, %mul3A_33 : i32
      %add3A_35 = arith.addi %mul3A_12, %mul3A_34 : i32
      "tpu.region"() ({
        %run_scoped3A = tpu.sem_alloc : memref<!tpu.dma_semaphore, #tpu.memory_space<semaphore_mem>>
        %dma_start3A = tpu.memref_slice %arg3[%add3A_35] : memref<320000xi32, #tpu.memory_space<hbm>> -> memref<200xi32, #tpu.memory_space<hbm>>
        %dma_start3A_46 = tpu.memref_slice %arg3[%add3A_35] : memref<320000xi32, #tpu.memory_space<hbm>> -> memref<200xi32, #tpu.memory_space<hbm>>
        tpu.enqueue_dma source(%dma_start3A_46 : memref<200xi32, #tpu.memory_space<hbm>>) target(%arg15 : memref<200xi32, #tpu.memory_space<vmem>>) target_semaphore(%run_scoped3A : memref<!tpu.dma_semaphore, #tpu.memory_space<semaphore_mem>>)
        %dma_wait3A = tpu.memref_slice %arg3[%add3A_35] : memref<320000xi32, #tpu.memory_space<hbm>> -> memref<200xi32, #tpu.memory_space<hbm>>
        %dma_wait3A_47 = tpu.memref_slice %arg3[%add3A_35] : memref<320000xi32, #tpu.memory_space<hbm>> -> memref<200xi32, #tpu.memory_space<hbm>>
        tpu.wait_dma2 semaphore(%run_scoped3A : memref<!tpu.dma_semaphore, #tpu.memory_space<semaphore_mem>>) src(%dma_wait3A_47 : memref<200xi32, #tpu.memory_space<hbm>>) dst(%arg15 : memref<200xi32, #tpu.memory_space<vmem>>)
        tpu.yield
      }) : () -> ()
      "tpu.region"() ({
        %run_scoped3A = tpu.sem_alloc : memref<!tpu.dma_semaphore, #tpu.memory_space<semaphore_mem>>
        %dma_start3A = tpu.memref_slice %arg4[%add3A_35] : memref<320000xi32, #tpu.memory_space<hbm>> -> memref<200xi32, #tpu.memory_space<hbm>>
        %dma_start3A_46 = tpu.memref_slice %arg4[%add3A_35] : memref<320000xi32, #tpu.memory_space<hbm>> -> memref<200xi32, #tpu.memory_space<hbm>>
        tpu.enqueue_dma source(%dma_start3A_46 : memref<200xi32, #tpu.memory_space<hbm>>) target(%arg16 : memref<200xi32, #tpu.memory_space<vmem>>) target_semaphore(%run_scoped3A : memref<!tpu.dma_semaphore, #tpu.memory_space<semaphore_mem>>)
        %dma_wait3A = tpu.memref_slice %arg4[%add3A_35] : memref<320000xi32, #tpu.memory_space<hbm>> -> memref<200xi32, #tpu.memory_space<hbm>>
        %dma_wait3A_47 = tpu.memref_slice %arg4[%add3A_35] : memref<320000xi32, #tpu.memory_space<hbm>> -> memref<200xi32, #tpu.memory_space<hbm>>
        tpu.wait_dma2 semaphore(%run_scoped3A : memref<!tpu.dma_semaphore, #tpu.memory_space<semaphore_mem>>) src(%dma_wait3A_47 : memref<200xi32, #tpu.memory_space<hbm>>) dst(%arg16 : memref<200xi32, #tpu.memory_space<vmem>>)
        tpu.yield
      }) : () -> ()
      "tpu.region"() ({
        %run_scoped3A = tpu.sem_alloc : memref<!tpu.dma_semaphore, #tpu.memory_space<semaphore_mem>>
        %dma_start3A = arith.constant 0 : i32
        %dma_start3A_46 = arith.constant 0 : i32
        %dma_start3A_47 = tpu.memref_slice %arg2[%dma_start3A, %dma_start3A_46] : memref<10000x128xf32, #tpu.memory_space<hbm>> -> memref<10000x128xf32, #tpu.memory_space<hbm>>
        tpu.enqueue_indirect_dma source(%dma_start3A_47 : memref<10000x128xf32, #tpu.memory_space<hbm>>) target(%arg19 : memref<200x128xf32, #tpu.memory_space<vmem>>) offsets(%arg15 : memref<200xi32, #tpu.memory_space<vmem>>) semaphore(%run_scoped3A : memref<!tpu.dma_semaphore, #tpu.memory_space<semaphore_mem>>)
        %dma_wait3A = arith.constant 0 : i32
        %dma_wait3A_48 = arith.constant 0 : i32
        %dma_wait3A_49 = tpu.memref_slice %arg2[%dma_wait3A, %dma_wait3A_48] : memref<10000x128xf32, #tpu.memory_space<hbm>> -> memref<10000x128xf32, #tpu.memory_space<hbm>>
        tpu.wait_indirect_dma semaphore(%run_scoped3A : memref<!tpu.dma_semaphore, #tpu.memory_space<semaphore_mem>>) src(%dma_wait3A_49 : memref<10000x128xf32, #tpu.memory_space<hbm>>) dst(%arg19 : memref<200x128xf32, #tpu.memory_space<vmem>>)
        tpu.yield
      }) : () -> ()
      "tpu.region"() ({
        %run_scoped3A = tpu.sem_alloc : memref<!tpu.dma_semaphore, #tpu.memory_space<semaphore_mem>>
        %dma_start3A = arith.constant 0 : i32
        %dma_start3A_46 = tpu.memref_slice %arg5[%dma_start3A] : memref<10000xf32, #tpu.memory_space<hbm>> -> memref<10000xf32, #tpu.memory_space<hbm>>
        tpu.enqueue_indirect_dma source(%dma_start3A_46 : memref<10000xf32, #tpu.memory_space<hbm>>) target(%arg13 : memref<200xf32, #tpu.memory_space<vmem>>) offsets(%arg15 : memref<200xi32, #tpu.memory_space<vmem>>) semaphore(%run_scoped3A : memref<!tpu.dma_semaphore, #tpu.memory_space<semaphore_mem>>)
        %dma_wait3A = arith.constant 0 : i32
        %dma_wait3A_47 = tpu.memref_slice %arg5[%dma_wait3A] : memref<10000xf32, #tpu.memory_space<hbm>> -> memref<10000xf32, #tpu.memory_space<hbm>>
        tpu.wait_indirect_dma semaphore(%run_scoped3A : memref<!tpu.dma_semaphore, #tpu.memory_space<semaphore_mem>>) src(%dma_wait3A_47 : memref<10000xf32, #tpu.memory_space<hbm>>) dst(%arg13 : memref<200xf32, #tpu.memory_space<vmem>>)
        tpu.yield
      }) : () -> ()
      "tpu.region"() ({
        %run_scoped3A = tpu.sem_alloc : memref<!tpu.dma_semaphore, #tpu.memory_space<semaphore_mem>>
        %dma_start3A = arith.constant 0 : i32
        %dma_start3A_46 = tpu.memref_slice %arg6[%dma_start3A] : memref<10000xf32, #tpu.memory_space<hbm>> -> memref<10000xf32, #tpu.memory_space<hbm>>
        tpu.enqueue_indirect_dma source(%dma_start3A_46 : memref<10000xf32, #tpu.memory_space<hbm>>) target(%arg14 : memref<200xf32, #tpu.memory_space<vmem>>) offsets(%arg16 : memref<200xi32, #tpu.memory_space<vmem>>) semaphore(%run_scoped3A : memref<!tpu.dma_semaphore, #tpu.memory_space<semaphore_mem>>)
        %dma_wait3A = arith.constant 0 : i32
        %dma_wait3A_47 = tpu.memref_slice %arg6[%dma_wait3A] : memref<10000xf32, #tpu.memory_space<hbm>> -> memref<10000xf32, #tpu.memory_space<hbm>>
        tpu.wait_indirect_dma semaphore(%run_scoped3A : memref<!tpu.dma_semaphore, #tpu.memory_space<semaphore_mem>>) src(%dma_wait3A_47 : memref<10000xf32, #tpu.memory_space<hbm>>) dst(%arg14 : memref<200xf32, #tpu.memory_space<vmem>>)
        tpu.yield
      }) : () -> ()
      %scan3A_36 = arith.constant 0 : i32
      %scan3A_37 = arith.constant 13 : i32
      %scan3A_38 = arith.addi %scan3A_36, %scan3A_37 : i32
      %scan3A_39 = arith.constant 1 : i32
      scf.for %scan3A_46 = %scan3A_36 to %scan3A_38 step %scan3A_39  : i32 {
        %mul3A_47 = arith.constant 16 : i32
        %mul3A_48 = arith.muli %scan3A_46, %mul3A_47 : i32
        %add3A_49 = arith.constant 0 : i32
        %add3A_50 = arith.addi %add3A_49, %mul3A_48 : i32
        %get3A = arith.index_cast %add3A_50 : i32 to index
        %get3A_51 = tpu.vector_load %arg13[%get3A] {strides = array<i32>} : memref<200xf32, #tpu.memory_space<vmem>>, vector<16xf32>,
        %get3A_52 = arith.index_cast %add3A_50 : i32 to index
        %get3A_53 = tpu.vector_load %arg14[%get3A_52] {strides = array<i32>} : memref<200xf32, #tpu.memory_space<vmem>>, vector<16xf32>,
        %add3A_54 = arith.addf %get3A_51, %get3A_53 : vector<16xf32>
        %mul3A_55 = arith.constant 2.000000e-01 : f32
        %mul3A_56 = vector.broadcast %mul3A_55 : f32 to vector<16xf32>
        %mul3A_57 = arith.mulf %mul3A_56, %add3A_54 : vector<16xf32>
        %max3A = arith.maximumf %add3A_54, %mul3A_57 : vector<16xf32>
        %exp3A = math.exp %max3A : vector<16xf32>
        %swap3A = arith.index_cast %add3A_50 : i32 to index
        %swap3A_58 = tpu.vector_load %arg17[%swap3A] {strides = array<i32>} : memref<200xf32, #tpu.memory_space<vmem>>, vector<16xf32>,
        tpu.vector_store %arg17[%swap3A], %exp3A {strides = array<i32>} : memref<200xf32, #tpu.memory_space<vmem>>, vector<16xf32>,
      }
      %scan3A_40 = arith.constant 13 : i32
      %scan3A_41 = arith.constant 0 : i32
      %scan3A_42 = arith.constant 200 : i32
      %scan3A_43 = arith.addi %scan3A_41, %scan3A_42 : i32
      %scan3A_44 = arith.constant 1 : i32
      scf.for %scan3A_46 = %scan3A_41 to %scan3A_43 step %scan3A_44  : i32 {
        %mul3A_47 = arith.constant 1 : i32
        %mul3A_48 = arith.muli %scan3A_46, %mul3A_47 : i32
        %add3A_49 = arith.constant 0 : i32
        %add3A_50 = arith.addi %add3A_49, %mul3A_48 : i32
        %broadcast_in_dim3A = vector.broadcast %add3A_50 : i32 to vector<16xi32>
        %gather3A = tpu.vector_load_idx %arg17[%broadcast_in_dim3A] : memref<200xf32, #tpu.memory_space<vmem>>[vector<16xi32>], vector<16xf32>,
        %get3A = arith.index_cast %add3A_50 : i32 to index
        %get3A_51 = arith.constant 0 : index
        %get3A_52 = tpu.vector_load %arg19[%get3A, %get3A_51] {strides = array<i32>} : memref<200x128xf32, #tpu.memory_space<vmem>>, vector<16xf32>,
        %mul3A_53 = arith.mulf %get3A_52, %gather3A : vector<16xf32>
        %swap3A = arith.index_cast %add3A_50 : i32 to index
        %swap3A_54 = arith.constant 0 : index
        %swap3A_55 = tpu.vector_load %arg19[%swap3A, %swap3A_54] {strides = array<i32>} : memref<200x128xf32, #tpu.memory_space<vmem>>, vector<16xf32>,
        tpu.vector_store %arg19[%swap3A, %swap3A_54], %mul3A_53 {strides = array<i32>} : memref<200x128xf32, #tpu.memory_space<vmem>>, vector<16xf32>,
        %get3A_56 = arith.index_cast %add3A_50 : i32 to index
        %get3A_57 = arith.constant 16 : index
        %get3A_58 = tpu.vector_load %arg19[%get3A_56, %get3A_57] {strides = array<i32>} : memref<200x128xf32, #tpu.memory_space<vmem>>, vector<16xf32>,
        %mul3A_59 = arith.mulf %get3A_58, %gather3A : vector<16xf32>
        %swap3A_60 = arith.index_cast %add3A_50 : i32 to index
        %swap3A_61 = arith.constant 16 : index
        %swap3A_62 = tpu.vector_load %arg19[%swap3A_60, %swap3A_61] {strides = array<i32>} : memref<200x128xf32, #tpu.memory_space<vmem>>, vector<16xf32>,
        tpu.vector_store %arg19[%swap3A_60, %swap3A_61], %mul3A_59 {strides = array<i32>} : memref<200x128xf32, #tpu.memory_space<vmem>>, vector<16xf32>,
        %get3A_63 = arith.index_cast %add3A_50 : i32 to index
        %get3A_64 = arith.constant 32 : index
        %get3A_65 = tpu.vector_load %arg19[%get3A_63, %get3A_64] {strides = array<i32>} : memref<200x128xf32, #tpu.memory_space<vmem>>, vector<16xf32>,
        %mul3A_66 = arith.mulf %get3A_65, %gather3A : vector<16xf32>
        %swap3A_67 = arith.index_cast %add3A_50 : i32 to index
        %swap3A_68 = arith.constant 32 : index
        %swap3A_69 = tpu.vector_load %arg19[%swap3A_67, %swap3A_68] {strides = array<i32>} : memref<200x128xf32, #tpu.memory_space<vmem>>, vector<16xf32>,
        tpu.vector_store %arg19[%swap3A_67, %swap3A_68], %mul3A_66 {strides = array<i32>} : memref<200x128xf32, #tpu.memory_space<vmem>>, vector<16xf32>,
        %get3A_70 = arith.index_cast %add3A_50 : i32 to index
        %get3A_71 = arith.constant 48 : index
        %get3A_72 = tpu.vector_load %arg19[%get3A_70, %get3A_71] {strides = array<i32>} : memref<200x128xf32, #tpu.memory_space<vmem>>, vector<16xf32>,
        %mul3A_73 = arith.mulf %get3A_72, %gather3A : vector<16xf32>
        %swap3A_74 = arith.index_cast %add3A_50 : i32 to index
        %swap3A_75 = arith.constant 48 : index
        %swap3A_76 = tpu.vector_load %arg19[%swap3A_74, %swap3A_75] {strides = array<i32>} : memref<200x128xf32, #tpu.memory_space<vmem>>, vector<16xf32>,
        tpu.vector_store %arg19[%swap3A_74, %swap3A_75], %mul3A_73 {strides = array<i32>} : memref<200x128xf32, #tpu.memory_space<vmem>>, vector<16xf32>,
        %get3A_77 = arith.index_cast %add3A_50 : i32 to index
        %get3A_78 = arith.constant 64 : index
        %get3A_79 = tpu.vector_load %arg19[%get3A_77, %get3A_78] {strides = array<i32>} : memref<200x128xf32, #tpu.memory_space<vmem>>, vector<16xf32>,
        %mul3A_80 = arith.mulf %get3A_79, %gather3A : vector<16xf32>
        %swap3A_81 = arith.index_cast %add3A_50 : i32 to index
        %swap3A_82 = arith.constant 64 : index
        %swap3A_83 = tpu.vector_load %arg19[%swap3A_81, %swap3A_82] {strides = array<i32>} : memref<200x128xf32, #tpu.memory_space<vmem>>, vector<16xf32>,
        tpu.vector_store %arg19[%swap3A_81, %swap3A_82], %mul3A_80 {strides = array<i32>} : memref<200x128xf32, #tpu.memory_space<vmem>>, vector<16xf32>,
        %get3A_84 = arith.index_cast %add3A_50 : i32 to index
        %get3A_85 = arith.constant 80 : index
        %get3A_86 = tpu.vector_load %arg19[%get3A_84, %get3A_85] {strides = array<i32>} : memref<200x128xf32, #tpu.memory_space<vmem>>, vector<16xf32>,
        %mul3A_87 = arith.mulf %get3A_86, %gather3A : vector<16xf32>
        %swap3A_88 = arith.index_cast %add3A_50 : i32 to index
        %swap3A_89 = arith.constant 80 : index
        %swap3A_90 = tpu.vector_load %arg19[%swap3A_88, %swap3A_89] {strides = array<i32>} : memref<200x128xf32, #tpu.memory_space<vmem>>, vector<16xf32>,
        tpu.vector_store %arg19[%swap3A_88, %swap3A_89], %mul3A_87 {strides = array<i32>} : memref<200x128xf32, #tpu.memory_space<vmem>>, vector<16xf32>,
        %get3A_91 = arith.index_cast %add3A_50 : i32 to index
        %get3A_92 = arith.constant 96 : index
        %get3A_93 = tpu.vector_load %arg19[%get3A_91, %get3A_92] {strides = array<i32>} : memref<200x128xf32, #tpu.memory_space<vmem>>, vector<16xf32>,
        %mul3A_94 = arith.mulf %get3A_93, %gather3A : vector<16xf32>
        %swap3A_95 = arith.index_cast %add3A_50 : i32 to index
        %swap3A_96 = arith.constant 96 : index
        %swap3A_97 = tpu.vector_load %arg19[%swap3A_95, %swap3A_96] {strides = array<i32>} : memref<200x128xf32, #tpu.memory_space<vmem>>, vector<16xf32>,
        tpu.vector_store %arg19[%swap3A_95, %swap3A_96], %mul3A_94 {strides = array<i32>} : memref<200x128xf32, #tpu.memory_space<vmem>>, vector<16xf32>,
        %get3A_98 = arith.index_cast %add3A_50 : i32 to index
        %get3A_99 = arith.constant 112 : index
        %get3A_100 = tpu.vector_load %arg19[%get3A_98, %get3A_99] {strides = array<i32>} : memref<200x128xf32, #tpu.memory_space<vmem>>, vector<16xf32>,
        %mul3A_101 = arith.mulf %get3A_100, %gather3A : vector<16xf32>
        %swap3A_102 = arith.index_cast %add3A_50 : i32 to index
        %swap3A_103 = arith.constant 112 : index
        %swap3A_104 = tpu.vector_load %arg19[%swap3A_102, %swap3A_103] {strides = array<i32>} : memref<200x128xf32, #tpu.memory_space<vmem>>, vector<16xf32>,
        tpu.vector_store %arg19[%swap3A_102, %swap3A_103], %mul3A_101 {strides = array<i32>} : memref<200x128xf32, #tpu.memory_space<vmem>>, vector<16xf32>,
      }
      %scan3A_45 = arith.constant 200 : i32
      "tpu.region"() ({
        %run_scoped3A = tpu.sem_alloc : memref<!tpu.dma_semaphore, #tpu.memory_space<semaphore_mem>>
        %dma_start3A = arith.constant 0 : i32
        %dma_start3A_46 = arith.constant 0 : i32
        %dma_start3A_47 = tpu.memref_slice %arg20[%dma_start3A, %dma_start3A_46] : memref<10240x128xf32, #tpu.memory_space<vmem_shared>> -> memref<10240x128xf32, #tpu.memory_space<vmem_shared>>
        tpu.enqueue_indirect_dma source(%arg19 : memref<200x128xf32, #tpu.memory_space<vmem>>) target(%dma_start3A_47 : memref<10240x128xf32, #tpu.memory_space<vmem_shared>>) offsets(%arg16 : memref<200xi32, #tpu.memory_space<vmem>>) semaphore(%run_scoped3A : memref<!tpu.dma_semaphore, #tpu.memory_space<semaphore_mem>>) {add = true}
        %dma_wait3A = arith.constant 0 : i32
        %dma_wait3A_48 = arith.constant 0 : i32
        %dma_wait3A_49 = tpu.memref_slice %arg20[%dma_wait3A, %dma_wait3A_48] : memref<10240x128xf32, #tpu.memory_space<vmem_shared>> -> memref<10240x128xf32, #tpu.memory_space<vmem_shared>>
        tpu.wait_indirect_dma semaphore(%run_scoped3A : memref<!tpu.dma_semaphore, #tpu.memory_space<semaphore_mem>>) src(%arg19 : memref<200x128xf32, #tpu.memory_space<vmem>>) dst(%dma_wait3A_49 : memref<10240x128xf32, #tpu.memory_space<vmem_shared>>)
        tpu.yield
      }) : () -> ()
      "tpu.region"() ({
        %run_scoped3A = tpu.sem_alloc : memref<!tpu.dma_semaphore, #tpu.memory_space<semaphore_mem>>
        %dma_start3A = arith.constant 0 : i32
        %dma_start3A_46 = tpu.memref_slice %arg21[%dma_start3A] : memref<10000xf32, #tpu.memory_space<vmem_shared>> -> memref<10000xf32, #tpu.memory_space<vmem_shared>>
        tpu.enqueue_indirect_dma source(%arg17 : memref<200xf32, #tpu.memory_space<vmem>>) target(%dma_start3A_46 : memref<10000xf32, #tpu.memory_space<vmem_shared>>) offsets(%arg16 : memref<200xi32, #tpu.memory_space<vmem>>) semaphore(%run_scoped3A : memref<!tpu.dma_semaphore, #tpu.memory_space<semaphore_mem>>) {add = true}
        %dma_wait3A = arith.constant 0 : i32
        %dma_wait3A_47 = tpu.memref_slice %arg21[%dma_wait3A] : memref<10000xf32, #tpu.memory_space<vmem_shared>> -> memref<10000xf32, #tpu.memory_space<vmem_shared>>
        tpu.wait_indirect_dma semaphore(%run_scoped3A : memref<!tpu.dma_semaphore, #tpu.memory_space<semaphore_mem>>) src(%arg17 : memref<200xf32, #tpu.memory_space<vmem>>) dst(%dma_wait3A_47 : memref<10000xf32, #tpu.memory_space<vmem_shared>>)
        tpu.yield
      }) : () -> ()
      "tpu.region"() ({
        %run_scoped3A = tpu.sem_alloc : memref<!tpu.dma_semaphore, #tpu.memory_space<semaphore_mem>>
        %dma_start3A = arith.constant 0 : i32
        %dma_start3A_46 = tpu.memref_slice %arg22[%dma_start3A] : memref<10000xf32, #tpu.memory_space<vmem_shared>> -> memref<10000xf32, #tpu.memory_space<vmem_shared>>
        tpu.enqueue_indirect_dma source(%arg18 : memref<200xf32, #tpu.memory_space<vmem>>) target(%dma_start3A_46 : memref<10000xf32, #tpu.memory_space<vmem_shared>>) offsets(%arg16 : memref<200xi32, #tpu.memory_space<vmem>>) semaphore(%run_scoped3A : memref<!tpu.dma_semaphore, #tpu.memory_space<semaphore_mem>>) {add = true}
        %dma_wait3A = arith.constant 0 : i32
        %dma_wait3A_47 = tpu.memref_slice %arg22[%dma_wait3A] : memref<10000xf32, #tpu.memory_space<vmem_shared>> -> memref<10000xf32, #tpu.memory_space<vmem_shared>>
        tpu.wait_indirect_dma semaphore(%run_scoped3A : memref<!tpu.dma_semaphore, #tpu.memory_space<semaphore_mem>>) src(%arg18 : memref<200xf32, #tpu.memory_space<vmem>>) dst(%dma_wait3A_47 : memref<10000xf32, #tpu.memory_space<vmem_shared>>)
        tpu.yield
      }) : () -> ()
      "tpu.region"() ({
        %run_scoped3A = tpu.sem_alloc : memref<!tpu.dma_semaphore, #tpu.memory_space<semaphore_mem>>
        %dma_start3A = arith.constant 0 : i32
        %dma_start3A_46 = tpu.memref_slice %arg23[%dma_start3A] : memref<10000xf32, #tpu.memory_space<vmem_shared>> -> memref<10000xf32, #tpu.memory_space<vmem_shared>>
        tpu.enqueue_indirect_dma source(%arg18 : memref<200xf32, #tpu.memory_space<vmem>>) target(%dma_start3A_46 : memref<10000xf32, #tpu.memory_space<vmem_shared>>) offsets(%arg15 : memref<200xi32, #tpu.memory_space<vmem>>) semaphore(%run_scoped3A : memref<!tpu.dma_semaphore, #tpu.memory_space<semaphore_mem>>) {add = true}
        %dma_wait3A = arith.constant 0 : i32
        %dma_wait3A_47 = tpu.memref_slice %arg23[%dma_wait3A] : memref<10000xf32, #tpu.memory_space<vmem_shared>> -> memref<10000xf32, #tpu.memory_space<vmem_shared>>
        tpu.wait_indirect_dma semaphore(%run_scoped3A : memref<!tpu.dma_semaphore, #tpu.memory_space<semaphore_mem>>) src(%arg18 : memref<200xf32, #tpu.memory_space<vmem>>) dst(%dma_wait3A_47 : memref<10000xf32, #tpu.memory_space<vmem_shared>>)
        tpu.yield
      }) : () -> ()
    }
    %scan3A_17 = arith.constant 50 : i32
    %barrier3A_18 = arith.constant 0 : index
    tpu.barrier barrier_id(%barrier3A_18)
    %mul3A_19 = arith.constant 640 : i32
    %mul3A_20 = arith.muli %mul3A_19, %arg1 : i32
    %mul3A_21 = arith.constant 640 : i32
    %mul3A_22 = arith.muli %mul3A_21, %arg1 : i32
    "tpu.region"() ({
      %run_scoped3A = tpu.sem_alloc : memref<!tpu.dma_semaphore, #tpu.memory_space<semaphore_mem>>
      %dma_start3A = arith.constant 0 : i32
      %dma_start3A_28 = tpu.memref_slice %arg9[%arg0, %mul3A_22, %dma_start3A] : memref<2x10240x128xf32, #tpu.memory_space<hbm>> -> memref<1x640x128xf32, #tpu.memory_space<hbm>>
      %dma_start3A_29 = tpu.memref_squeeze %dma_start3A_28 : memref<1x640x128xf32, #tpu.memory_space<hbm>> -> memref<640x128xf32, #tpu.memory_space<hbm>>
      %dma_start3A_30 = arith.constant 0 : i32
      %dma_start3A_31 = tpu.memref_slice %arg20[%mul3A_20, %dma_start3A_30] : memref<10240x128xf32, #tpu.memory_space<vmem_shared>> -> memref<640x128xf32, #tpu.memory_space<vmem_shared>>
      tpu.enqueue_dma source(%dma_start3A_31 : memref<640x128xf32, #tpu.memory_space<vmem_shared>>) target(%dma_start3A_29 : memref<640x128xf32, #tpu.memory_space<hbm>>) target_semaphore(%run_scoped3A : memref<!tpu.dma_semaphore, #tpu.memory_space<semaphore_mem>>)
      %dma_wait3A = arith.constant 0 : i32
      %dma_wait3A_32 = tpu.memref_slice %arg9[%arg0, %mul3A_22, %dma_wait3A] : memref<2x10240x128xf32, #tpu.memory_space<hbm>> -> memref<1x640x128xf32, #tpu.memory_space<hbm>>
      %dma_wait3A_33 = tpu.memref_squeeze %dma_wait3A_32 : memref<1x640x128xf32, #tpu.memory_space<hbm>> -> memref<640x128xf32, #tpu.memory_space<hbm>>
      %dma_wait3A_34 = arith.constant 0 : i32
      %dma_wait3A_35 = tpu.memref_slice %arg20[%mul3A_20, %dma_wait3A_34] : memref<10240x128xf32, #tpu.memory_space<vmem_shared>> -> memref<640x128xf32, #tpu.memory_space<vmem_shared>>
      tpu.wait_dma2 semaphore(%run_scoped3A : memref<!tpu.dma_semaphore, #tpu.memory_space<semaphore_mem>>) src(%dma_wait3A_35 : memref<640x128xf32, #tpu.memory_space<vmem_shared>>) dst(%dma_wait3A_33 : memref<640x128xf32, #tpu.memory_space<hbm>>)
      tpu.yield
    }) : () -> ()
    %eq3A_23 = arith.constant 0 : i32
    %eq3A_24 = arith.cmpi eq, %arg1, %eq3A_23 : i32
    %convert_element_type3A_25 = arith.extui %eq3A_24 : i1 to i32
    %cond3A_26 = arith.constant 0 : i32
    %cond3A_27 = arith.cmpi ne, %convert_element_type3A_25, %cond3A_26 : i32
    scf.if %cond3A_27 {
      "tpu.region"() ({
        %run_scoped3A = tpu.sem_alloc : memref<!tpu.dma_semaphore, #tpu.memory_space<semaphore_mem>>
        %dma_start3A = arith.constant 0 : i32
        %dma_start3A_28 = tpu.memref_slice %arg10[%arg0, %dma_start3A] : memref<2x10000xf32, #tpu.memory_space<hbm>> -> memref<1x10000xf32, #tpu.memory_space<hbm>>
        %dma_start3A_29 = tpu.memref_squeeze %dma_start3A_28 : memref<1x10000xf32, #tpu.memory_space<hbm>> -> memref<10000xf32, #tpu.memory_space<hbm>>
        tpu.enqueue_dma source(%arg21 : memref<10000xf32, #tpu.memory_space<vmem_shared>>) target(%dma_start3A_29 : memref<10000xf32, #tpu.memory_space<hbm>>) target_semaphore(%run_scoped3A : memref<!tpu.dma_semaphore, #tpu.memory_space<semaphore_mem>>)
        %dma_wait3A = arith.constant 0 : i32
        %dma_wait3A_30 = tpu.memref_slice %arg10[%arg0, %dma_wait3A] : memref<2x10000xf32, #tpu.memory_space<hbm>> -> memref<1x10000xf32, #tpu.memory_space<hbm>>
        %dma_wait3A_31 = tpu.memref_squeeze %dma_wait3A_30 : memref<1x10000xf32, #tpu.memory_space<hbm>> -> memref<10000xf32, #tpu.memory_space<hbm>>
        tpu.wait_dma2 semaphore(%run_scoped3A : memref<!tpu.dma_semaphore, #tpu.memory_space<semaphore_mem>>) src(%arg21 : memref<10000xf32, #tpu.memory_space<vmem_shared>>) dst(%dma_wait3A_31 : memref<10000xf32, #tpu.memory_space<hbm>>)
        tpu.yield
      }) : () -> ()
      "tpu.region"() ({
        %run_scoped3A = tpu.sem_alloc : memref<!tpu.dma_semaphore, #tpu.memory_space<semaphore_mem>>
        %dma_start3A = arith.constant 0 : i32
        %dma_start3A_28 = tpu.memref_slice %arg11[%arg0, %dma_start3A] : memref<2x10000xf32, #tpu.memory_space<hbm>> -> memref<1x10000xf32, #tpu.memory_space<hbm>>
        %dma_start3A_29 = tpu.memref_squeeze %dma_start3A_28 : memref<1x10000xf32, #tpu.memory_space<hbm>> -> memref<10000xf32, #tpu.memory_space<hbm>>
        tpu.enqueue_dma source(%arg22 : memref<10000xf32, #tpu.memory_space<vmem_shared>>) target(%dma_start3A_29 : memref<10000xf32, #tpu.memory_space<hbm>>) target_semaphore(%run_scoped3A : memref<!tpu.dma_semaphore, #tpu.memory_space<semaphore_mem>>)
        %dma_wait3A = arith.constant 0 : i32
        %dma_wait3A_30 = tpu.memref_slice %arg11[%arg0, %dma_wait3A] : memref<2x10000xf32, #tpu.memory_space<hbm>> -> memref<1x10000xf32, #tpu.memory_space<hbm>>
        %dma_wait3A_31 = tpu.memref_squeeze %dma_wait3A_30 : memref<1x10000xf32, #tpu.memory_space<hbm>> -> memref<10000xf32, #tpu.memory_space<hbm>>
        tpu.wait_dma2 semaphore(%run_scoped3A : memref<!tpu.dma_semaphore, #tpu.memory_space<semaphore_mem>>) src(%arg22 : memref<10000xf32, #tpu.memory_space<vmem_shared>>) dst(%dma_wait3A_31 : memref<10000xf32, #tpu.memory_space<hbm>>)
        tpu.yield
      }) : () -> ()
      "tpu.region"() ({
        %run_scoped3A = tpu.sem_alloc : memref<!tpu.dma_semaphore, #tpu.memory_space<semaphore_mem>>
        %dma_start3A = arith.constant 0 : i32
        %dma_start3A_28 = tpu.memref_slice %arg12[%arg0, %dma_start3A] : memref<2x10000xf32, #tpu.memory_space<hbm>> -> memref<1x10000xf32, #tpu.memory_space<hbm>>
        %dma_start3A_29 = tpu.memref_squeeze %dma_start3A_28 : memref<1x10000xf32, #tpu.memory_space<hbm>> -> memref<10000xf32, #tpu.memory_space<hbm>>
        tpu.enqueue_dma source(%arg23 : memref<10000xf32, #tpu.memory_space<vmem_shared>>) target(%dma_start3A_29 : memref<10000xf32, #tpu.memory_space<hbm>>) target_semaphore(%run_scoped3A : memref<!tpu.dma_semaphore, #tpu.memory_space<semaphore_mem>>)
        %dma_wait3A = arith.constant 0 : i32
        %dma_wait3A_30 = tpu.memref_slice %arg12[%arg0, %dma_wait3A] : memref<2x10000xf32, #tpu.memory_space<hbm>> -> memref<1x10000xf32, #tpu.memory_space<hbm>>
        %dma_wait3A_31 = tpu.memref_squeeze %dma_wait3A_30 : memref<1x10000xf32, #tpu.memory_space<hbm>> -> memref<10000xf32, #tpu.memory_space<hbm>>
        tpu.wait_dma2 semaphore(%run_scoped3A : memref<!tpu.dma_semaphore, #tpu.memory_space<semaphore_mem>>) src(%arg23 : memref<10000xf32, #tpu.memory_space<vmem_shared>>) dst(%dma_wait3A_31 : memref<10000xf32, #tpu.memory_space<hbm>>)
        tpu.yield
      }) : () -> ()
    } else {
    }
    return
  }
}

module attributes {stable_mosaic.version = 14 : i64} {
  func.func @_tc_pre_body(%arg0: memref<10000x128xf32, #tpu.memory_space<vmem>>, %arg1: memref<10000x128xf32, #tpu.memory_space<vmem>>, %arg2: memref<128x128xf32, #tpu.memory_space<vmem>>, %arg3: memref<1x128xf32, #tpu.memory_space<vmem>>, %arg4: memref<1x128xf32, #tpu.memory_space<vmem>>, %arg5: memref<1x128xf32, #tpu.memory_space<vmem>>, %arg6: memref<128x128xf32, #tpu.memory_space<vmem>>, %arg7: memref<1x128xf32, #tpu.memory_space<vmem>>, %arg8: memref<128x128xf32, #tpu.memory_space<vmem>>, %arg9: memref<1x128xf32, #tpu.memory_space<vmem>>, %arg10: memref<128x128xf32, #tpu.memory_space<vmem>>, %arg11: memref<128x1xf32, #tpu.memory_space<vmem>>, %arg12: memref<128x1xf32, #tpu.memory_space<vmem>>, %arg13: memref<128x128xf32, #tpu.memory_space<vmem>>, %arg14: memref<1x128xf32, #tpu.memory_space<vmem>>, %arg15: memref<128x128xf32, #tpu.memory_space<vmem>>, %arg16: memref<1x128xf32, #tpu.memory_space<vmem>>, %arg17: memref<10000x128xf32, #tpu.memory_space<vmem>>, %arg18: memref<10000x128xf32, #tpu.memory_space<vmem>>, %arg19: memref<10000x128xf32, #tpu.memory_space<vmem>>, %arg20: memref<10000x1xf32, #tpu.memory_space<vmem>>, %arg21: memref<10000x1xf32, #tpu.memory_space<vmem>>) attributes {dimension_semantics = [], scalar_prefetch = 0 : i64, scratch_operands = 0 : i64, tpu.core_type = #tpu.core_type<tc>} {
    %get3A = arith.constant 0 : index
    %get3A_0 = arith.constant 0 : index
    %get3A_1 = vector.load %arg0[%get3A, %get3A_0] : memref<10000x128xf32, #tpu.memory_space<vmem>>, vector<10000x128xf32>
    %get3A_2 = arith.constant 0 : index
    %get3A_3 = arith.constant 0 : index
    %get3A_4 = vector.load %arg2[%get3A_2, %get3A_3] : memref<128x128xf32, #tpu.memory_space<vmem>>, vector<128x128xf32>
    %dot_general3A = arith.constant dense<0.000000e+00> : vector<10000x128xf32>
    %dot_general3A_5 = tpu.matmul %get3A_1, %get3A_4, %dot_general3A {dimension_numbers = #tpu.dot_dimension_numbers<[1], [0], [0], [1], [0, 0, 1, 1], [], []>, transpose_lhs_hint = false} : vector<10000x128xf32>, vector<128x128xf32>, vector<10000x128xf32> -> vector<10000x128xf32>
    %get3A_6 = arith.constant 0 : index
    %get3A_7 = arith.constant 0 : index
    %get3A_8 = vector.load %arg3[%get3A_6, %get3A_7] : memref<1x128xf32, #tpu.memory_space<vmem>>, vector<1x128xf32>
    %add3A = vector.broadcast %get3A_8 : vector<1x128xf32> to vector<10000x128xf32>
    %add3A_9 = arith.addf %dot_general3A_5, %add3A : vector<10000x128xf32>
    %ge3A = arith.constant 0.000000e+00 : f32
    %ge3A_10 = vector.broadcast %ge3A : f32 to vector<10000x128xf32>
    %ge3A_11 = arith.cmpf oge, %add3A_9, %ge3A_10 : vector<10000x128xf32>
    %mul3A = arith.constant 0.00999999977 : f32
    %mul3A_12 = vector.broadcast %mul3A : f32 to vector<10000x128xf32>
    %mul3A_13 = arith.mulf %mul3A_12, %add3A_9 : vector<10000x128xf32>
    %select_n3A = arith.select %ge3A_11, %add3A_9, %mul3A_13 : vector<10000x128xi1>, vector<10000x128xf32>
    %reduce_sum3A = arith.constant dense<0.000000e+00> : vector<128xf32>
    %reduce_sum3A_14 = vector.multi_reduction <add>, %select_n3A, %reduce_sum3A [0] : vector<10000x128xf32> to vector<128xf32>
    %broadcast_in_dim3A = vector.shape_cast %reduce_sum3A_14 : vector<128xf32> to vector<1x128xf32>
    %div3A = arith.constant 1.000000e+04 : f32
    %div3A_15 = vector.broadcast %div3A : f32 to vector<1x128xf32>
    %div3A_16 = arith.divf %broadcast_in_dim3A, %div3A_15 : vector<1x128xf32>
    %sub3A = vector.broadcast %div3A_16 : vector<1x128xf32> to vector<10000x128xf32>
    %sub3A_17 = arith.subf %select_n3A, %sub3A : vector<10000x128xf32>
    %integer_pow3A = arith.mulf %sub3A_17, %sub3A_17 : vector<10000x128xf32>
    %reduce_sum3A_18 = arith.constant dense<0.000000e+00> : vector<128xf32>
    %reduce_sum3A_19 = vector.multi_reduction <add>, %integer_pow3A, %reduce_sum3A_18 [0] : vector<10000x128xf32> to vector<128xf32>
    %broadcast_in_dim3A_20 = vector.shape_cast %reduce_sum3A_19 : vector<128xf32> to vector<1x128xf32>
    %div3A_21 = arith.constant 1.000000e+04 : f32
    %div3A_22 = vector.broadcast %div3A_21 : f32 to vector<1x128xf32>
    %div3A_23 = arith.divf %broadcast_in_dim3A_20, %div3A_22 : vector<1x128xf32>
    %sub3A_24 = vector.broadcast %div3A_16 : vector<1x128xf32> to vector<10000x128xf32>
    %sub3A_25 = arith.subf %select_n3A, %sub3A_24 : vector<10000x128xf32>
    %add3A_26 = arith.constant 9.99999974E-6 : f32
    %add3A_27 = vector.broadcast %add3A_26 : f32 to vector<1x128xf32>
    %add3A_28 = arith.addf %div3A_23, %add3A_27 : vector<1x128xf32>
    %sqrt3A = math.sqrt %add3A_28 : vector<1x128xf32>
    %div3A_29 = vector.broadcast %sqrt3A : vector<1x128xf32> to vector<10000x128xf32>
    %div3A_30 = arith.divf %sub3A_25, %div3A_29 : vector<10000x128xf32>
    %get3A_31 = arith.constant 0 : index
    %get3A_32 = arith.constant 0 : index
    %get3A_33 = vector.load %arg4[%get3A_31, %get3A_32] : memref<1x128xf32, #tpu.memory_space<vmem>>, vector<1x128xf32>
    %mul3A_34 = vector.broadcast %get3A_33 : vector<1x128xf32> to vector<10000x128xf32>
    %mul3A_35 = arith.mulf %div3A_30, %mul3A_34 : vector<10000x128xf32>
    %get3A_36 = arith.constant 0 : index
    %get3A_37 = arith.constant 0 : index
    %get3A_38 = vector.load %arg5[%get3A_36, %get3A_37] : memref<1x128xf32, #tpu.memory_space<vmem>>, vector<1x128xf32>
    %add3A_39 = vector.broadcast %get3A_38 : vector<1x128xf32> to vector<10000x128xf32>
    %add3A_40 = arith.addf %mul3A_35, %add3A_39 : vector<10000x128xf32>
    %get3A_41 = arith.constant 0 : index
    %get3A_42 = arith.constant 0 : index
    %get3A_43 = vector.load %arg1[%get3A_41, %get3A_42] : memref<10000x128xf32, #tpu.memory_space<vmem>>, vector<10000x128xf32>
    %get3A_44 = arith.constant 0 : index
    %get3A_45 = arith.constant 0 : index
    %get3A_46 = vector.load %arg6[%get3A_44, %get3A_45] : memref<128x128xf32, #tpu.memory_space<vmem>>, vector<128x128xf32>
    %dot_general3A_47 = arith.constant dense<0.000000e+00> : vector<10000x128xf32>
    %dot_general3A_48 = tpu.matmul %get3A_43, %get3A_46, %dot_general3A_47 {dimension_numbers = #tpu.dot_dimension_numbers<[1], [0], [0], [1], [0, 0, 1, 1], [], []>, transpose_lhs_hint = false} : vector<10000x128xf32>, vector<128x128xf32>, vector<10000x128xf32> -> vector<10000x128xf32>
    %get3A_49 = arith.constant 0 : index
    %get3A_50 = arith.constant 0 : index
    %get3A_51 = vector.load %arg7[%get3A_49, %get3A_50] : memref<1x128xf32, #tpu.memory_space<vmem>>, vector<1x128xf32>
    %add3A_52 = vector.broadcast %get3A_51 : vector<1x128xf32> to vector<10000x128xf32>
    %add3A_53 = arith.addf %dot_general3A_48, %add3A_52 : vector<10000x128xf32>
    %ge3A_54 = arith.constant 0.000000e+00 : f32
    %ge3A_55 = vector.broadcast %ge3A_54 : f32 to vector<10000x128xf32>
    %ge3A_56 = arith.cmpf oge, %add3A_53, %ge3A_55 : vector<10000x128xf32>
    %mul3A_57 = arith.constant 0.00999999977 : f32
    %mul3A_58 = vector.broadcast %mul3A_57 : f32 to vector<10000x128xf32>
    %mul3A_59 = arith.mulf %mul3A_58, %add3A_53 : vector<10000x128xf32>
    %select_n3A_60 = arith.select %ge3A_56, %add3A_53, %mul3A_59 : vector<10000x128xi1>, vector<10000x128xf32>
    %get3A_61 = arith.constant 0 : index
    %get3A_62 = arith.constant 0 : index
    %get3A_63 = vector.load %arg8[%get3A_61, %get3A_62] : memref<128x128xf32, #tpu.memory_space<vmem>>, vector<128x128xf32>
    %dot_general3A_64 = arith.constant dense<0.000000e+00> : vector<10000x128xf32>
    %dot_general3A_65 = tpu.matmul %select_n3A_60, %get3A_63, %dot_general3A_64 {dimension_numbers = #tpu.dot_dimension_numbers<[1], [0], [0], [1], [0, 0, 1, 1], [], []>, transpose_lhs_hint = false} : vector<10000x128xf32>, vector<128x128xf32>, vector<10000x128xf32> -> vector<10000x128xf32>
    %get3A_66 = arith.constant 0 : index
    %get3A_67 = arith.constant 0 : index
    %get3A_68 = vector.load %arg9[%get3A_66, %get3A_67] : memref<1x128xf32, #tpu.memory_space<vmem>>, vector<1x128xf32>
    %add3A_69 = vector.broadcast %get3A_68 : vector<1x128xf32> to vector<10000x128xf32>
    %add3A_70 = arith.addf %dot_general3A_65, %add3A_69 : vector<10000x128xf32>
    %get3A_71 = arith.constant 0 : index
    %get3A_72 = arith.constant 0 : index
    %get3A_73 = vector.load %arg10[%get3A_71, %get3A_72] : memref<128x128xf32, #tpu.memory_space<vmem>>, vector<128x128xf32>
    %dot_general3A_74 = arith.constant dense<0.000000e+00> : vector<10000x128xf32>
    %dot_general3A_75 = tpu.matmul %add3A_40, %get3A_73, %dot_general3A_74 {dimension_numbers = #tpu.dot_dimension_numbers<[1], [0], [0], [1], [0, 0, 1, 1], [], []>, transpose_lhs_hint = false} : vector<10000x128xf32>, vector<128x128xf32>, vector<10000x128xf32> -> vector<10000x128xf32>
    %get3A_76 = arith.constant 0 : index
    %get3A_77 = arith.constant 0 : index
    %get3A_78 = vector.load %arg10[%get3A_76, %get3A_77] : memref<128x128xf32, #tpu.memory_space<vmem>>, vector<128x128xf32>
    %dot_general3A_79 = arith.constant dense<0.000000e+00> : vector<10000x128xf32>
    %dot_general3A_80 = tpu.matmul %add3A_70, %get3A_78, %dot_general3A_79 {dimension_numbers = #tpu.dot_dimension_numbers<[1], [0], [0], [1], [0, 0, 1, 1], [], []>, transpose_lhs_hint = false} : vector<10000x128xf32>, vector<128x128xf32>, vector<10000x128xf32> -> vector<10000x128xf32>
    %swap3A = arith.constant 0 : index
    %swap3A_81 = arith.constant 0 : index
    %swap3A_82 = vector.load %arg17[%swap3A, %swap3A_81] : memref<10000x128xf32, #tpu.memory_space<vmem>>, vector<10000x128xf32>
    tpu.vector_store %arg17[%swap3A, %swap3A_81], %dot_general3A_75 {strides = array<i32>} : memref<10000x128xf32, #tpu.memory_space<vmem>>, vector<10000x128xf32>,
    %get3A_83 = arith.constant 0 : index
    %get3A_84 = arith.constant 0 : index
    %get3A_85 = vector.load %arg11[%get3A_83, %get3A_84] : memref<128x1xf32, #tpu.memory_space<vmem>>, vector<128x1xf32>
    %dot_general3A_86 = arith.constant dense<0.000000e+00> : vector<10000x1xf32>
    %dot_general3A_87 = tpu.matmul %dot_general3A_75, %get3A_85, %dot_general3A_86 {dimension_numbers = #tpu.dot_dimension_numbers<[1], [0], [0], [1], [0, 0, 1, 1], [], []>, transpose_lhs_hint = false} : vector<10000x128xf32>, vector<128x1xf32>, vector<10000x1xf32> -> vector<10000x1xf32>
    %swap3A_88 = arith.constant 0 : index
    %swap3A_89 = arith.constant 0 : index
    %swap3A_90 = vector.load %arg20[%swap3A_88, %swap3A_89] : memref<10000x1xf32, #tpu.memory_space<vmem>>, vector<10000x1xf32>
    tpu.vector_store %arg20[%swap3A_88, %swap3A_89], %dot_general3A_87 {strides = array<i32>} : memref<10000x1xf32, #tpu.memory_space<vmem>>, vector<10000x1xf32>,
    %get3A_91 = arith.constant 0 : index
    %get3A_92 = arith.constant 0 : index
    %get3A_93 = vector.load %arg12[%get3A_91, %get3A_92] : memref<128x1xf32, #tpu.memory_space<vmem>>, vector<128x1xf32>
    %dot_general3A_94 = arith.constant dense<0.000000e+00> : vector<10000x1xf32>
    %dot_general3A_95 = tpu.matmul %dot_general3A_80, %get3A_93, %dot_general3A_94 {dimension_numbers = #tpu.dot_dimension_numbers<[1], [0], [0], [1], [0, 0, 1, 1], [], []>, transpose_lhs_hint = false} : vector<10000x128xf32>, vector<128x1xf32>, vector<10000x1xf32> -> vector<10000x1xf32>
    %swap3A_96 = arith.constant 0 : index
    %swap3A_97 = arith.constant 0 : index
    %swap3A_98 = vector.load %arg21[%swap3A_96, %swap3A_97] : memref<10000x1xf32, #tpu.memory_space<vmem>>, vector<10000x1xf32>
    tpu.vector_store %arg21[%swap3A_96, %swap3A_97], %dot_general3A_95 {strides = array<i32>} : memref<10000x1xf32, #tpu.memory_space<vmem>>, vector<10000x1xf32>,
    %get3A_99 = arith.constant 0 : index
    %get3A_100 = arith.constant 0 : index
    %get3A_101 = vector.load %arg13[%get3A_99, %get3A_100] : memref<128x128xf32, #tpu.memory_space<vmem>>, vector<128x128xf32>
    %dot_general3A_102 = arith.constant dense<0.000000e+00> : vector<10000x128xf32>
    %dot_general3A_103 = tpu.matmul %add3A_40, %get3A_101, %dot_general3A_102 {dimension_numbers = #tpu.dot_dimension_numbers<[1], [0], [0], [1], [0, 0, 1, 1], [], []>, transpose_lhs_hint = false} : vector<10000x128xf32>, vector<128x128xf32>, vector<10000x128xf32> -> vector<10000x128xf32>
    %get3A_104 = arith.constant 0 : index
    %get3A_105 = arith.constant 0 : index
    %get3A_106 = vector.load %arg14[%get3A_104, %get3A_105] : memref<1x128xf32, #tpu.memory_space<vmem>>, vector<1x128xf32>
    %add3A_107 = vector.broadcast %get3A_106 : vector<1x128xf32> to vector<10000x128xf32>
    %add3A_108 = arith.addf %dot_general3A_103, %add3A_107 : vector<10000x128xf32>
    %swap3A_109 = arith.constant 0 : index
    %swap3A_110 = arith.constant 0 : index
    %swap3A_111 = vector.load %arg18[%swap3A_109, %swap3A_110] : memref<10000x128xf32, #tpu.memory_space<vmem>>, vector<10000x128xf32>
    tpu.vector_store %arg18[%swap3A_109, %swap3A_110], %add3A_108 {strides = array<i32>} : memref<10000x128xf32, #tpu.memory_space<vmem>>, vector<10000x128xf32>,
    %get3A_112 = arith.constant 0 : index
    %get3A_113 = arith.constant 0 : index
    %get3A_114 = vector.load %arg15[%get3A_112, %get3A_113] : memref<128x128xf32, #tpu.memory_space<vmem>>, vector<128x128xf32>
    %dot_general3A_115 = arith.constant dense<0.000000e+00> : vector<10000x128xf32>
    %dot_general3A_116 = tpu.matmul %add3A_70, %get3A_114, %dot_general3A_115 {dimension_numbers = #tpu.dot_dimension_numbers<[1], [0], [0], [1], [0, 0, 1, 1], [], []>, transpose_lhs_hint = false} : vector<10000x128xf32>, vector<128x128xf32>, vector<10000x128xf32> -> vector<10000x128xf32>
    %get3A_117 = arith.constant 0 : index
    %get3A_118 = arith.constant 0 : index
    %get3A_119 = vector.load %arg16[%get3A_117, %get3A_118] : memref<1x128xf32, #tpu.memory_space<vmem>>, vector<1x128xf32>
    %add3A_120 = vector.broadcast %get3A_119 : vector<1x128xf32> to vector<10000x128xf32>
    %add3A_121 = arith.addf %dot_general3A_116, %add3A_120 : vector<10000x128xf32>
    %swap3A_122 = arith.constant 0 : index
    %swap3A_123 = arith.constant 0 : index
    %swap3A_124 = vector.load %arg19[%swap3A_122, %swap3A_123] : memref<10000x128xf32, #tpu.memory_space<vmem>>, vector<10000x128xf32>
    tpu.vector_store %arg19[%swap3A_122, %swap3A_123], %add3A_121 {strides = array<i32>} : memref<10000x128xf32, #tpu.memory_space<vmem>>, vector<10000x128xf32>,
    return
  }
}

module attributes {stable_mosaic.version = 14 : i64} {
  func.func @_tc_mid1_body(%arg0: memref<2x10240x128xf32, #tpu.memory_space<vmem>>, %arg1: memref<2x10000xf32, #tpu.memory_space<vmem>>, %arg2: memref<2x10000xf32, #tpu.memory_space<vmem>>, %arg3: memref<10000x128xf32, #tpu.memory_space<vmem>>) attributes {dimension_semantics = [], scalar_prefetch = 0 : i64, scratch_operands = 0 : i64, tpu.core_type = #tpu.core_type<tc>} {
    %get3A = arith.constant 0 : index
    %get3A_0 = arith.constant 0 : index
    %get3A_1 = arith.constant 0 : index
    %get3A_2 = vector.load %arg0[%get3A, %get3A_0, %get3A_1] : memref<2x10240x128xf32, #tpu.memory_space<vmem>>, vector<2x10240x128xf32>
    %slice3A = vector.extract_strided_slice %get3A_2 {offsets = [0, 0, 0], sizes = [1, 10000, 128], strides = [1, 1, 1]} : vector<2x10240x128xf32> to vector<1x10000x128xf32>
    %squeeze3A = vector.shape_cast %slice3A : vector<1x10000x128xf32> to vector<10000x128xf32>
    %get3A_3 = arith.constant 0 : index
    %get3A_4 = arith.constant 0 : index
    %get3A_5 = arith.constant 0 : index
    %get3A_6 = vector.load %arg0[%get3A_3, %get3A_4, %get3A_5] : memref<2x10240x128xf32, #tpu.memory_space<vmem>>, vector<2x10240x128xf32>
    %slice3A_7 = vector.extract_strided_slice %get3A_6 {offsets = [1, 0, 0], sizes = [1, 10000, 128], strides = [1, 1, 1]} : vector<2x10240x128xf32> to vector<1x10000x128xf32>
    %squeeze3A_8 = vector.shape_cast %slice3A_7 : vector<1x10000x128xf32> to vector<10000x128xf32>
    %add3A = arith.addf %squeeze3A, %squeeze3A_8 : vector<10000x128xf32>
    %get3A_9 = arith.constant 0 : index
    %get3A_10 = arith.constant 0 : index
    %get3A_11 = vector.load %arg1[%get3A_9, %get3A_10] : memref<2x10000xf32, #tpu.memory_space<vmem>>, vector<2x10000xf32>
    %slice3A_12 = vector.extract_strided_slice %get3A_11 {offsets = [0, 0], sizes = [1, 10000], strides = [1, 1]} : vector<2x10000xf32> to vector<1x10000xf32>
    %squeeze3A_13 = vector.shape_cast %slice3A_12 : vector<1x10000xf32> to vector<10000xf32>
    %get3A_14 = arith.constant 0 : index
    %get3A_15 = arith.constant 0 : index
    %get3A_16 = vector.load %arg1[%get3A_14, %get3A_15] : memref<2x10000xf32, #tpu.memory_space<vmem>>, vector<2x10000xf32>
    %slice3A_17 = vector.extract_strided_slice %get3A_16 {offsets = [1, 0], sizes = [1, 10000], strides = [1, 1]} : vector<2x10000xf32> to vector<1x10000xf32>
    %squeeze3A_18 = vector.shape_cast %slice3A_17 : vector<1x10000xf32> to vector<10000xf32>
    %add3A_19 = arith.addf %squeeze3A_13, %squeeze3A_18 : vector<10000xf32>
    %add3A_20 = arith.constant 1.000000e-16 : f32
    %add3A_21 = vector.broadcast %add3A_20 : f32 to vector<10000xf32>
    %add3A_22 = arith.addf %add3A_19, %add3A_21 : vector<10000xf32>
    %get3A_23 = arith.constant 0 : index
    %get3A_24 = arith.constant 0 : index
    %get3A_25 = vector.load %arg2[%get3A_23, %get3A_24] : memref<2x10000xf32, #tpu.memory_space<vmem>>, vector<2x10000xf32>
    %slice3A_26 = vector.extract_strided_slice %get3A_25 {offsets = [0, 0], sizes = [1, 10000], strides = [1, 1]} : vector<2x10000xf32> to vector<1x10000xf32>
    %squeeze3A_27 = vector.shape_cast %slice3A_26 : vector<1x10000xf32> to vector<10000xf32>
    %get3A_28 = arith.constant 0 : index
    %get3A_29 = arith.constant 0 : index
    %get3A_30 = vector.load %arg2[%get3A_28, %get3A_29] : memref<2x10000xf32, #tpu.memory_space<vmem>>, vector<2x10000xf32>
    %slice3A_31 = vector.extract_strided_slice %get3A_30 {offsets = [1, 0], sizes = [1, 10000], strides = [1, 1]} : vector<2x10000xf32> to vector<1x10000xf32>
    %squeeze3A_32 = vector.shape_cast %slice3A_31 : vector<1x10000xf32> to vector<10000xf32>
    %add3A_33 = arith.addf %squeeze3A_27, %squeeze3A_32 : vector<10000xf32>
    %gt3A = arith.constant 0.000000e+00 : f32
    %gt3A_34 = vector.broadcast %gt3A : f32 to vector<10000xf32>
    %gt3A_35 = arith.cmpf ogt, %add3A_33, %gt3A_34 : vector<10000xf32>
    %div3A = arith.constant 1.000000e+00 : f32
    %div3A_36 = vector.broadcast %div3A : f32 to vector<10000xf32>
    %div3A_37 = arith.divf %div3A_36, %add3A_33 : vector<10000xf32>
    %jit3A = arith.constant 0.000000e+00 : f32
    %broadcast_in_dim3A = vector.broadcast %jit3A : f32 to vector<10000xf32>
    %select_n3A = arith.select %gt3A_35, %div3A_37, %broadcast_in_dim3A : vector<10000xi1>, vector<10000xf32>
    %mul3A = arith.mulf %add3A_22, %add3A_22 : vector<10000xf32>
    %div3A_38 = arith.divf %select_n3A, %mul3A : vector<10000xf32>
    %broadcast_in_dim3A_39 = vector.shape_cast %div3A_38 : vector<10000xf32> to vector<10000x1xf32>
    %mul3A_40 = vector.broadcast %broadcast_in_dim3A_39 : vector<10000x1xf32> to vector<10000x128xf32>
    %mul3A_41 = arith.mulf %add3A, %mul3A_40 : vector<10000x128xf32>
    %swap3A = arith.constant 0 : index
    %swap3A_42 = arith.constant 0 : index
    %swap3A_43 = vector.load %arg3[%swap3A, %swap3A_42] : memref<10000x128xf32, #tpu.memory_space<vmem>>, vector<10000x128xf32>
    tpu.vector_store %arg3[%swap3A, %swap3A_42], %mul3A_41 {strides = array<i32>} : memref<10000x128xf32, #tpu.memory_space<vmem>>, vector<10000x128xf32>,
    return
  }
}

module attributes {stable_mosaic.version = 14 : i64} {
  func.func @_tc_mid2_body(%arg0: memref<2x10240x128xf32, #tpu.memory_space<vmem>>, %arg1: memref<2x10000xf32, #tpu.memory_space<vmem>>, %arg2: memref<10000x128xf32, #tpu.memory_space<vmem>>, %arg3: memref<1x128xf32, #tpu.memory_space<vmem>>, %arg4: memref<1x128xf32, #tpu.memory_space<vmem>>, %arg5: memref<1x128xf32, #tpu.memory_space<vmem>>, %arg6: memref<10000x128xf32, #tpu.memory_space<vmem>>) attributes {dimension_semantics = [], scalar_prefetch = 0 : i64, scratch_operands = 0 : i64, tpu.core_type = #tpu.core_type<tc>} {
    %get3A = arith.constant 0 : index
    %get3A_0 = arith.constant 0 : index
    %get3A_1 = arith.constant 0 : index
    %get3A_2 = vector.load %arg0[%get3A, %get3A_0, %get3A_1] : memref<2x10240x128xf32, #tpu.memory_space<vmem>>, vector<2x10240x128xf32>
    %slice3A = vector.extract_strided_slice %get3A_2 {offsets = [0, 0, 0], sizes = [1, 10000, 128], strides = [1, 1, 1]} : vector<2x10240x128xf32> to vector<1x10000x128xf32>
    %squeeze3A = vector.shape_cast %slice3A : vector<1x10000x128xf32> to vector<10000x128xf32>
    %get3A_3 = arith.constant 0 : index
    %get3A_4 = arith.constant 0 : index
    %get3A_5 = arith.constant 0 : index
    %get3A_6 = vector.load %arg0[%get3A_3, %get3A_4, %get3A_5] : memref<2x10240x128xf32, #tpu.memory_space<vmem>>, vector<2x10240x128xf32>
    %slice3A_7 = vector.extract_strided_slice %get3A_6 {offsets = [1, 0, 0], sizes = [1, 10000, 128], strides = [1, 1, 1]} : vector<2x10240x128xf32> to vector<1x10000x128xf32>
    %squeeze3A_8 = vector.shape_cast %slice3A_7 : vector<1x10000x128xf32> to vector<10000x128xf32>
    %add3A = arith.addf %squeeze3A, %squeeze3A_8 : vector<10000x128xf32>
    %get3A_9 = arith.constant 0 : index
    %get3A_10 = arith.constant 0 : index
    %get3A_11 = vector.load %arg1[%get3A_9, %get3A_10] : memref<2x10000xf32, #tpu.memory_space<vmem>>, vector<2x10000xf32>
    %slice3A_12 = vector.extract_strided_slice %get3A_11 {offsets = [0, 0], sizes = [1, 10000], strides = [1, 1]} : vector<2x10000xf32> to vector<1x10000xf32>
    %squeeze3A_13 = vector.shape_cast %slice3A_12 : vector<1x10000xf32> to vector<10000xf32>
    %get3A_14 = arith.constant 0 : index
    %get3A_15 = arith.constant 0 : index
    %get3A_16 = vector.load %arg1[%get3A_14, %get3A_15] : memref<2x10000xf32, #tpu.memory_space<vmem>>, vector<2x10000xf32>
    %slice3A_17 = vector.extract_strided_slice %get3A_16 {offsets = [1, 0], sizes = [1, 10000], strides = [1, 1]} : vector<2x10000xf32> to vector<1x10000xf32>
    %squeeze3A_18 = vector.shape_cast %slice3A_17 : vector<1x10000xf32> to vector<10000xf32>
    %add3A_19 = arith.addf %squeeze3A_13, %squeeze3A_18 : vector<10000xf32>
    %gt3A = arith.constant 0.000000e+00 : f32
    %gt3A_20 = vector.broadcast %gt3A : f32 to vector<10000xf32>
    %gt3A_21 = arith.cmpf ogt, %add3A_19, %gt3A_20 : vector<10000xf32>
    %div3A = arith.constant 1.000000e+00 : f32
    %div3A_22 = vector.broadcast %div3A : f32 to vector<10000xf32>
    %div3A_23 = arith.divf %div3A_22, %add3A_19 : vector<10000xf32>
    %jit3A = arith.constant 0.000000e+00 : f32
    %broadcast_in_dim3A = vector.broadcast %jit3A : f32 to vector<10000xf32>
    %select_n3A = arith.select %gt3A_21, %div3A_23, %broadcast_in_dim3A : vector<10000xi1>, vector<10000xf32>
    %broadcast_in_dim3A_24 = vector.shape_cast %select_n3A : vector<10000xf32> to vector<10000x1xf32>
    %mul3A = vector.broadcast %broadcast_in_dim3A_24 : vector<10000x1xf32> to vector<10000x128xf32>
    %mul3A_25 = arith.mulf %add3A, %mul3A : vector<10000x128xf32>
    %get3A_26 = arith.constant 0 : index
    %get3A_27 = arith.constant 0 : index
    %get3A_28 = vector.load %arg3[%get3A_26, %get3A_27] : memref<1x128xf32, #tpu.memory_space<vmem>>, vector<1x128xf32>
    %add3A_29 = vector.broadcast %get3A_28 : vector<1x128xf32> to vector<10000x128xf32>
    %add3A_30 = arith.addf %mul3A_25, %add3A_29 : vector<10000x128xf32>
    %ge3A = arith.constant 0.000000e+00 : f32
    %ge3A_31 = vector.broadcast %ge3A : f32 to vector<10000x128xf32>
    %ge3A_32 = arith.cmpf oge, %add3A_30, %ge3A_31 : vector<10000x128xf32>
    %mul3A_33 = arith.constant 0.00999999977 : f32
    %mul3A_34 = vector.broadcast %mul3A_33 : f32 to vector<10000x128xf32>
    %mul3A_35 = arith.mulf %mul3A_34, %add3A_30 : vector<10000x128xf32>
    %select_n3A_36 = arith.select %ge3A_32, %add3A_30, %mul3A_35 : vector<10000x128xi1>, vector<10000x128xf32>
    %reduce_sum3A = arith.constant dense<0.000000e+00> : vector<128xf32>
    %reduce_sum3A_37 = vector.multi_reduction <add>, %select_n3A_36, %reduce_sum3A [0] : vector<10000x128xf32> to vector<128xf32>
    %broadcast_in_dim3A_38 = vector.shape_cast %reduce_sum3A_37 : vector<128xf32> to vector<1x128xf32>
    %div3A_39 = arith.constant 1.000000e+04 : f32
    %div3A_40 = vector.broadcast %div3A_39 : f32 to vector<1x128xf32>
    %div3A_41 = arith.divf %broadcast_in_dim3A_38, %div3A_40 : vector<1x128xf32>
    %sub3A = vector.broadcast %div3A_41 : vector<1x128xf32> to vector<10000x128xf32>
    %sub3A_42 = arith.subf %select_n3A_36, %sub3A : vector<10000x128xf32>
    %integer_pow3A = arith.mulf %sub3A_42, %sub3A_42 : vector<10000x128xf32>
    %reduce_sum3A_43 = arith.constant dense<0.000000e+00> : vector<128xf32>
    %reduce_sum3A_44 = vector.multi_reduction <add>, %integer_pow3A, %reduce_sum3A_43 [0] : vector<10000x128xf32> to vector<128xf32>
    %broadcast_in_dim3A_45 = vector.shape_cast %reduce_sum3A_44 : vector<128xf32> to vector<1x128xf32>
    %div3A_46 = arith.constant 1.000000e+04 : f32
    %div3A_47 = vector.broadcast %div3A_46 : f32 to vector<1x128xf32>
    %div3A_48 = arith.divf %broadcast_in_dim3A_45, %div3A_47 : vector<1x128xf32>
    %sub3A_49 = vector.broadcast %div3A_41 : vector<1x128xf32> to vector<10000x128xf32>
    %sub3A_50 = arith.subf %select_n3A_36, %sub3A_49 : vector<10000x128xf32>
    %add3A_51 = arith.constant 9.99999974E-6 : f32
    %add3A_52 = vector.broadcast %add3A_51 : f32 to vector<1x128xf32>
    %add3A_53 = arith.addf %div3A_48, %add3A_52 : vector<1x128xf32>
    %sqrt3A = math.sqrt %add3A_53 : vector<1x128xf32>
    %div3A_54 = vector.broadcast %sqrt3A : vector<1x128xf32> to vector<10000x128xf32>
    %div3A_55 = arith.divf %sub3A_50, %div3A_54 : vector<10000x128xf32>
    %get3A_56 = arith.constant 0 : index
    %get3A_57 = arith.constant 0 : index
    %get3A_58 = vector.load %arg4[%get3A_56, %get3A_57] : memref<1x128xf32, #tpu.memory_space<vmem>>, vector<1x128xf32>
    %mul3A_59 = vector.broadcast %get3A_58 : vector<1x128xf32> to vector<10000x128xf32>
    %mul3A_60 = arith.mulf %div3A_55, %mul3A_59 : vector<10000x128xf32>
    %get3A_61 = arith.constant 0 : index
    %get3A_62 = arith.constant 0 : index
    %get3A_63 = vector.load %arg5[%get3A_61, %get3A_62] : memref<1x128xf32, #tpu.memory_space<vmem>>, vector<1x128xf32>
    %add3A_64 = vector.broadcast %get3A_63 : vector<1x128xf32> to vector<10000x128xf32>
    %add3A_65 = arith.addf %mul3A_60, %add3A_64 : vector<10000x128xf32>
    %get3A_66 = arith.constant 0 : index
    %get3A_67 = arith.constant 0 : index
    %get3A_68 = vector.load %arg2[%get3A_66, %get3A_67] : memref<10000x128xf32, #tpu.memory_space<vmem>>, vector<10000x128xf32>
    %add3A_69 = arith.addf %add3A_65, %get3A_68 : vector<10000x128xf32>
    %swap3A = arith.constant 0 : index
    %swap3A_70 = arith.constant 0 : index
    %swap3A_71 = vector.load %arg6[%swap3A, %swap3A_70] : memref<10000x128xf32, #tpu.memory_space<vmem>>, vector<10000x128xf32>
    tpu.vector_store %arg6[%swap3A, %swap3A_70], %add3A_69 {strides = array<i32>} : memref<10000x128xf32, #tpu.memory_space<vmem>>, vector<10000x128xf32>,
    return
  }
}

module attributes {stable_mosaic.version = 14 : i64} {
  func.func @_tc_post_body(%arg0: memref<10000x128xf32, #tpu.memory_space<vmem>>, %arg1: memref<10000x128xf32, #tpu.memory_space<vmem>>, %arg2: memref<128x128xf32, #tpu.memory_space<vmem>>, %arg3: memref<128x64xf32, #tpu.memory_space<vmem>>, %arg4: memref<1x64xf32, #tpu.memory_space<vmem>>, %arg5: memref<10000x64xf32, #tpu.memory_space<vmem>>) attributes {dimension_semantics = [], scalar_prefetch = 0 : i64, scratch_operands = 0 : i64, tpu.core_type = #tpu.core_type<tc>} {
    %get3A = arith.constant 0 : index
    %get3A_0 = arith.constant 0 : index
    %get3A_1 = vector.load %arg0[%get3A, %get3A_0] : memref<10000x128xf32, #tpu.memory_space<vmem>>, vector<10000x128xf32>
    %get3A_2 = arith.constant 0 : index
    %get3A_3 = arith.constant 0 : index
    %get3A_4 = vector.load %arg2[%get3A_2, %get3A_3] : memref<128x128xf32, #tpu.memory_space<vmem>>, vector<128x128xf32>
    %dot_general3A = arith.constant dense<0.000000e+00> : vector<10000x128xf32>
    %dot_general3A_5 = tpu.matmul %get3A_1, %get3A_4, %dot_general3A {dimension_numbers = #tpu.dot_dimension_numbers<[1], [0], [0], [1], [0, 0, 1, 1], [], []>, transpose_lhs_hint = false} : vector<10000x128xf32>, vector<128x128xf32>, vector<10000x128xf32> -> vector<10000x128xf32>
    %get3A_6 = arith.constant 0 : index
    %get3A_7 = arith.constant 0 : index
    %get3A_8 = vector.load %arg1[%get3A_6, %get3A_7] : memref<10000x128xf32, #tpu.memory_space<vmem>>, vector<10000x128xf32>
    %add3A = arith.addf %dot_general3A_5, %get3A_8 : vector<10000x128xf32>
    %ge3A = arith.constant 0.000000e+00 : f32
    %ge3A_9 = vector.broadcast %ge3A : f32 to vector<10000x128xf32>
    %ge3A_10 = arith.cmpf oge, %add3A, %ge3A_9 : vector<10000x128xf32>
    %mul3A = arith.constant 0.00999999977 : f32
    %mul3A_11 = vector.broadcast %mul3A : f32 to vector<10000x128xf32>
    %mul3A_12 = arith.mulf %mul3A_11, %add3A : vector<10000x128xf32>
    %select_n3A = arith.select %ge3A_10, %add3A, %mul3A_12 : vector<10000x128xi1>, vector<10000x128xf32>
    %get3A_13 = arith.constant 0 : index
    %get3A_14 = arith.constant 0 : index
    %get3A_15 = vector.load %arg3[%get3A_13, %get3A_14] : memref<128x64xf32, #tpu.memory_space<vmem>>, vector<128x64xf32>
    %dot_general3A_16 = arith.constant dense<0.000000e+00> : vector<10000x64xf32>
    %dot_general3A_17 = tpu.matmul %select_n3A, %get3A_15, %dot_general3A_16 {dimension_numbers = #tpu.dot_dimension_numbers<[1], [0], [0], [1], [0, 0, 1, 1], [], []>, transpose_lhs_hint = false} : vector<10000x128xf32>, vector<128x64xf32>, vector<10000x64xf32> -> vector<10000x64xf32>
    %get3A_18 = arith.constant 0 : index
    %get3A_19 = arith.constant 0 : index
    %get3A_20 = vector.load %arg4[%get3A_18, %get3A_19] : memref<1x64xf32, #tpu.memory_space<vmem>>, vector<1x64xf32>
    %add3A_21 = vector.broadcast %get3A_20 : vector<1x64xf32> to vector<10000x64xf32>
    %add3A_22 = arith.addf %dot_general3A_17, %add3A_21 : vector<10000x64xf32>
    %swap3A = arith.constant 0 : index
    %swap3A_23 = arith.constant 0 : index
    %swap3A_24 = vector.load %arg5[%swap3A, %swap3A_23] : memref<10000x64xf32, #tpu.memory_space<vmem>>, vector<10000x64xf32>
    tpu.vector_store %arg5[%swap3A, %swap3A_23], %add3A_22 {strides = array<i32>} : memref<10000x64xf32, #tpu.memory_space<vmem>>, vector<10000x64xf32>,
    return
  }
}

</mosaic_0001>

<sc_bundles>
// kernel: kernel.12.cloned.1.call-start
scs
__scs_entry_jumppad:
0x0: {  	(pc) =	sbr.rel $0x88, $3  }
0x1: {  	(tag) =	ssettag $0x0;
	lr =	simm.s32 $0x1  }
0x2: {  	[smem:$0x3F8B] =	sst lr;
	_ =	strace $0xD0000000  }
0x3: {  	_ = 	snop  }
0x4: {  	_ = 	snop  }
0x5: {  	_ = 	snop  }
0x6: {  	_ = 	snop  }
0x7: {  	_ = 	snop  }
__scs_overlays_trampoline_lowered:
0x8: {  	[smem:$0x3F9A] =	sst s0  }
0x9: {  	[smem:$0x3F9B] =	sst s1  }
0xa: {  	[smem:$0x3F9C] =	sst s2  }
0xb: {  	[smem:$0x3F9D] =	sst s3  }
0xc: {  	[smem:$0x3F9E] =	sst s4  }
0xd: {  	[smem:$0x3F9F] =	sst s5  }
0xe: {  	[smem:$0x3FA0] =	sst s6  }
0xf: {  	[smem:$0x3FA1] =	sst s7  }
0x10: {  	[smem:$0x3FA2] =	sst s8  }
0x11: {  	[smem:$0x3FA3] =	sst s9;
	s0 =	simm.s32 @!p0 $0x0  }
0x12: {  	s1 =	sld [smem:$0x3F89];
	s0 =	simm.s32 @p0 $0x1  }
0x13: {  	[smem:$0x3FA4] =	sst s0;
	s0 =	simm.s32 @!p1 $0x0  }
0x14: {  	s2 =	sld [smem:$0x3F88];
	s0 =	simm.s32 @p1 $0x1  }
0x15: {  	[smem:$0x3FA5] =	sst s0;
	s0 =	simm.s32 @!p2 $0x0  }
0x16: {  	s3 =	sld [smem:$0x3FDB];
	s0 =	simm.s32 @p2 $0x1  }
0x17: {  	s4 =	simm.s32 $0x1BF5;
	[smem:$0x3FA7] =	sst s0  }
0x18: {  	s0 =	sld [smem:$0x3F8A];
	_ =	swait.ge [sflag:s4], $0x0  }
0x19: {  	s7 =	sld [smem:$0x3F8B]  }
0x1a: {  	s8 =	sadd.s32 $0xFFFFE003, lr  }
0x1b: {  	s9 =	sadd.s32 $0xFFFFFEF7, lr;
	s5 =	simm.s32 $0xFFFFFFFF;
	p2 =	slt.u32 s8, $0xFFFFF086  }
0x1c: {  	p1 =	slt.u32 s9, $0xF7A;
	s5 =	simm.s32 @!p2 $0x0  }
0x1d: {  	s5 =	simm.s32 @p1 $0x1;
	p0 =	seq.s32 s7, s2  }
0x1e: {  	s7 =	smul.u32 @!p0 $0xF7A, s2;
	p2 =	seq.s32 @!p0 s5, $0x0  }
0x1f: {  	s9 =	smul.u32 $0xF7A, s1;
	s8 =	simm.s32 @!p0 $0x1BF5;
	p2 =	por !p2, p0  }
0x20: {  	[sflag:s8] =	ssyncset.s32 @!p0 $0xFFFFF086;
	s6 =	sadd.s32 @!p0 s3, s7;
	s7 =	simm.s32 @!p0 $0x108  }
0x21: {  	s3 =	sadd.s32 s3, s9;
	s6 =	sadd.s32 @!p0 $0x88, s6;
	s7 =	simm.s32 @p2 $0x1082  }
0x22: {  	[simem:s7], [sflag:s8] =	dma.local @!p0 [hbm:s6], $0xF7A  }
0x23: {  	s9 =	sor.u32 $0xD0000000, s2;
	s6 =	simm.s32 $0x108;
	_ =	swait.ge @!p0 [sflag:s8], $0x0  }
0x24: {  	s3 =	sadd.s32 $0x88, s3;
	s6 =	simm.s32 @!p1 $0x1082;
	[sflag:s4] =	ssyncset.s32 $0xFFFFF086  }
0x25: {  	[simem:s6], [sflag:s4] =	dma.local [hbm:s3], $0xF7A  }
0x26: {  	[smem:$0x3F8B] =	sst s1;
	(tag) =	ssettag s2;
	_ =	strace s9  }
0x27: {  	s1 =	sld [smem:$0x3F9B]  }
0x28: {  	s2 =	sld [smem:$0x3F9C]  }
0x29: {  	s4 =	sld [smem:$0x3F9E]  }
0x2a: {  	p0 =	seq.s32 s5, $0x0;
	s5 =	sld [smem:$0x3F9F]  }
0x2b: {  	s6 =	sld [smem:$0x3FA0]  }
0x2c: {  	s7 =	sld [smem:$0x3FA1]  }
0x2d: {  	s3 =	simm.s32 $0x108;
	s8 =	sld [smem:$0x3FA2]  }
0x2e: {  	s3 =	simm.s32 @!p0 $0x1082;
	s9 =	sld [smem:$0x3FA3]  }
0x2f: {  	lr =	sadd.s32 s0, s3;
	s0 =	sld [smem:$0x3F9A]  }
0x30: {  	s3 =	sld [smem:$0x3F9D]  }
0x31: {  	[smem:$0x3FA6] =	sst s10  }
0x32: {  	s10 =	sld [smem:$0x3FA4];
	_ =	sdelay $0x3  }
0x33: {  	p0 =	seq.s32 s10, $0x1;
	s10 =	sld [smem:$0x3FA6];
	_ =	sdelay $0x3  }
0x34: {  	[smem:$0x3FA6] =	sst s10  }
0x35: {  	s10 =	sld [smem:$0x3FA5];
	_ =	sdelay $0x3  }
0x36: {  	p1 =	seq.s32 s10, $0x1;
	s10 =	sld [smem:$0x3FA6];
	_ =	sdelay $0x3  }
0x37: {  	[smem:$0x3FA6] =	sst s10  }
0x38: {  	s10 =	sld [smem:$0x3FA7]  }
0x39: {  	_ = 	snop;
	(pc) =	sbr.ind lr, $3  }
0x3a: {  	_ = 	snop  }
0x3b: {  	_ = 	snop  }
0x3c: {  	p2 =	seq.s32 s10, $0x1;
	s10 =	sld [smem:$0x3FA6]  }
0x3d: {  	_ =	shalt  }
0x3e: {  	_ =	shalt  }
0x3f: {  	_ =	shalt  }
0x40: {  	_ =	shalt  }
0x41: {  	_ =	shalt  }
0x42: {  	_ =	shalt  }
0x43: {  	_ =	shalt  }
0x44: {  	_ =	shalt  }
0x45: {  	_ =	shalt  }
0x46: {  	_ =	shalt  }
0x47: {  	_ =	shalt  }
0x48: {  	_ =	shalt  }
0x49: {  	_ =	shalt  }
0x4a: {  	_ =	shalt  }
0x4b: {  	_ =	shalt  }
0x4c: {  	_ =	shalt  }
0x4d: {  	_ =	shalt  }
0x4e: {  	_ =	shalt  }
0x4f: {  	_ =	shalt  }
0x50: {  	_ =	shalt  }
0x51: {  	_ =	shalt  }
0x52: {  	_ =	shalt  }
0x53: {  	_ =	shalt  }
0x54: {  	_ =	shalt  }
0x55: {  	_ =	shalt  }
0x56: {  	_ =	shalt  }
0x57: {  	_ =	shalt  }
0x58: {  	_ =	shalt  }
0x59: {  	_ =	shalt  }
0x5a: {  	_ =	shalt  }
0x5b: {  	_ =	shalt  }
0x5c: {  	_ =	shalt  }
0x5d: {  	_ =	shalt  }
0x5e: {  	_ =	shalt  }
0x5f: {  	_ =	shalt  }
0x60: {  	_ =	shalt  }
0x61: {  	_ =	shalt  }
0x62: {  	_ =	shalt  }
0x63: {  	_ =	shalt  }
0x64: {  	_ =	shalt  }
0x65: {  	_ =	shalt  }
0x66: {  	_ =	shalt  }
0x67: {  	_ =	shalt  }
0x68: {  	_ =	shalt  }
0x69: {  	_ =	shalt  }
0x6a: {  	_ =	shalt  }
0x6b: {  	_ =	shalt  }
0x6c: {  	_ =	shalt  }
0x6d: {  	_ =	shalt  }
0x6e: {  	_ =	shalt  }
0x6f: {  	_ =	shalt  }
0x70: {  	_ =	shalt  }
0x71: {  	_ =	shalt  }
0x72: {  	_ =	shalt  }
0x73: {  	_ =	shalt  }
0x74: {  	_ =	shalt  }
0x75: {  	_ =	shalt  }
0x76: {  	_ =	shalt  }
0x77: {  	_ =	shalt  }
0x78: {  	_ =	shalt  }
0x79: {  	_ =	shalt  }
0x7a: {  	_ =	shalt  }
0x7b: {  	_ =	shalt  }
0x7c: {  	_ =	shalt  }
0x7d: {  	_ =	shalt  }
0x7e: {  	_ =	shalt  }
0x7f: {  	_ =	shalt  }
0x80: {  	_ =	shalt  }
0x81: {  	_ =	shalt  }
0x82: {  	_ =	shalt  }
0x83: {  	_ =	shalt  }
0x84: {  	_ =	shalt  }
0x85: {  	_ =	shalt  }
0x86: {  	_ =	shalt  }
0x87: {  	_ =	shalt  }
.Lfunc_end0:
.L_simem_size_0:
called_computation.1_lowered:
.L_overlay_start_0:
0x88: {  	s2 =	sld [smem:$0x3FD9]  }
0x89: {  	s3 =	sld [smem:$0x3FFE];
	_ =	sdelay $0x1  }
0x8a: {  	s1 =	srdreg.scid  }
0x8b: {  	s0 =	sand.u32 $0x1, s1  }
0x8c: {  	s17 =	sshll.u32 s0, $0xA;
	s2 =	sadd.s32 s3, s2  }
0x8d: {  	s2 =	sadd.s32 s2, s17  }
0x8e: {  	[smem:$0x3FB2] =	sst s2  }
0x8f: {  	_ = 	snop  }
0x90: {  	s2 =	sld [smem:$0x3FD0];
	(tm) =	ssettm $0x1  }
0x91: {  	s18 =	sld [smem:$0x3FFB];
	_ =	sdelay $0x3  }
0x92: {  	_ =	strace s18  }
0x93: {  	s3 =	sld [smem:$0x3FFC];
	_ =	sdelay $0x3  }
0x94: {  	_ =	strace s3  }
0x95: {  	s3 =	sld [smem:$0x3FFD];
	_ =	sdelay $0x3  }
0x96: {  	_ =	strace s3  }
0x97: {  	_ =	strace $0x8FFFFFFF  }
0x98: {  	s19 =	sld [smem:$0x3FDB];
	_ =	sdelay $0x1  }
0x99: {  	s4 =	simm.s32 $_scs_section_size  }
0x9a: {  	s5 =	simm.s32 $_size__tile_overlayer_lowered;
	s6 =	simm.s32 $_tile_overlayer_lowered  }
0x9b: {  	s22 =	simm.s32 $0x1BFF;
	s21 =	sshll.u32 s6, $0x1;
	s3 =	sadd.s32 s4, s19  }
0x9c: {  	s7 =	simm.s32 $0x0;
	s20 =	sshll.u32 s5, $0x1;
	s5 =	sadd.s32 s21, s3  }
0x9d: {  	[timem:s7], [sflag:s22] =	dma.local [hbm:s5], s20  }
0x9e: {  	_ =	swait.ge [sflag:s22], s20  }
0x9f: {  	s4 =	ssub.s32 $0x0, s20;
	[sflag:s22] =	ssyncset.done $0x0  }
0xa0: {  	[sflag:s22] =	ssyncadd.s32 s4;
	_ =	sdelay $0x1  }
0xa1: {  	s23 =	simm.s32 $0x1B8B  }
0xa2: {  	_ =	swait.ge [sflag:s23], $0x1  }
0xa3: {  	[sflag:s23] =	ssyncset.done $0x0  }
0xa4: {  	s25 =	simm.s32 $0x1B8E;
	s24 =	sld [smem:$0x3FFE];
	[sflag:s23] =	ssyncadd.s32 $0xFFFFFFFF  }
0xa5: {  	s26 =	simm.s32 $execute0_lowered;
	[smem:$0x3FD2] =	sst s25  }
0xa6: {  	s5 =	sshll.u32 s26, $0x1;
	_ =	strace $0x80000049;
	[dreg:$0x1] =	wrdreg $0xFFFFFFFF  }
0xa7: {  	s28 =	simm.s32 $_size_execute0_lowered;
	s3 =	sadd.s32 s3, s5;
	[dreg:$0x0] =	wrdreg $0x0  }
0xa8: {  	s5 =	sshll.u32 s28, $0x1;
	[dreg:$0x2] =	wrdreg s3  }
0xa9: {  	[dreg:$0x3] =	wrdreg s5  }
0xaa: {  	[dreg:$0x4] =	wrdreg $0xC0  }
0xab: {  	_ =	task [dreg:s7], $0x5FFFF  }
0xac: {  	[dreg:$0x1] =	wrdreg $0xFFFFFFFF  }
0xad: {  	[dreg:$0x0] =	wrdreg $0x60  }
0xae: {  	[dreg:$0x2] =	wrdreg s24  }
0xaf: {  	[dreg:$0x3] =	wrdreg s2  }
0xb0: {  	[dreg:$0x4] =	wrdreg $0x6A000  }
0xb1: {  	[dreg:$0x5] =	wrdreg $0x9  }
0xb2: {  	_ =	task.clear_ibuf [dreg:s7], $0x6FFFF;
	_ =	strace $0x90000049  }
0xb3: {  	s29 =	simm.s32 $0x9;
	_ =	strace $0x8000004B  }
0xb4: {  	_ =	swait.ge [sflag:s29], $0x1  }
0xb5: {  	[sflag:s29] =	ssyncadd.s32 $0xFFFFFFFF  }
0xb6: {  	_ =	strace $0x9000004B  }
0xb7: {  	_ =	sfence  }
0xb8: {  	s30 =	sld [smem:$0x0];
	_ =	sdelay $0x2  }
0xb9: {  	s31 =	sshll.u32 s1, $0xD;
	s1 =	sshrl.u32 s1, $0x2  }
0xba: {  	s3 =	sand.u32 $0x4000, s31;
	s1 =	sadd.s32 s1, s30  }
0xbb: {  	s0 =	sor.u32 s3, s0;
	s1 =	sshll.u32 s1, $0x11  }
0xbc: {  	s0 =	sor.u32 s1, s0  }
0xbd: {  	s0 =	sadd.s32 $0x8F2B, s0  }
0xbe: {  	[sflag:s0] =	ssyncadd.remote.s32 $0x1  }
0xbf: {  	_ =	sfence.sel $0xFFFF  }
0xc0: {  	[dreg:$0x0] =	wrdreg $0xFFFFFFFF;
	(pc) =	sbr.abs _section_cstart, $3  }
0xc1: {  	[dreg:$0x1] =	wrdreg $0xFFFFFFFF  }
0xc2: {  	_ =	task.clear_ibuf [dreg:s7], $0x2FFFF;
	_ =	strace $0x9FFFFFFF  }
0xc3: {  	(tm) =	ssettm $0x7FFFFFFF  }
tec
execute0_lowered:
.L_overlay_start_1:
0x0: {  	(tag) =	ssettag $0x1  }
0x1: {  	s9 =	rddreg [dreg:$0x0]  }
0x2: {  	s2 =	rddreg [dreg:$0x1]  }
0x3: {  	s3 =	rddreg [dreg:$0x2]  }
0x4: {  	s0 =	rddreg [dreg:$0x3]  }
0x5: {  	s4 =	simm.s32 $0x0;
	s1 =	stileid.u32;
	s5 =	srdreg.scid  }
0x6: {  	s17 =	simm.s32 $0x300;
	s18 =	simm.s32 $0xC8;
	s19 =	simm.s32 $0x600  }
0x7: {  	s20 =	simm.s32 $0x100;
	s21 =	simm.s32 $0x400;
	[smem:$0x7FF] =	sst s4  }
0x8: {  	s10 =	smul.u32 $0x14000, s1;
	s11 =	sand.u32 $0x1, s5;
	s5 =	sadd.s32 $0x10200, s9  }
0x9: {  	s6 =	sadd.s32 $0x4000, s9;
	s7 =	sadd.s32 $0x51E00, s9;
	s8 =	sadd.s32 $0x3A00, s9  }
0xa: {  	s14 =	smul.u32 $0x50000, s1;
	s29 =	sshll.u32 s1, $0x1;
	s31 =	sshll.u32 s1, $0x6  }
0xb: {  	_ =	strace $0x8000004A;
	s12 =	smul.u32 $0x140000, s11;
	s26 =	ssub.s32 $0x2, s11  }
0xc: {  	s11 =	sor.u32 s11, s29;
	s13 =	sshrl.u32 s10, $0x3;
	s28 =	sshrl.u32 s26, $0x1  }
0xd: {  	s30 =	sshrl.u32 s14, $0x2;
	s11 =	smul.u32 $0x2710, s11;
	s10 =	sadd.s32 s10, s12  }
0xe: {  	s13 =	sadd.s32 s13, s9;
	s14 =	sadd.s32 s30, s3;
	s10 =	sshrl.u32 s10, $0x3  }
0xf: {  	s16 =	ssub.s32 s26, s28;
	s14 =	sshrl.u32 s14, $0x3;
	s15 =	sadd.s32 s10, s9  }
0x10: {  	s9 =	sadd.s32 $0x52400, s13;
	s10 =	sor.u32 $0x1C01, s31;
	s13 =	smax.u32 s16, $0x1  }
0x11: {  	v0 =	vimm.f32 $1.000000000e+00;
	s16 =	simm.s32 $0x200;
	s12 =	sadd.s32 $0x7A400, s15;
	s15 =	simm.s32 $0x1  }
.LBB2_1:
0x12: {  	[spmem:s14], [sflag:s10] =	dma.local [hbm:s9], $0x2800  }
0x13: {  	_ =	swait.ge [sflag:s15], $0x2800  }
0x14: {  	[sflag:s15] =	ssyncset.done $0x0  }
0x15: {  	[sflag:s15] =	ssyncadd.s32 $0xFFFFD800  }
0x16: {  	[tilespmem:$0x500] =	vst v0  }
0x17: {  	[tilespmem:$0x510] =	vst v0  }
0x18: {  	[tilespmem:$0x520] =	vst v0  }
0x19: {  	[tilespmem:$0x530] =	vst v0  }
0x1a: {  	[tilespmem:$0x540] =	vst v0  }
0x1b: {  	[tilespmem:$0x550] =	vst v0  }
0x1c: {  	[tilespmem:$0x560] =	vst v0  }
0x1d: {  	[tilespmem:$0x570] =	vst v0  }
0x1e: {  	[tilespmem:$0x580] =	vst v0  }
0x1f: {  	[tilespmem:$0x590] =	vst v0  }
0x20: {  	[tilespmem:$0x5A0] =	vst v0  }
0x21: {  	[tilespmem:$0x5B0] =	vst v0  }
0x22: {  	[tilespmem:$0x5C0] =	vst v0  }
0x23: {  	s22 =	simm.s32 $0x0;
	[bflag:$0x0] =	sbarrier.arrive $0xFFFF  }
.LBB2_2:
0x24: {  	s23 =	smul.u32 $0xC8, s22;
	_ =	sdelay $0x1  }
0x25: {  	s23 =	sadd.s32 s11, s23  }
0x26: {  	s24 =	sshrl.u32 s23, $0x3  }
0x27: {  	s23 =	simm.s32 $0x0;
	s25 =	sadd.s32 s6, s24  }
0x28: {  	[tilespmem:s16], [sflag:$0x1] =	stream.linear.gather [hbm4b:s25+s23], $0xC8, $0x38;
	[tilespmem:$0x1AA00] =	vst v63  }
0x29: {  	_ =	swait.ge [sflag:s15], $0xC8  }
0x2a: {  	[sflag:s15] =	ssyncset.done $0x0  }
0x2b: {  	s24 =	sadd.s32 s2, s24;
	[sflag:s15] =	ssyncadd.s32 $0xFFFFFF38  }
0x2c: {  	[tilespmem:s17], [sflag:$0x1] =	stream.linear.gather [hbm4b:s24+s23], $0xC8, $0x38;
	[tilespmem:$0x1AA00] =	vst v63  }
0x2d: {  	_ =	swait.ge [sflag:s15], $0xC8  }
0x2e: {  	[sflag:s15] =	ssyncset.done $0x0  }
0x2f: {  	[sflag:s15] =	ssyncadd.s32 $0xFFFFFF38  }
0x30: {  	[tilespmem:s19], [sflag:$0x1] =	stream.indirect.gather [hbm4b:s5+s18], $0x80, s17, s18, $0xb8;
	[tilespmem:$0x1AA00] =	vst v63  }
0x31: {  	_ =	swait.ge [sflag:s15], $0x6400  }
0x32: {  	[sflag:s15] =	ssyncset.done $0x0  }
0x33: {  	[sflag:s15] =	ssyncadd.s32 $0xFFFF9C00  }
0x34: {  	[tilespmem:s23], [sflag:$0x1] =	stream.indirect.gather [hbm4b:s7+s18], $0x1, s16, s18, $0xb8;
	[tilespmem:$0x1AA00] =	vst v63  }
0x35: {  	_ =	swait.ge [sflag:s15], $0xC8  }
0x36: {  	[sflag:s15] =	ssyncset.done $0x0  }
0x37: {  	[sflag:s15] =	ssyncadd.s32 $0xFFFFFF38  }
0x38: {  	[tilespmem:s20], [sflag:$0x1] =	stream.indirect.gather [hbm4b:s8+s18], $0x1, s17, s18, $0xb8;
	[tilespmem:$0x1AA00] =	vst v63  }
0x39: {  	_ =	swait.ge [sflag:s15], $0xC8  }
0x3a: {  	[sflag:s15] =	ssyncset.done $0x0  }
0x3b: {  	s24 =	simm.s32 $0x0;
	[sflag:s15] =	ssyncadd.s32 $0xFFFFFF38  }
0x3c: {  	v1 =	vld [tilespmem:s24+$0x0]  }
0x3d: {  	v2 =	vld [tilespmem:s24+$0x100];
	_ =	sdelay $0x4  }
0x3e: {  	v1 =	vadd.f32 v2, v1;
	_ =	sdelay $0x1  }
0x3f: {  	s25 =	simm.s32 $0x10;
	v2 =	vmul.f32 $2.000000030e-01, v1  }
0x40: {  	v3 =	vld [tilespmem:s25+$0x0]  }
0x41: {  	v4 =	vld [tilespmem:s25+$0x100];
	v1 =	vmax.f32 v1, v2  }
0x42: {  	s28 =	simm.s32 $0x20;
	v1 =	vmul.f32 $1.442695020e+00, v1  }
0x43: {  	v2 =	vld [tilespmem:s28+$0x0]  }
0x44: {  	(erf) = vpow2.f32 v1;
	v1 =	vld [tilespmem:s28+$0x100];
	_ =	sdelay $0x1  }
0x45: {  	v3 =	vadd.f32 v4, v3;
	_ =	sdelay $0x1  }
0x46: {  	v4 =	vmul.f32 $2.000000030e-01, v3  }
0x47: {  	v5 =	vadd.f32 v1, v2  }
0x48: {  	v1 =	vmax.f32 v3, v4  }
0x49: {  	s26 =	simm.s32 $0x30;
	v2 =	vmul.f32 $1.442695020e+00, v1;
	v3 =	vmul.f32 $2.000000030e-01, v5  }
0x4a: {  	v1 =	vld [tilespmem:s26+$0x0]  }
0x4b: {  	(erf) = vpow2.f32 v2;
	v2 =	vld [tilespmem:s26+$0x100];
	_ =	sdelay $0x1  }
0x4c: {  	s29 =	simm.s32 $0x100;
	v4 =	vmax.f32 v5, v3;
	v3 =	vpop (erf)  }
.LBB2_3:
0x4d: {  	s30 =	sshra.s32 s29, $0x2  }
0x4e: {  	v4 =	vmul.f32 $1.442695020e+00, v4;
	[tilespmem:s24+$0x400] =	vst v3;
	s24 =	smov.u32 s25;
	s25 =	smov.u32 s28;
	p0 =	sne.s32 s29, $0x300  }
.Ltmp0:
0x4f: {  	s29 =	sadd.s32 $0x40, s29;
	v3 =	vadd.f32 v2, v1;
	v1 =	vld [tilespmem:s30+$0x0];
	(pc) =	sbr.rel @p0 .LBB2_3-.Ltmp0, $3  }
0x50: {  	s28 =	smov.u32 s26;
	s26 =	smov.u32 s30;
	v2 =	vld [tilespmem:s30+$0x100];
	(erf) = vpow2.f32 v4  }
0x51: {  	v4 =	vmul.f32 $2.000000030e-01, v3;
	_ =	sdelay $0x1  }
0x52: {  	v4 =	vmax.f32 v3, v4;
	v3 =	vpop (erf)  }
0x53: {  	_ = 	snop  }
0x54: {  	v1 =	vadd.f32 v2, v1;
	_ =	sdelay $0x1  }
0x55: {  	v2 =	vmul.f32 $2.000000030e-01, v1;
	_ =	sdelay $0x1  }
0x56: {  	v4 =	vmul.f32 $1.442695020e+00, v4;
	v1 =	vmax.f32 v1, v2  }
0x57: {  	v1 =	vmul.f32 $1.442695020e+00, v1  }
0x58: {  	(erf) = vpow2.f32 v4  }
0x59: {  	(erf) = vpow2.f32 v1;
	_ =	sdelay $0x6  }
0x5a: {  	[tilespmem:s24+$0x400] =	vst v3;
	v1 =	vpop (erf)  }
0x5b: {  	[tilespmem:s25+$0x400] =	vst v1;
	v1 =	vpop (erf)  }
0x5c: {  	v2 =	vmov s23;
	[tilespmem:s28+$0x400] =	vst v1;
	v1 =	vpop (erf)  }
0x5d: {  	s23 =	simm.s32 $0x640;
	[tilespmem:s26+$0x400] =	vst v1  }
0x5e: {  	v5 =	vld [tilespmem:s23+$0x30]  }
0x5f: {  	v8 =	vld [tilespmem:s23+$0x10]  }
0x60: {  	v6 =	vld [tilespmem:s23+$0xFFFFFFC0]  }
0x61: {  	v2 =	vld.idx.msk [tilespmem:v2+s21+$0x0], $0xffff  }
0x62: {  	v10 =	vld [tilespmem:s23+$0xFFFFFFE0]  }
0x63: {  	v1 =	vld [tilespmem:s23+$0xFFFFFFF0]  }
0x64: {  	v3 =	vld [tilespmem:s23+$0x20]  }
0x65: {  	v4 =	vld [tilespmem:s23+$0xFFFFFFD0]  }
0x66: {  	v9 =	vmul.f32 v5, v2;
	v5 =	vld [tilespmem:s23+$0x0]  }
0x67: {  	v7 =	vmul.f32 v6, v2  }
0x68: {  	s24 =	simm.s32 $0x1;
	s25 =	simm.s32 $0x640;
	v6 =	vmul.f32 v10, v2;
	v8 =	vmul.f32 v8, v2  }
.LBB2_5:
0x69: {  	p0 =	sne.s32 s24, $0xC7  }
0x6a: {  	v4 =	vmul.f32 v4, v2;
	v3 =	vmul.f32 v3, v2;
	[tilespmem:s23+$0x30] =	vst v9;
	s25 =	sadd.s32 $0x80, s25;
	s26 =	smov.u32 s24;
	s24 =	sadd.s32 $0x1, s24  }
0x6b: {  	[tilespmem:s23+$0xFFFFFFC0] =	vst v7;
	v7 =	vmul.f32 v1, v2;
	v2 =	vmul.f32 v5, v2  }
0x6c: {  	[tilespmem:s23+$0x10] =	vst v8  }
0x6d: {  	v5 =	vmov s26;
	[tilespmem:s23+$0xFFFFFFE0] =	vst v6  }
0x6e: {  	v1 =	vld [tilespmem:s25+$0xFFFFFFF0];
	[tilespmem:s23+$0xFFFFFFF0] =	vst v7  }
0x6f: {  	v6 =	vld [tilespmem:s25+$0x30];
	[tilespmem:s23+$0x0] =	vst v2  }
0x70: {  	v8 =	vld [tilespmem:s25+$0x10];
	[tilespmem:s23+$0x20] =	vst v3  }
0x71: {  	v7 =	vld [tilespmem:s25+$0xFFFFFFC0];
	[tilespmem:s23+$0xFFFFFFD0] =	vst v4;
	s23 =	smov.u32 s25  }
0x72: {  	v2 =	vld.idx.msk [tilespmem:v5+s21+$0x0], $0xffff  }
0x73: {  	v10 =	vld [tilespmem:s25+$0xFFFFFFE0]  }
0x74: {  	v3 =	vld [tilespmem:s25+$0x20]  }
.Ltmp1:
0x75: {  	v4 =	vld [tilespmem:s25+$0xFFFFFFD0];
	(pc) =	sbr.rel @p0 .LBB2_5-.Ltmp1, $3  }
0x76: {  	v5 =	vld [tilespmem:s25+$0x0];
	_ =	sdelay $0x1  }
0x77: {  	v7 =	vmul.f32 v7, v2;
	v9 =	vmul.f32 v6, v2  }
0x78: {  	v8 =	vmul.f32 v8, v2;
	v6 =	vmul.f32 v10, v2  }
0x79: {  	[tilespmem:s23+$0x30] =	vst v9  }
0x7a: {  	[tilespmem:s23+$0xFFFFFFC0] =	vst v7  }
0x7b: {  	v1 =	vmul.f32 v1, v2;
	[tilespmem:s23+$0x10] =	vst v8  }
0x7c: {  	v3 =	vmul.f32 v3, v2;
	[tilespmem:s23+$0xFFFFFFE0] =	vst v6  }
0x7d: {  	v5 =	vmul.f32 v5, v2;
	[tilespmem:s23+$0xFFFFFFF0] =	vst v1  }
0x7e: {  	s22 =	sadd.s32 $0x1, s22;
	v1 =	vmul.f32 v4, v2;
	[tilespmem:s23+$0x20] =	vst v3  }
0x7f: {  	p0 =	sne.s32 s22, $0x32;
	[tilespmem:s23+$0x0] =	vst v5  }
.Ltmp2:
0x80: {  	[tilespmem:s23+$0xFFFFFFD0] =	vst v1;
	(pc) =	sbr.rel @p0 .LBB2_2-.Ltmp2, $4  }
0x81: {  	[spmem:s3] =	stream.indirect.scatter.add.f32 [tilespmem:s19], [sflag:$0x1], $0x80, s16, s18, $0xb8;
	[tilespmem:$0x1AA00] =	vst v63  }
0x82: {  	_ =	swait.ge [sflag:s15], $0x6400  }
0x83: {  	[sflag:s15] =	ssyncset.done $0x0  }
0x84: {  	[sflag:s15] =	ssyncadd.s32 $0xFFFF9C00  }
0x85: {  	s4 =	sadd.s32 $0x1, s4  }
0x86: {  	p0 =	sne.s32 s4, s13  }
.Ltmp3:
0x87: {  	[bflag:$0x0] =	sbarrier.arrive $0xFFFF;
	(pc) =	sbr.rel @p0 .LBB2_1-.Ltmp3, $4  }
0x88: {  	[hbm:s12], [sflag:s10] =	dma.local [spmem:s14], $0x2800  }
0x89: {  	_ =	swait.ge [sflag:s15], $0x2800  }
0x8a: {  	[sflag:s15] =	ssyncset.done $0x0  }
0x8b: {  	[sflag:s15] =	ssyncadd.s32 $0xFFFFD800  }
0x8c: {  	_ =	sfence.sel $0x180000  }
0x8d: {  	[bflag:$0x0] =	sbarrier.arrive $0xFFFF  }
0x8e: {  	p0 =	sne.s32 s1, $0x0;
	_ =	strace $0x9000004A  }
0x8f: {  	s0 =	sadd.s32 @!p0 $0x100000, s0;
	[bflag:$0x2] =	sbarrier.arrive $0xFFFF  }
0x90: {  	[sflag:s0] =	ssyncadd.tile.s32 @!p0 $0x1;
	_ =	shalt  }
.Lfunc_end2:
_tile_overlayer_lowered:
.L_overlay_start_2:
0x91: {  	(tag) =	ssettag $0x2  }
0x92: {  	s0 =	rddreg [dreg:$0x0];
	s2 =	stileid.u32  }
0x93: {  	s1 =	rddreg [dreg:$0x1];
	p0 =	sne.s32 s2, $0x0  }
0x94: {  	s3 =	rddreg [dreg:$0x2];
	[bflag:$0x3] =	sbarrier.arrive $0xFFFF;
	s2 =	simm.s32 @!p0 $0x1C01  }
0x95: {  	[timem:s3], [sflag:s2] =	dma.local @!p0 [hbm:s0], s1  }
0x96: {  	s0 =	simm.s32 @!p0 $0x1  }
0x97: {  	_ =	swait.ge @!p0 [sflag:s0], s1  }
0x98: {  	s1 =	ssub.s32 @!p0 $0x0, s1;
	[sflag:s0] =	ssyncset.done @!p0 $0x0  }
0x99: {  	[sflag:s0] =	ssyncadd.s32 @!p0 s1  }
0x9a: {  	[bflag:$0x3] =	sbarrier.arrive $0xFFFF  }
0x9b: {  	_ =	shalt  }

// kernel: kernel.15.cloned.1.call-start
scs
__scs_entry_jumppad:
0x0: {  	(pc) =	sbr.rel $0x88, $3  }
0x1: {  	(tag) =	ssettag $0x0;
	lr =	simm.s32 $0x1  }
0x2: {  	[smem:$0x3F8B] =	sst lr;
	_ =	strace $0xD0000000  }
0x3: {  	_ = 	snop  }
0x4: {  	_ = 	snop  }
0x5: {  	_ = 	snop  }
0x6: {  	_ = 	snop  }
0x7: {  	_ = 	snop  }
__scs_overlays_trampoline_lowered:
0x8: {  	[smem:$0x3F9A] =	sst s0  }
0x9: {  	[smem:$0x3F9B] =	sst s1  }
0xa: {  	[smem:$0x3F9C] =	sst s2  }
0xb: {  	[smem:$0x3F9D] =	sst s3  }
0xc: {  	[smem:$0x3F9E] =	sst s4  }
0xd: {  	[smem:$0x3F9F] =	sst s5  }
0xe: {  	[smem:$0x3FA0] =	sst s6  }
0xf: {  	[smem:$0x3FA1] =	sst s7  }
0x10: {  	[smem:$0x3FA2] =	sst s8  }
0x11: {  	[smem:$0x3FA3] =	sst s9;
	s0 =	simm.s32 @!p0 $0x0  }
0x12: {  	s1 =	sld [smem:$0x3F89];
	s0 =	simm.s32 @p0 $0x1  }
0x13: {  	[smem:$0x3FA4] =	sst s0;
	s0 =	simm.s32 @!p1 $0x0  }
0x14: {  	s2 =	sld [smem:$0x3F88];
	s0 =	simm.s32 @p1 $0x1  }
0x15: {  	[smem:$0x3FA5] =	sst s0;
	s0 =	simm.s32 @!p2 $0x0  }
0x16: {  	s3 =	sld [smem:$0x3FDB];
	s0 =	simm.s32 @p2 $0x1  }
0x17: {  	s4 =	simm.s32 $0x1BF5;
	[smem:$0x3FA7] =	sst s0  }
0x18: {  	s0 =	sld [smem:$0x3F8A];
	_ =	swait.ge [sflag:s4], $0x0  }
0x19: {  	s7 =	sld [smem:$0x3F8B]  }
0x1a: {  	s8 =	sadd.s32 $0xFFFFE003, lr  }
0x1b: {  	s9 =	sadd.s32 $0xFFFFFEF7, lr;
	s5 =	simm.s32 $0xFFFFFFFF;
	p2 =	slt.u32 s8, $0xFFFFF086  }
0x1c: {  	p1 =	slt.u32 s9, $0xF7A;
	s5 =	simm.s32 @!p2 $0x0  }
0x1d: {  	s5 =	simm.s32 @p1 $0x1;
	p0 =	seq.s32 s7, s2  }
0x1e: {  	s7 =	smul.u32 @!p0 $0xF7A, s2;
	p2 =	seq.s32 @!p0 s5, $0x0  }
0x1f: {  	s9 =	smul.u32 $0xF7A, s1;
	s8 =	simm.s32 @!p0 $0x1BF5;
	p2 =	por !p2, p0  }
0x20: {  	[sflag:s8] =	ssyncset.s32 @!p0 $0xFFFFF086;
	s6 =	sadd.s32 @!p0 s3, s7;
	s7 =	simm.s32 @!p0 $0x108  }
0x21: {  	s3 =	sadd.s32 s3, s9;
	s6 =	sadd.s32 @!p0 $0x88, s6;
	s7 =	simm.s32 @p2 $0x1082  }
0x22: {  	[simem:s7], [sflag:s8] =	dma.local @!p0 [hbm:s6], $0xF7A  }
0x23: {  	s9 =	sor.u32 $0xD0000000, s2;
	s6 =	simm.s32 $0x108;
	_ =	swait.ge @!p0 [sflag:s8], $0x0  }
0x24: {  	s3 =	sadd.s32 $0x88, s3;
	s6 =	simm.s32 @!p1 $0x1082;
	[sflag:s4] =	ssyncset.s32 $0xFFFFF086  }
0x25: {  	[simem:s6], [sflag:s4] =	dma.local [hbm:s3], $0xF7A  }
0x26: {  	[smem:$0x3F8B] =	sst s1;
	(tag) =	ssettag s2;
	_ =	strace s9  }
0x27: {  	s1 =	sld [smem:$0x3F9B]  }
0x28: {  	s2 =	sld [smem:$0x3F9C]  }
0x29: {  	s4 =	sld [smem:$0x3F9E]  }
0x2a: {  	p0 =	seq.s32 s5, $0x0;
	s5 =	sld [smem:$0x3F9F]  }
0x2b: {  	s6 =	sld [smem:$0x3FA0]  }
0x2c: {  	s7 =	sld [smem:$0x3FA1]  }
0x2d: {  	s3 =	simm.s32 $0x108;
	s8 =	sld [smem:$0x3FA2]  }
0x2e: {  	s3 =	simm.s32 @!p0 $0x1082;
	s9 =	sld [smem:$0x3FA3]  }
0x2f: {  	lr =	sadd.s32 s0, s3;
	s0 =	sld [smem:$0x3F9A]  }
0x30: {  	s3 =	sld [smem:$0x3F9D]  }
0x31: {  	[smem:$0x3FA6] =	sst s10  }
0x32: {  	s10 =	sld [smem:$0x3FA4];
	_ =	sdelay $0x3  }
0x33: {  	p0 =	seq.s32 s10, $0x1;
	s10 =	sld [smem:$0x3FA6];
	_ =	sdelay $0x3  }
0x34: {  	[smem:$0x3FA6] =	sst s10  }
0x35: {  	s10 =	sld [smem:$0x3FA5];
	_ =	sdelay $0x3  }
0x36: {  	p1 =	seq.s32 s10, $0x1;
	s10 =	sld [smem:$0x3FA6];
	_ =	sdelay $0x3  }
0x37: {  	[smem:$0x3FA6] =	sst s10  }
0x38: {  	s10 =	sld [smem:$0x3FA7]  }
0x39: {  	_ = 	snop;
	(pc) =	sbr.ind lr, $3  }
0x3a: {  	_ = 	snop  }
0x3b: {  	_ = 	snop  }
0x3c: {  	p2 =	seq.s32 s10, $0x1;
	s10 =	sld [smem:$0x3FA6]  }
0x3d: {  	_ =	shalt  }
0x3e: {  	_ =	shalt  }
0x3f: {  	_ =	shalt  }
0x40: {  	_ =	shalt  }
0x41: {  	_ =	shalt  }
0x42: {  	_ =	shalt  }
0x43: {  	_ =	shalt  }
0x44: {  	_ =	shalt  }
0x45: {  	_ =	shalt  }
0x46: {  	_ =	shalt  }
0x47: {  	_ =	shalt  }
0x48: {  	_ =	shalt  }
0x49: {  	_ =	shalt  }
0x4a: {  	_ =	shalt  }
0x4b: {  	_ =	shalt  }
0x4c: {  	_ =	shalt  }
0x4d: {  	_ =	shalt  }
0x4e: {  	_ =	shalt  }
0x4f: {  	_ =	shalt  }
0x50: {  	_ =	shalt  }
0x51: {  	_ =	shalt  }
0x52: {  	_ =	shalt  }
0x53: {  	_ =	shalt  }
0x54: {  	_ =	shalt  }
0x55: {  	_ =	shalt  }
0x56: {  	_ =	shalt  }
0x57: {  	_ =	shalt  }
0x58: {  	_ =	shalt  }
0x59: {  	_ =	shalt  }
0x5a: {  	_ =	shalt  }
0x5b: {  	_ =	shalt  }
0x5c: {  	_ =	shalt  }
0x5d: {  	_ =	shalt  }
0x5e: {  	_ =	shalt  }
0x5f: {  	_ =	shalt  }
0x60: {  	_ =	shalt  }
0x61: {  	_ =	shalt  }
0x62: {  	_ =	shalt  }
0x63: {  	_ =	shalt  }
0x64: {  	_ =	shalt  }
0x65: {  	_ =	shalt  }
0x66: {  	_ =	shalt  }
0x67: {  	_ =	shalt  }
0x68: {  	_ =	shalt  }
0x69: {  	_ =	shalt  }
0x6a: {  	_ =	shalt  }
0x6b: {  	_ =	shalt  }
0x6c: {  	_ =	shalt  }
0x6d: {  	_ =	shalt  }
0x6e: {  	_ =	shalt  }
0x6f: {  	_ =	shalt  }
0x70: {  	_ =	shalt  }
0x71: {  	_ =	shalt  }
0x72: {  	_ =	shalt  }
0x73: {  	_ =	shalt  }
0x74: {  	_ =	shalt  }
0x75: {  	_ =	shalt  }
0x76: {  	_ =	shalt  }
0x77: {  	_ =	shalt  }
0x78: {  	_ =	shalt  }
0x79: {  	_ =	shalt  }
0x7a: {  	_ =	shalt  }
0x7b: {  	_ =	shalt  }
0x7c: {  	_ =	shalt  }
0x7d: {  	_ =	shalt  }
0x7e: {  	_ =	shalt  }
0x7f: {  	_ =	shalt  }
0x80: {  	_ =	shalt  }
0x81: {  	_ =	shalt  }
0x82: {  	_ =	shalt  }
0x83: {  	_ =	shalt  }
0x84: {  	_ =	shalt  }
0x85: {  	_ =	shalt  }
0x86: {  	_ =	shalt  }
0x87: {  	_ =	shalt  }
.Lfunc_end0:
.L_simem_size_0:
called_computation.2_lowered:
.L_overlay_start_0:
0x88: {  	s2 =	sld [smem:$0x3FD9]  }
0x89: {  	s3 =	sld [smem:$0x3FFE];
	_ =	sdelay $0x1  }
0x8a: {  	s1 =	srdreg.scid  }
0x8b: {  	s0 =	sand.u32 $0x1, s1  }
0x8c: {  	s17 =	sshll.u32 s0, $0xA;
	s2 =	sadd.s32 s3, s2  }
0x8d: {  	s2 =	sadd.s32 s2, s17  }
0x8e: {  	[smem:$0x3FB2] =	sst s2  }
0x8f: {  	_ = 	snop  }
0x90: {  	s2 =	sld [smem:$0x3FD0];
	(tm) =	ssettm $0x1  }
0x91: {  	s18 =	sld [smem:$0x3FFB];
	_ =	sdelay $0x3  }
0x92: {  	_ =	strace s18  }
0x93: {  	s3 =	sld [smem:$0x3FFC];
	_ =	sdelay $0x3  }
0x94: {  	_ =	strace s3  }
0x95: {  	s3 =	sld [smem:$0x3FFD];
	_ =	sdelay $0x3  }
0x96: {  	_ =	strace s3  }
0x97: {  	_ =	strace $0x8FFFFFFF  }
0x98: {  	s19 =	sld [smem:$0x3FDB];
	_ =	sdelay $0x1  }
0x99: {  	s4 =	simm.s32 $_scs_section_size  }
0x9a: {  	s5 =	simm.s32 $_size__tile_overlayer_lowered;
	s6 =	simm.s32 $_tile_overlayer_lowered  }
0x9b: {  	s22 =	simm.s32 $0x1BFF;
	s21 =	sshll.u32 s6, $0x1;
	s3 =	sadd.s32 s4, s19  }
0x9c: {  	s7 =	simm.s32 $0x0;
	s20 =	sshll.u32 s5, $0x1;
	s5 =	sadd.s32 s21, s3  }
0x9d: {  	[timem:s7], [sflag:s22] =	dma.local [hbm:s5], s20  }
0x9e: {  	_ =	swait.ge [sflag:s22], s20  }
0x9f: {  	s4 =	ssub.s32 $0x0, s20;
	[sflag:s22] =	ssyncset.done $0x0  }
0xa0: {  	[sflag:s22] =	ssyncadd.s32 s4;
	_ =	sdelay $0x1  }
0xa1: {  	s23 =	simm.s32 $0x1B8B  }
0xa2: {  	_ =	swait.ge [sflag:s23], $0x1  }
0xa3: {  	[sflag:s23] =	ssyncset.done $0x0  }
0xa4: {  	s25 =	simm.s32 $0x1B8E;
	s24 =	sld [smem:$0x3FFE];
	[sflag:s23] =	ssyncadd.s32 $0xFFFFFFFF  }
0xa5: {  	s26 =	simm.s32 $execute0_lowered;
	[smem:$0x3FD2] =	sst s25  }
0xa6: {  	s5 =	sshll.u32 s26, $0x1;
	_ =	strace $0x8000004C;
	[dreg:$0x1] =	wrdreg $0xFFFFFFFF  }
0xa7: {  	s28 =	simm.s32 $_size_execute0_lowered;
	s3 =	sadd.s32 s3, s5;
	[dreg:$0x0] =	wrdreg $0x0  }
0xa8: {  	s5 =	sshll.u32 s28, $0x1;
	[dreg:$0x2] =	wrdreg s3  }
0xa9: {  	[dreg:$0x3] =	wrdreg s5  }
0xaa: {  	[dreg:$0x4] =	wrdreg $0xC0  }
0xab: {  	_ =	task [dreg:s7], $0x5FFFF  }
0xac: {  	[dreg:$0x1] =	wrdreg $0xFFFFFFFF  }
0xad: {  	[dreg:$0x0] =	wrdreg $0x60  }
0xae: {  	[dreg:$0x2] =	wrdreg s24  }
0xaf: {  	[dreg:$0x3] =	wrdreg s2  }
0xb0: {  	[dreg:$0x4] =	wrdreg $0x9  }
0xb1: {  	_ =	task.clear_ibuf [dreg:s7], $0x5FFFF;
	_ =	strace $0x9000004C  }
0xb2: {  	s29 =	simm.s32 $0x9;
	_ =	strace $0x8000004E  }
0xb3: {  	_ =	swait.ge [sflag:s29], $0x1  }
0xb4: {  	[sflag:s29] =	ssyncadd.s32 $0xFFFFFFFF  }
0xb5: {  	_ =	strace $0x9000004E  }
0xb6: {  	_ =	sfence  }
0xb7: {  	s30 =	sld [smem:$0x0];
	_ =	sdelay $0x2  }
0xb8: {  	s31 =	sshll.u32 s1, $0xD;
	s1 =	sshrl.u32 s1, $0x2  }
0xb9: {  	s3 =	sand.u32 $0x4000, s31;
	s1 =	sadd.s32 s1, s30  }
0xba: {  	s0 =	sor.u32 s3, s0;
	s1 =	sshll.u32 s1, $0x11  }
0xbb: {  	s0 =	sor.u32 s1, s0  }
0xbc: {  	s0 =	sadd.s32 $0x8F2B, s0  }
0xbd: {  	[sflag:s0] =	ssyncadd.remote.s32 $0x1  }
0xbe: {  	_ =	sfence.sel $0xFFFF  }
0xbf: {  	[dreg:$0x0] =	wrdreg $0xFFFFFFFF;
	(pc) =	sbr.abs _section_cstart, $3  }
0xc0: {  	[dreg:$0x1] =	wrdreg $0xFFFFFFFF  }
0xc1: {  	_ =	task.clear_ibuf [dreg:s7], $0x2FFFF;
	_ =	strace $0x9FFFFFFF  }
0xc2: {  	(tm) =	ssettm $0x7FFFFFFF  }
0xc3: {  	_ =	shalt  }
tec
execute0_lowered:
.L_overlay_start_1:
0x0: {  	(tag) =	ssettag $0x1  }
0x1: {  	s1 =	srdreg.scid;
	s6 =	rddreg [dreg:$0x0]  }
0x2: {  	s0 =	stileid.u32;
	s2 =	rddreg [dreg:$0x1]  }
0x3: {  	s3 =	simm.s32 $0x0;
	s11 =	simm.s32 $0xA800;
	s12 =	simm.s32 $0x110  }
0x4: {  	s13 =	simm.s32 $0xB000;
	s14 =	simm.s32 $0xB300;
	s15 =	simm.s32 $0xB180  }
0x5: {  	s4 =	sand.u32 $0x1, s1;
	s31 =	sshll.u32 s0, $0x1;
	s1 =	rddreg [dreg:$0x2]  }
0x6: {  	[smem:$0x7FF] =	sst s3;
	s5 =	sadd.s32 $0x4000, s6;
	s16 =	sor.u32 s4, s31  }
0x7: {  	v3 =	vlaneseq.u32;
	s8 =	ssub.s32 $0x2, s4;
	_ =	strace $0x8000004D;
	s7 =	smul.u32 $0x1400, s16  }
0x8: {  	v2 =	vimm.s32 $0x0;
	vm0 =	vmxor vm0, vm0;
	v4 =	vor.u32 $0x10, v3;
	s4 =	sadd.s32 $0xDE00, s6;
	s9 =	smul.u32 $0x140, s16;
	s10 =	sshrl.u32 s8, $0x1  }
0x9: {  	v5 =	vor.u32 $0x20, v3;
	v6 =	vor.u32 $0x30, v3;
	v7 =	vor.u32 $0x40, v3;
	p0 =	seq.s32 s16, $0x1F;
	s16 =	simm.s32 $0x0;
	s8 =	ssub.s32 s8, s10  }
0xa: {  	v8 =	vor.u32 $0x50, v3;
	v9 =	vor.u32 $0x60, v3;
	s10 =	simm.s32 $0xA000;
	s7 =	sadd.s32 s7, s6;
	v0 =	vmov s9;
	s6 =	sadd.s32 $0x35000, s6  }
0xb: {  	v10 =	vor.u32 $0x70, v3;
	v11 =	vor.u32 $0x100, v3;
	s8 =	smax.u32 s8, $0x1;
	s9 =	simm.s32 $0x1;
	v1 =	vadd.s32 $0x140, v0;
	s7 =	sadd.s32 $0x36400, s7  }
.LBB2_1:
0xc: {  	[tilespmem:s3], [sflag:$0x1] =	stream.linear.gather [hbm4b:s6+s3], $0xA000, $0x38;
	[tilespmem:$0x13B00] =	vst v63  }
0xd: {  	_ =	swait.ge [sflag:s9], $0xA000  }
0xe: {  	[sflag:s9] =	ssyncset.done $0x0  }
0xf: {  	[sflag:s9] =	ssyncadd.s32 $0xFFFF6000  }
0x10: {  	[tilespmem:$0xB000] =	vst v2  }
0x11: {  	[tilespmem:$0xB180] =	vst v2  }
0x12: {  	[tilespmem:$0xB010] =	vst v2  }
0x13: {  	[tilespmem:$0xB190] =	vst v2  }
0x14: {  	[tilespmem:$0xB020] =	vst v2  }
0x15: {  	[tilespmem:$0xB1A0] =	vst v2  }
0x16: {  	[tilespmem:$0xB030] =	vst v2  }
0x17: {  	[tilespmem:$0xB1B0] =	vst v2  }
0x18: {  	[tilespmem:$0xB040] =	vst v2  }
0x19: {  	[tilespmem:$0xB1C0] =	vst v2  }
0x1a: {  	[tilespmem:$0xB050] =	vst v2  }
0x1b: {  	[tilespmem:$0xB1D0] =	vst v2  }
0x1c: {  	[tilespmem:$0xB060] =	vst v2  }
0x1d: {  	[tilespmem:$0xB1E0] =	vst v2  }
0x1e: {  	[tilespmem:$0xB070] =	vst v2  }
0x1f: {  	[tilespmem:$0xB1F0] =	vst v2  }
0x20: {  	[tilespmem:$0xB080] =	vst v2  }
0x21: {  	[tilespmem:$0xB200] =	vst v2  }
0x22: {  	[tilespmem:$0xB090] =	vst v2  }
0x23: {  	[tilespmem:$0xB210] =	vst v2  }
0x24: {  	[tilespmem:$0xB0A0] =	vst v2  }
0x25: {  	[tilespmem:$0xB220] =	vst v2  }
0x26: {  	[tilespmem:$0xB0B0] =	vst v2  }
0x27: {  	[tilespmem:$0xB230] =	vst v2  }
0x28: {  	[tilespmem:$0xB0C0] =	vst v2  }
0x29: {  	[tilespmem:$0xB240] =	vst v2  }
0x2a: {  	[tilespmem:$0xB0D0] =	vst v2  }
0x2b: {  	[tilespmem:$0xB250] =	vst v2  }
0x2c: {  	[tilespmem:$0xB0E0] =	vst v2  }
.Ltmp0:
0x2d: {  	[tilespmem:$0xB260] =	vst v2;
	(pc) =	sbr.rel .LBB2_2-.Ltmp0, $4  }
0x2e: {  	[tilespmem:$0xB0F0] =	vst v2  }
0x2f: {  	[tilespmem:$0xB270] =	vst v2  }
0x30: {  	[tilespmem:$0xB100] =	vst v2  }
0x31: {  	s19 =	simm.s32 $0x0;
	s17 =	simm.s32 $0x0;
	[tilespmem:$0xB280] =	vst v2  }
.LBB2_8:
0x32: {  	s17 =	sadd.s32 $0x1, s17  }
0x33: {  	p1 =	sne.s32 s17, $0xA0  }
.Ltmp1:
0x34: {  	_ = 	snop;
	(pc) =	sbr.rel @!p1 .LBB2_9-.Ltmp1, $1  }
0x35: {  	_ =	sdelay $0x3  }
.LBB2_2:
0x36: {  	s20 =	smul.u32 $0xFA, s17;
	_ =	sdelay $0x1  }
0x37: {  	s18 =	simm.s32 $0x0;
	s21 =	sadd.s32 s5, s20  }
0x38: {  	[tilespmem:s10], [sflag:$0x1] =	stream.linear.gather [hbm4b:s21+s18], $0x7D0, $0x38;
	[tilespmem:$0x13B00] =	vst v63  }
0x39: {  	_ =	swait.ge [sflag:s9], $0x7D0  }
0x3a: {  	[sflag:s9] =	ssyncset.done $0x0  }
.Ltmp2:
0x3b: {  	s20 =	sadd.s32 s2, s20;
	[sflag:s9] =	ssyncadd.s32 $0xFFFFF830;
	(pc) =	sbr.rel .LBB2_3-.Ltmp2, $4  }
0x3c: {  	[tilespmem:s11], [sflag:$0x1] =	stream.linear.gather [hbm4b:s20+s18], $0x7D0, $0x38;
	[tilespmem:$0x13B00] =	vst v63  }
0x3d: {  	_ =	swait.ge [sflag:s9], $0x7D0  }
0x3e: {  	[sflag:s9] =	ssyncset.done $0x0  }
0x3f: {  	[sflag:s9] =	ssyncadd.s32 $0xFFFFF830  }
.LBB2_6:
0x40: {  	_ =	sdelay $0x4  }
0x41: {  	[tilespmem:v13+s3+$0x0] =	vst.idx.msk vm1, v14  }
0x42: {  	v13 =	vld.idx.msk [tilespmem:v12+s15+$0x0], $0xffff;
	_ =	sdelay $0x4  }
0x43: {  	v13 =	vshll.u32 v13, $0x7  }
0x44: {  	v50 =	vor.u32 v3, v13;
	_ =	sdelay $0x2  }
0x45: {  	s20 =	sadd.s32 $0x80, s20  }
0x46: {  	v51 =	vld [tilespmem:s20+$0xFFFFFFC0]  }
0x47: {  	vm1 =	vlt.u32 v12, $0x100;
	v15 =	vld.idx.msk [tilespmem:v50+s3+$0x0], $0xffff;
	_ =	sdelay $0x1  }
0x48: {  	v16 =	vor.u32 v4, v13;
	_ =	sdelay $0x2  }
0x49: {  	v12 =	vmin.f32 v15, v51  }
0x4a: {  	[tilespmem:v50+s3+$0x0] =	vst.idx.msk vm1, v12  }
0x4b: {  	v12 =	vld.idx.msk [tilespmem:v16+s3+$0x0], $0xffff  }
0x4c: {  	v14 =	vld [tilespmem:s20+$0xFFFFFFD0];
	_ =	sdelay $0x1  }
0x4d: {  	v52 =	vor.u32 v5, v13;
	_ =	sdelay $0x2  }
0x4e: {  	v12 =	vmin.f32 v12, v14  }
0x4f: {  	[tilespmem:v16+s3+$0x0] =	vst.idx.msk vm1, v12  }
0x50: {  	v12 =	vld.idx.msk [tilespmem:v52+s3+$0x0], $0xffff  }
0x51: {  	v53 =	vld [tilespmem:s20+$0xFFFFFFE0];
	_ =	sdelay $0x1  }
0x52: {  	v54 =	vor.u32 v6, v13;
	_ =	sdelay $0x2  }
0x53: {  	v12 =	vmin.f32 v12, v53  }
0x54: {  	[tilespmem:v52+s3+$0x0] =	vst.idx.msk vm1, v12  }
0x55: {  	v12 =	vld.idx.msk [tilespmem:v54+s3+$0x0], $0xffff  }
0x56: {  	v55 =	vld [tilespmem:s20+$0xFFFFFFF0];
	_ =	sdelay $0x1  }
0x57: {  	v56 =	vor.u32 v7, v13;
	_ =	sdelay $0x2  }
0x58: {  	v12 =	vmin.f32 v12, v55  }
0x59: {  	[tilespmem:v54+s3+$0x0] =	vst.idx.msk vm1, v12  }
0x5a: {  	v12 =	vld.idx.msk [tilespmem:v56+s3+$0x0], $0xffff  }
0x5b: {  	v57 =	vld [tilespmem:s20+$0x0];
	_ =	sdelay $0x1  }
0x5c: {  	v58 =	vor.u32 v8, v13;
	_ =	sdelay $0x2  }
0x5d: {  	v12 =	vmin.f32 v12, v57  }
0x5e: {  	[tilespmem:v56+s3+$0x0] =	vst.idx.msk vm1, v12  }
0x5f: {  	v12 =	vld.idx.msk [tilespmem:v58+s3+$0x0], $0xffff  }
0x60: {  	v59 =	vld [tilespmem:s20+$0x10];
	_ =	sdelay $0x1  }
0x61: {  	v60 =	vor.u32 v9, v13;
	_ =	sdelay $0x2  }
0x62: {  	v12 =	vmin.f32 v12, v59  }
0x63: {  	[tilespmem:v58+s3+$0x0] =	vst.idx.msk vm1, v12  }
0x64: {  	v12 =	vld.idx.msk [tilespmem:v60+s3+$0x0], $0xffff  }
0x65: {  	v61 =	vld [tilespmem:s20+$0x20];
	_ =	sdelay $0x1  }
0x66: {  	v13 =	vor.u32 v10, v13;
	_ =	sdelay $0x2  }
0x67: {  	v12 =	vmin.f32 v12, v61  }
0x68: {  	[tilespmem:v60+s3+$0x0] =	vst.idx.msk vm1, v12  }
0x69: {  	v12 =	vld.idx.msk [tilespmem:v13+s3+$0x0], $0xffff  }
0x6a: {  	v62 =	vld [tilespmem:s20+$0x30];
	_ =	sdelay $0x3  }
0x6b: {  	s31 =	sadd.s32 $0xFFFFFF00, s19  }
0x6c: {  	v63 =	vmov s31;
	v12 =	vmin.f32 v12, v62  }
0x6d: {  	[tilespmem:v13+s3+$0x0] =	vst.idx.msk vm1, v12;
	vm1 =	vgt.s32 v63, v3  }
0x6e: {  	v12 =	vld.idx.msk [tilespmem:v11+s15+$0x0], $0xffff  }
0x6f: {  	v13 =	vld.idx.msk [tilespmem:v11+s13+$0x0], $0xffff;
	_ =	sdelay $0x3  }
0x70: {  	[tilespmem:v3+s15+$0x0] =	vst.idx.msk vm1, v12  }
0x71: {  	s20 =	simm.s32 $0xFFFFFF00;
	[tilespmem:v3+s13+$0x0] =	vst.idx.msk vm1, v13  }
.LBB2_7:
0x72: {  	s18 =	sadd.s32 $0x1, s18  }
0x73: {  	p1 =	sne.s32 s18, $0x7D  }
.Ltmp3:
0x74: {  	_ = 	snop;
	(pc) =	sbr.rel @!p1 .LBB2_8-.Ltmp3, $2  }
0x75: {  	_ =	sdelay $0x2  }
0x76: {  	s19 =	sadd.s32 s19, s20  }
.LBB2_3:
0x77: {  	s20 =	sshll.u32 s18, $0x4  }
0x78: {  	v12 =	vld [tilespmem:s20+$0xA800];
	_ =	sdelay $0x4  }
0x79: {  	vm1 =	vge.s32 v12, v0;
	vm2 =	vlt.s32 v12, v1  }
0x7a: {  	vm1 =	vmand vm1, vm2  }
0x7b: {  	v13 =	vsel vm1, $0x1, v2  }
0x7c: {  	(xrf0) =	vadd.scan.msk.s32 $0xffff, v13;
	_ =	sdelay $0x5  }
0x7d: {  	v13, _, _ =	vpop (xrf0)  }
0x7e: {  	(v2sf) =	vpush v13, $0xF;
	_ =	sdelay $0xe  }
0x7f: {  	s21 =	spop (v2sf)  }
0x80: {  	p1 =	seq.s32 s21, $0x0  }
0x81: {  	v14 =	vmov @!p1 s19  }
0x82: {  	v14 =	vadd.s32 @!p1 $0xFFFFFFFF, v14  }
0x83: {  	v14 =	vbroadcast @!p1 v14, $0x0;
	_ =	sdelay $0x1  }
0x84: {  	s19 =	sadd.s32 s19, s21;
	v13 =	vadd.s32 @!p1 v13, v14  }
0x85: {  	p2 =	slt.s32 s19, $0x100;
	v14 =	vld @!p1 [tilespmem:s20+$0xA000]  }
.Ltmp4:
0x86: {  	_ = 	snop;
	(pc) =	sbr.rel @p2 .LBB2_7-.Ltmp4, $4  }
0x87: {  	_ = 	snop  }
0x88: {  	v12 =	vsub.s32 @!p1 v12, v0;
	s20 =	simm.s32 @!p1 $0xB180  }
0x89: {  	[tilespmem:v13+s20+$0x0] =	vst.idx.msk @!p1 vm1, v12;
	s20 =	simm.s32 @!p1 $0xB000  }
0x8a: {  	[tilespmem:v13+s20+$0x0] =	vst.idx.msk @!p1 vm1, v14;
	s20 =	simm.s32 $0x0  }
0x8b: {  	s20 =	simm.s32 $0x0  }
0x8c: {  	v12 =	vmov s20  }
0x8d: {  	[tilespmem:s14], [sflag:$0x1] =	stream.indirect.gather [hbm4b:s4+s12], $0x80, s13, s12, $0xb8;
	[tilespmem:$0x13B00] =	vst v63  }
0x8e: {  	_ =	swait.ge [sflag:s9], $0x8800  }
0x8f: {  	[sflag:s9] =	ssyncset.done $0x0  }
0x90: {  	[sflag:s9] =	ssyncadd.s32 $0xFFFF7800  }
0x91: {  	v13 =	vld.idx.msk [tilespmem:v12+s15+$0x0], $0xffff;
	_ =	sdelay $0x4  }
0x92: {  	v13 =	vshll.u32 v13, $0x7  }
0x93: {  	v14 =	vor.u32 v3, v13;
	_ =	sdelay $0x2  }
0x94: {  	s20 =	simm.s32 $0xB340  }
0x95: {  	vm1 =	vlt.u32 v12, $0x100;
	v12 =	vld [tilespmem:s20+$0xFFFFFFC0]  }
0x96: {  	v15 =	vld.idx.msk [tilespmem:v14+s3+$0x0], $0xffff;
	_ =	sdelay $0x1  }
0x97: {  	v16 =	vor.u32 v4, v13;
	_ =	sdelay $0x2  }
0x98: {  	v12 =	vmin.f32 v15, v12  }
0x99: {  	[tilespmem:v14+s3+$0x0] =	vst.idx.msk vm1, v12  }
0x9a: {  	v12 =	vld.idx.msk [tilespmem:v16+s3+$0x0], $0xffff  }
0x9b: {  	v14 =	vld [tilespmem:s20+$0xFFFFFFD0];
	_ =	sdelay $0x1  }
0x9c: {  	v15 =	vor.u32 v5, v13;
	_ =	sdelay $0x2  }
0x9d: {  	v12 =	vmin.f32 v12, v14  }
0x9e: {  	[tilespmem:v16+s3+$0x0] =	vst.idx.msk vm1, v12  }
0x9f: {  	v12 =	vld.idx.msk [tilespmem:v15+s3+$0x0], $0xffff  }
0xa0: {  	v14 =	vld [tilespmem:s20+$0xFFFFFFE0];
	_ =	sdelay $0x1  }
0xa1: {  	v62 =	vor.u32 v6, v13;
	_ =	sdelay $0x2  }
0xa2: {  	v12 =	vmin.f32 v12, v14  }
0xa3: {  	[tilespmem:v15+s3+$0x0] =	vst.idx.msk vm1, v12  }
0xa4: {  	v12 =	vld.idx.msk [tilespmem:v62+s3+$0x0], $0xffff  }
0xa5: {  	v14 =	vld [tilespmem:s20+$0xFFFFFFF0];
	_ =	sdelay $0x1  }
0xa6: {  	v15 =	vor.u32 v7, v13;
	_ =	sdelay $0x2  }
0xa7: {  	v12 =	vmin.f32 v12, v14  }
0xa8: {  	[tilespmem:v62+s3+$0x0] =	vst.idx.msk vm1, v12  }
0xa9: {  	v12 =	vld.idx.msk [tilespmem:v15+s3+$0x0], $0xffff  }
0xaa: {  	v14 =	vld [tilespmem:s20+$0x0];
	_ =	sdelay $0x1  }
0xab: {  	v63 =	vor.u32 v8, v13;
	_ =	sdelay $0x2  }
0xac: {  	v12 =	vmin.f32 v12, v14  }
0xad: {  	[tilespmem:v15+s3+$0x0] =	vst.idx.msk vm1, v12  }
0xae: {  	v12 =	vld.idx.msk [tilespmem:v63+s3+$0x0], $0xffff  }
0xaf: {  	v14 =	vld [tilespmem:s20+$0x10];
	_ =	sdelay $0x1  }
0xb0: {  	v15 =	vor.u32 v9, v13;
	_ =	sdelay $0x2  }
0xb1: {  	v12 =	vmin.f32 v12, v14  }
0xb2: {  	[tilespmem:v63+s3+$0x0] =	vst.idx.msk vm1, v12  }
0xb3: {  	v12 =	vld.idx.msk [tilespmem:v15+s3+$0x0], $0xffff  }
0xb4: {  	v14 =	vld [tilespmem:s20+$0x20];
	_ =	sdelay $0x1  }
0xb5: {  	v13 =	vor.u32 v10, v13;
	_ =	sdelay $0x2  }
0xb6: {  	v12 =	vmin.f32 v12, v14  }
0xb7: {  	[tilespmem:v15+s3+$0x0] =	vst.idx.msk vm1, v12  }
0xb8: {  	v14 =	vld.idx.msk [tilespmem:v13+s3+$0x0], $0xffff  }
0xb9: {  	v15 =	vld [tilespmem:s20+$0x30];
	_ =	sdelay $0x1  }
0xba: {  	s22 =	simm.s32 $0x1  }
0xbb: {  	v12 =	vmov s22;
	_ =	sdelay $0x1  }
0xbc: {  	s21 =	simm.s32 $0x2;
	v14 =	vmin.f32 v14, v15  }
.LBB2_5:
0xbd: {  	p1 =	sne.s32 s21, $0x10F  }
0xbe: {  	[tilespmem:v13+s3+$0x0] =	vst.idx.msk vm1, v14;
	s20 =	sadd.s32 $0x80, s20;
	s22 =	smov.u32 s21;
	s21 =	sadd.s32 $0x1, s21  }
0xbf: {  	v13 =	vld.idx.msk [tilespmem:v12+s15+$0x0], $0xffff;
	_ =	sdelay $0x5  }
0xc0: {  	v13 =	vshll.u32 v13, $0x7  }
0xc1: {  	v14 =	vor.u32 v3, v13;
	_ =	sdelay $0x4  }
0xc2: {  	v15 =	vld.idx.msk [tilespmem:v14+s3+$0x0], $0xffff  }
0xc3: {  	vm1 =	vlt.u32 v12, $0x100;
	v12 =	vld [tilespmem:s20+$0xFFFFFFC0];
	_ =	sdelay $0x1  }
0xc4: {  	v16 =	vor.u32 v4, v13;
	_ =	sdelay $0x2  }
0xc5: {  	v12 =	vmin.f32 v15, v12  }
0xc6: {  	[tilespmem:v14+s3+$0x0] =	vst.idx.msk vm1, v12  }
0xc7: {  	v12 =	vld.idx.msk [tilespmem:v16+s3+$0x0], $0xffff  }
0xc8: {  	v14 =	vld [tilespmem:s20+$0xFFFFFFD0];
	_ =	sdelay $0x1  }
0xc9: {  	v15 =	vor.u32 v5, v13;
	_ =	sdelay $0x2  }
0xca: {  	v12 =	vmin.f32 v12, v14  }
0xcb: {  	[tilespmem:v16+s3+$0x0] =	vst.idx.msk vm1, v12  }
0xcc: {  	v12 =	vld.idx.msk [tilespmem:v15+s3+$0x0], $0xffff  }
0xcd: {  	v14 =	vld [tilespmem:s20+$0xFFFFFFE0];
	_ =	sdelay $0x1  }
0xce: {  	v16 =	vor.u32 v6, v13;
	_ =	sdelay $0x2  }
0xcf: {  	v12 =	vmin.f32 v12, v14  }
0xd0: {  	[tilespmem:v15+s3+$0x0] =	vst.idx.msk vm1, v12  }
0xd1: {  	v12 =	vld.idx.msk [tilespmem:v16+s3+$0x0], $0xffff  }
0xd2: {  	v14 =	vld [tilespmem:s20+$0xFFFFFFF0];
	_ =	sdelay $0x1  }
0xd3: {  	v15 =	vor.u32 v7, v13;
	_ =	sdelay $0x2  }
0xd4: {  	v12 =	vmin.f32 v12, v14  }
0xd5: {  	[tilespmem:v16+s3+$0x0] =	vst.idx.msk vm1, v12  }
0xd6: {  	v12 =	vld.idx.msk [tilespmem:v15+s3+$0x0], $0xffff  }
0xd7: {  	v14 =	vld [tilespmem:s20+$0x0];
	_ =	sdelay $0x1  }
0xd8: {  	v16 =	vor.u32 v8, v13;
	_ =	sdelay $0x2  }
0xd9: {  	v12 =	vmin.f32 v12, v14  }
0xda: {  	[tilespmem:v15+s3+$0x0] =	vst.idx.msk vm1, v12  }
0xdb: {  	v12 =	vld.idx.msk [tilespmem:v16+s3+$0x0], $0xffff  }
0xdc: {  	v14 =	vld [tilespmem:s20+$0x10];
	_ =	sdelay $0x1  }
0xdd: {  	v15 =	vor.u32 v9, v13;
	_ =	sdelay $0x2  }
0xde: {  	v12 =	vmin.f32 v12, v14  }
0xdf: {  	[tilespmem:v16+s3+$0x0] =	vst.idx.msk vm1, v12  }
0xe0: {  	v12 =	vld.idx.msk [tilespmem:v15+s3+$0x0], $0xffff  }
0xe1: {  	v14 =	vld [tilespmem:s20+$0x20];
	_ =	sdelay $0x1  }
0xe2: {  	v13 =	vor.u32 v10, v13;
	_ =	sdelay $0x2  }
0xe3: {  	v12 =	vmin.f32 v12, v14  }
0xe4: {  	[tilespmem:v15+s3+$0x0] =	vst.idx.msk vm1, v12  }
0xe5: {  	v14 =	vld.idx.msk [tilespmem:v13+s3+$0x0], $0xffff  }
0xe6: {  	v15 =	vld [tilespmem:s20+$0x30]  }
.Ltmp5:
0xe7: {  	(pc) =	sbr.rel @p1 .LBB2_5-.Ltmp5, $2  }
0xe8: {  	v12 =	vmov s22;
	_ =	sdelay $0x2  }
0xe9: {  	v14 =	vmin.f32 v14, v15  }
.Ltmp6:
0xea: {  	_ = 	snop;
	(pc) =	sbr.rel .LBB2_6-.Ltmp6, $1  }
0xeb: {  	_ =	sdelay $0x3  }
.LBB2_9:
0xec: {  	s17 =	simm.s32 $0x0  }
0xed: {  	v12 =	vmov s17  }
0xee: {  	[tilespmem:s14], [sflag:$0x1] =	stream.indirect.gather [hbm4b:s4+s12], $0x80, s13, s12, $0xb8;
	[tilespmem:$0x13B00] =	vst v63  }
0xef: {  	_ =	swait.ge [sflag:s9], $0x8800  }
0xf0: {  	[sflag:s9] =	ssyncset.done $0x0  }
0xf1: {  	[sflag:s9] =	ssyncadd.s32 $0xFFFF7800  }
0xf2: {  	v12 =	vld.idx.msk [tilespmem:v12+s15+$0x0], $0xffff;
	_ =	sdelay $0x4  }
0xf3: {  	v12 =	vshll.u32 v12, $0x7  }
0xf4: {  	v13 =	vor.u32 v3, v12;
	_ =	sdelay $0x2  }
0xf5: {  	s17 =	simm.s32 $0xB340  }
0xf6: {  	p1 =	sgt.s32 s19, $0x0;
	vm1 =	vmmov vm0;
	v15 =	vld [tilespmem:s17+$0xFFFFFFC0]  }
0xf7: {  	vm1 =	vmneg @p1 vm1;
	v14 =	vld.idx.msk [tilespmem:v13+s3+$0x0], $0xffff;
	_ =	sdelay $0x1  }
0xf8: {  	v16 =	vor.u32 v4, v12;
	_ =	sdelay $0x2  }
0xf9: {  	v14 =	vmin.f32 v14, v15  }
0xfa: {  	[tilespmem:v13+s3+$0x0] =	vst.idx.msk vm1, v14  }
0xfb: {  	v13 =	vld.idx.msk [tilespmem:v16+s3+$0x0], $0xffff  }
0xfc: {  	v14 =	vld [tilespmem:s17+$0xFFFFFFD0];
	_ =	sdelay $0x1  }
0xfd: {  	v15 =	vor.u32 v5, v12;
	_ =	sdelay $0x2  }
0xfe: {  	v13 =	vmin.f32 v13, v14  }
0xff: {  	[tilespmem:v16+s3+$0x0] =	vst.idx.msk vm1, v13  }
0x100: {  	v13 =	vld.idx.msk [tilespmem:v15+s3+$0x0], $0xffff  }
0x101: {  	v14 =	vld [tilespmem:s17+$0xFFFFFFE0];
	_ =	sdelay $0x1  }
0x102: {  	v62 =	vor.u32 v6, v12;
	_ =	sdelay $0x2  }
0x103: {  	v13 =	vmin.f32 v13, v14  }
0x104: {  	[tilespmem:v15+s3+$0x0] =	vst.idx.msk vm1, v13  }
0x105: {  	v13 =	vld.idx.msk [tilespmem:v62+s3+$0x0], $0xffff  }
0x106: {  	v14 =	vld [tilespmem:s17+$0xFFFFFFF0];
	_ =	sdelay $0x1  }
0x107: {  	v15 =	vor.u32 v7, v12;
	_ =	sdelay $0x2  }
0x108: {  	v13 =	vmin.f32 v13, v14  }
0x109: {  	[tilespmem:v62+s3+$0x0] =	vst.idx.msk vm1, v13  }
0x10a: {  	v13 =	vld.idx.msk [tilespmem:v15+s3+$0x0], $0xffff  }
0x10b: {  	v14 =	vld [tilespmem:s17+$0x0];
	_ =	sdelay $0x1  }
0x10c: {  	v63 =	vor.u32 v8, v12;
	_ =	sdelay $0x2  }
0x10d: {  	v13 =	vmin.f32 v13, v14  }
0x10e: {  	[tilespmem:v15+s3+$0x0] =	vst.idx.msk vm1, v13  }
0x10f: {  	v13 =	vld.idx.msk [tilespmem:v63+s3+$0x0], $0xffff  }
0x110: {  	v14 =	vld [tilespmem:s17+$0x10];
	_ =	sdelay $0x1  }
0x111: {  	v15 =	vor.u32 v9, v12;
	_ =	sdelay $0x2  }
0x112: {  	v13 =	vmin.f32 v13, v14  }
0x113: {  	[tilespmem:v63+s3+$0x0] =	vst.idx.msk vm1, v13  }
0x114: {  	v13 =	vld.idx.msk [tilespmem:v15+s3+$0x0], $0xffff  }
0x115: {  	v14 =	vld [tilespmem:s17+$0x20];
	_ =	sdelay $0x1  }
0x116: {  	v12 =	vor.u32 v10, v12;
	_ =	sdelay $0x2  }
0x117: {  	v13 =	vmin.f32 v13, v14  }
0x118: {  	[tilespmem:v15+s3+$0x0] =	vst.idx.msk vm1, v13  }
0x119: {  	v14 =	vld.idx.msk [tilespmem:v12+s3+$0x0], $0xffff  }
0x11a: {  	v15 =	vld [tilespmem:s17+$0x30];
	_ =	sdelay $0x1  }
0x11b: {  	s18 =	simm.s32 $0x1  }
0x11c: {  	v13 =	vmov s18;
	_ =	sdelay $0x1  }
0x11d: {  	s20 =	simm.s32 $0x2;
	v14 =	vmin.f32 v14, v15  }
.LBB2_10:
0x11e: {  	p1 =	sne.s32 s20, $0x10F  }
0x11f: {  	[tilespmem:v12+s3+$0x0] =	vst.idx.msk vm1, v14;
	s17 =	sadd.s32 $0x80, s17;
	s21 =	smov.u32 s20;
	s20 =	sadd.s32 $0x1, s20  }
0x120: {  	v12 =	vld.idx.msk [tilespmem:v13+s15+$0x0], $0xffff;
	_ =	sdelay $0x5  }
0x121: {  	v12 =	vshll.u32 v12, $0x7  }
0x122: {  	v13 =	vor.u32 v3, v12;
	_ =	sdelay $0x4  }
0x123: {  	p2 =	slt.s32 s18, s19;
	vm1 =	vmmov vm0;
	s18 =	smov.u32 s21;
	v14 =	vld.idx.msk [tilespmem:v13+s3+$0x0], $0xffff  }
0x124: {  	vm1 =	vmneg @p2 vm1;
	v15 =	vld [tilespmem:s17+$0xFFFFFFC0];
	_ =	sdelay $0x1  }
0x125: {  	v16 =	vor.u32 v4, v12;
	_ =	sdelay $0x2  }
0x126: {  	v14 =	vmin.f32 v14, v15  }
0x127: {  	[tilespmem:v13+s3+$0x0] =	vst.idx.msk vm1, v14  }
0x128: {  	v13 =	vld.idx.msk [tilespmem:v16+s3+$0x0], $0xffff  }
0x129: {  	v14 =	vld [tilespmem:s17+$0xFFFFFFD0];
	_ =	sdelay $0x1  }
0x12a: {  	v15 =	vor.u32 v5, v12;
	_ =	sdelay $0x2  }
0x12b: {  	v13 =	vmin.f32 v13, v14  }
0x12c: {  	[tilespmem:v16+s3+$0x0] =	vst.idx.msk vm1, v13  }
0x12d: {  	v13 =	vld.idx.msk [tilespmem:v15+s3+$0x0], $0xffff  }
0x12e: {  	v14 =	vld [tilespmem:s17+$0xFFFFFFE0];
	_ =	sdelay $0x1  }
0x12f: {  	v16 =	vor.u32 v6, v12;
	_ =	sdelay $0x2  }
0x130: {  	v13 =	vmin.f32 v13, v14  }
0x131: {  	[tilespmem:v15+s3+$0x0] =	vst.idx.msk vm1, v13  }
0x132: {  	v13 =	vld.idx.msk [tilespmem:v16+s3+$0x0], $0xffff  }
0x133: {  	v14 =	vld [tilespmem:s17+$0xFFFFFFF0];
	_ =	sdelay $0x1  }
0x134: {  	v15 =	vor.u32 v7, v12;
	_ =	sdelay $0x2  }
0x135: {  	v13 =	vmin.f32 v13, v14  }
0x136: {  	[tilespmem:v16+s3+$0x0] =	vst.idx.msk vm1, v13  }
0x137: {  	v13 =	vld.idx.msk [tilespmem:v15+s3+$0x0], $0xffff  }
0x138: {  	v14 =	vld [tilespmem:s17+$0x0];
	_ =	sdelay $0x1  }
0x139: {  	v16 =	vor.u32 v8, v12;
	_ =	sdelay $0x2  }
0x13a: {  	v13 =	vmin.f32 v13, v14  }
0x13b: {  	[tilespmem:v15+s3+$0x0] =	vst.idx.msk vm1, v13  }
0x13c: {  	v13 =	vld.idx.msk [tilespmem:v16+s3+$0x0], $0xffff  }
0x13d: {  	v14 =	vld [tilespmem:s17+$0x10];
	_ =	sdelay $0x1  }
0x13e: {  	v15 =	vor.u32 v9, v12;
	_ =	sdelay $0x2  }
0x13f: {  	v13 =	vmin.f32 v13, v14  }
0x140: {  	[tilespmem:v16+s3+$0x0] =	vst.idx.msk vm1, v13  }
0x141: {  	v13 =	vld.idx.msk [tilespmem:v15+s3+$0x0], $0xffff  }
0x142: {  	v14 =	vld [tilespmem:s17+$0x20];
	_ =	sdelay $0x1  }
0x143: {  	v12 =	vor.u32 v10, v12;
	_ =	sdelay $0x2  }
0x144: {  	v13 =	vmin.f32 v13, v14  }
0x145: {  	[tilespmem:v15+s3+$0x0] =	vst.idx.msk vm1, v13  }
0x146: {  	v14 =	vld.idx.msk [tilespmem:v12+s3+$0x0], $0xffff  }
0x147: {  	v15 =	vld [tilespmem:s17+$0x30]  }
.Ltmp7:
0x148: {  	(pc) =	sbr.rel @p1 .LBB2_10-.Ltmp7, $2  }
0x149: {  	v13 =	vmov s18;
	_ =	sdelay $0x2  }
0x14a: {  	v14 =	vmin.f32 v14, v15  }
0x14b: {  	_ =	sdelay $0x4  }
0x14c: {  	[tilespmem:v12+s3+$0x0] =	vst.idx.msk vm1, v14  }
0x14d: {  	v12 =	vld.idx.msk [tilespmem:v13+s15+$0x0], $0xffff;
	_ =	sdelay $0x4  }
0x14e: {  	v12 =	vshll.u32 v12, $0x7  }
0x14f: {  	v52 =	vor.u32 v3, v12;
	_ =	sdelay $0x2  }
0x150: {  	s17 =	sadd.s32 $0x80, s17  }
0x151: {  	p1 =	slt.s32 s18, s19;
	vm1 =	vmmov vm0;
	v15 =	vld [tilespmem:s17+$0xFFFFFFC0]  }
0x152: {  	vm1 =	vmneg @p1 vm1;
	v14 =	vld.idx.msk [tilespmem:v52+s3+$0x0], $0xffff;
	_ =	sdelay $0x1  }
0x153: {  	v16 =	vor.u32 v4, v12;
	_ =	sdelay $0x2  }
0x154: {  	v14 =	vmin.f32 v14, v15  }
0x155: {  	[tilespmem:v52+s3+$0x0] =	vst.idx.msk vm1, v14  }
0x156: {  	v13 =	vld.idx.msk [tilespmem:v16+s3+$0x0], $0xffff  }
0x157: {  	v14 =	vld [tilespmem:s17+$0xFFFFFFD0];
	_ =	sdelay $0x1  }
0x158: {  	v53 =	vor.u32 v5, v12;
	_ =	sdelay $0x2  }
0x159: {  	v13 =	vmin.f32 v13, v14  }
0x15a: {  	[tilespmem:v16+s3+$0x0] =	vst.idx.msk vm1, v13  }
0x15b: {  	v13 =	vld.idx.msk [tilespmem:v53+s3+$0x0], $0xffff  }
0x15c: {  	v54 =	vld [tilespmem:s17+$0xFFFFFFE0];
	_ =	sdelay $0x1  }
0x15d: {  	v55 =	vor.u32 v6, v12;
	_ =	sdelay $0x2  }
0x15e: {  	v13 =	vmin.f32 v13, v54  }
0x15f: {  	[tilespmem:v53+s3+$0x0] =	vst.idx.msk vm1, v13  }
0x160: {  	v13 =	vld.idx.msk [tilespmem:v55+s3+$0x0], $0xffff  }
0x161: {  	v56 =	vld [tilespmem:s17+$0xFFFFFFF0];
	_ =	sdelay $0x1  }
0x162: {  	v57 =	vor.u32 v7, v12;
	_ =	sdelay $0x2  }
0x163: {  	v13 =	vmin.f32 v13, v56  }
0x164: {  	[tilespmem:v55+s3+$0x0] =	vst.idx.msk vm1, v13  }
0x165: {  	v13 =	vld.idx.msk [tilespmem:v57+s3+$0x0], $0xffff  }
0x166: {  	v58 =	vld [tilespmem:s17+$0x0];
	_ =	sdelay $0x1  }
0x167: {  	v59 =	vor.u32 v8, v12;
	_ =	sdelay $0x2  }
0x168: {  	v13 =	vmin.f32 v13, v58  }
0x169: {  	[tilespmem:v57+s3+$0x0] =	vst.idx.msk vm1, v13  }
0x16a: {  	v13 =	vld.idx.msk [tilespmem:v59+s3+$0x0], $0xffff  }
0x16b: {  	v60 =	vld [tilespmem:s17+$0x10];
	_ =	sdelay $0x1  }
0x16c: {  	v61 =	vor.u32 v9, v12;
	_ =	sdelay $0x2  }
0x16d: {  	v13 =	vmin.f32 v13, v60  }
0x16e: {  	[tilespmem:v59+s3+$0x0] =	vst.idx.msk vm1, v13  }
0x16f: {  	v13 =	vld.idx.msk [tilespmem:v61+s3+$0x0], $0xffff  }
0x170: {  	v62 =	vld [tilespmem:s17+$0x20];
	_ =	sdelay $0x1  }
0x171: {  	v12 =	vor.u32 v10, v12;
	_ =	sdelay $0x2  }
0x172: {  	v13 =	vmin.f32 v13, v62  }
0x173: {  	[tilespmem:v61+s3+$0x0] =	vst.idx.msk vm1, v13  }
0x174: {  	v13 =	vld.idx.msk [tilespmem:v12+s3+$0x0], $0xffff  }
0x175: {  	v63 =	vld [tilespmem:s17+$0x30];
	_ =	sdelay $0x4  }
0x176: {  	v13 =	vmin.f32 v13, v63  }
0x177: {  	s17 =	simm.s32 @p0 $0x0;
	[tilespmem:v12+s3+$0x0] =	vst.idx.msk vm1, v13  }
0x178: {  	[hbm4b:s7+s17] =	stream.linear.scatter @p0 [tilespmem:s17], [sflag:$0x1], $0x2800, $0x38;
	[tilespmem:$0x13B00] =	vst v63  }
0x179: {  	s17 =	simm.s32 @p0 $0x1  }
0x17a: {  	_ =	swait.ge @p0 [sflag:s17], $0x2800  }
0x17b: {  	s16 =	sadd.s32 $0x1, s16;
	[sflag:s17] =	ssyncset.done @p0 $0x0  }
0x17c: {  	p1 =	sne.s32 s16, s8;
	[sflag:s17] =	ssyncadd.s32 @p0 $0xFFFFD800;
	s17 =	simm.s32 @!p0 $0x0  }
0x17d: {  	[hbm4b:s7+s17] =	stream.linear.scatter @!p0 [tilespmem:s17], [sflag:$0x1], $0xA000, $0x38;
	[tilespmem:$0x13B00] =	vst v63  }
.Ltmp8:
0x17e: {  	_ = 	snop;
	(pc) =	sbr.rel @p1 .LBB2_1-.Ltmp8, $4  }
0x17f: {  	s17 =	simm.s32 @!p0 $0x1  }
0x180: {  	_ =	swait.ge @!p0 [sflag:s17], $0xA000  }
0x181: {  	[sflag:s17] =	ssyncset.done @!p0 $0x0  }
0x182: {  	[sflag:s17] =	ssyncadd.s32 @!p0 $0xFFFF6000  }
0x183: {  	_ =	sfence.sel $0x180000  }
0x184: {  	[bflag:$0x0] =	sbarrier.arrive $0xFFFF  }
0x185: {  	p0 =	sne.s32 s0, $0x0;
	_ =	strace $0x9000004D  }
0x186: {  	s0 =	sadd.s32 @!p0 $0x100000, s1;
	[bflag:$0x2] =	sbarrier.arrive $0xFFFF  }
0x187: {  	[sflag:s0] =	ssyncadd.tile.s32 @!p0 $0x1;
	_ =	shalt  }
.Lfunc_end2:
_tile_overlayer_lowered:
.L_overlay_start_2:
0x188: {  	(tag) =	ssettag $0x2  }
0x189: {  	s0 =	rddreg [dreg:$0x0];
	s2 =	stileid.u32  }
0x18a: {  	s1 =	rddreg [dreg:$0x1];
	p0 =	sne.s32 s2, $0x0  }
0x18b: {  	s3 =	rddreg [dreg:$0x2];
	[bflag:$0x3] =	sbarrier.arrive $0xFFFF;
	s2 =	simm.s32 @!p0 $0x1C01  }
0x18c: {  	[timem:s3], [sflag:s2] =	dma.local @!p0 [hbm:s0], s1  }
0x18d: {  	s0 =	simm.s32 @!p0 $0x1  }
0x18e: {  	_ =	swait.ge @!p0 [sflag:s0], s1  }
0x18f: {  	s1 =	ssub.s32 @!p0 $0x0, s1;
	[sflag:s0] =	ssyncset.done @!p0 $0x0  }
0x190: {  	[sflag:s0] =	ssyncadd.s32 @!p0 s1  }
0x191: {  	[bflag:$0x3] =	sbarrier.arrive $0xFFFF  }
0x192: {  	_ =	shalt  }

// kernel: kernel.9.cloned.1.call-start
scs
__scs_entry_jumppad:
0x0: {  	(pc) =	sbr.rel $0x88, $3  }
0x1: {  	(tag) =	ssettag $0x0;
	lr =	simm.s32 $0x1  }
0x2: {  	[smem:$0x3F8B] =	sst lr;
	_ =	strace $0xD0000000  }
0x3: {  	_ = 	snop  }
0x4: {  	_ = 	snop  }
0x5: {  	_ = 	snop  }
0x6: {  	_ = 	snop  }
0x7: {  	_ = 	snop  }
__scs_overlays_trampoline_lowered:
0x8: {  	[smem:$0x3F9A] =	sst s0  }
0x9: {  	[smem:$0x3F9B] =	sst s1  }
0xa: {  	[smem:$0x3F9C] =	sst s2  }
0xb: {  	[smem:$0x3F9D] =	sst s3  }
0xc: {  	[smem:$0x3F9E] =	sst s4  }
0xd: {  	[smem:$0x3F9F] =	sst s5  }
0xe: {  	[smem:$0x3FA0] =	sst s6  }
0xf: {  	[smem:$0x3FA1] =	sst s7  }
0x10: {  	[smem:$0x3FA2] =	sst s8  }
0x11: {  	[smem:$0x3FA3] =	sst s9;
	s0 =	simm.s32 @!p0 $0x0  }
0x12: {  	s1 =	sld [smem:$0x3F89];
	s0 =	simm.s32 @p0 $0x1  }
0x13: {  	[smem:$0x3FA4] =	sst s0;
	s0 =	simm.s32 @!p1 $0x0  }
0x14: {  	s2 =	sld [smem:$0x3F88];
	s0 =	simm.s32 @p1 $0x1  }
0x15: {  	[smem:$0x3FA5] =	sst s0;
	s0 =	simm.s32 @!p2 $0x0  }
0x16: {  	s3 =	sld [smem:$0x3FDB];
	s0 =	simm.s32 @p2 $0x1  }
0x17: {  	s4 =	simm.s32 $0x1BF5;
	[smem:$0x3FA7] =	sst s0  }
0x18: {  	s0 =	sld [smem:$0x3F8A];
	_ =	swait.ge [sflag:s4], $0x0  }
0x19: {  	s7 =	sld [smem:$0x3F8B]  }
0x1a: {  	s8 =	sadd.s32 $0xFFFFE003, lr  }
0x1b: {  	s9 =	sadd.s32 $0xFFFFFEF7, lr;
	s5 =	simm.s32 $0xFFFFFFFF;
	p2 =	slt.u32 s8, $0xFFFFF086  }
0x1c: {  	p1 =	slt.u32 s9, $0xF7A;
	s5 =	simm.s32 @!p2 $0x0  }
0x1d: {  	s5 =	simm.s32 @p1 $0x1;
	p0 =	seq.s32 s7, s2  }
0x1e: {  	s7 =	smul.u32 @!p0 $0xF7A, s2;
	p2 =	seq.s32 @!p0 s5, $0x0  }
0x1f: {  	s9 =	smul.u32 $0xF7A, s1;
	s8 =	simm.s32 @!p0 $0x1BF5;
	p2 =	por !p2, p0  }
0x20: {  	[sflag:s8] =	ssyncset.s32 @!p0 $0xFFFFF086;
	s6 =	sadd.s32 @!p0 s3, s7;
	s7 =	simm.s32 @!p0 $0x108  }
0x21: {  	s3 =	sadd.s32 s3, s9;
	s6 =	sadd.s32 @!p0 $0x88, s6;
	s7 =	simm.s32 @p2 $0x1082  }
0x22: {  	[simem:s7], [sflag:s8] =	dma.local @!p0 [hbm:s6], $0xF7A  }
0x23: {  	s9 =	sor.u32 $0xD0000000, s2;
	s6 =	simm.s32 $0x108;
	_ =	swait.ge @!p0 [sflag:s8], $0x0  }
0x24: {  	s3 =	sadd.s32 $0x88, s3;
	s6 =	simm.s32 @!p1 $0x1082;
	[sflag:s4] =	ssyncset.s32 $0xFFFFF086  }
0x25: {  	[simem:s6], [sflag:s4] =	dma.local [hbm:s3], $0xF7A  }
0x26: {  	[smem:$0x3F8B] =	sst s1;
	(tag) =	ssettag s2;
	_ =	strace s9  }
0x27: {  	s1 =	sld [smem:$0x3F9B]  }
0x28: {  	s2 =	sld [smem:$0x3F9C]  }
0x29: {  	s4 =	sld [smem:$0x3F9E]  }
0x2a: {  	p0 =	seq.s32 s5, $0x0;
	s5 =	sld [smem:$0x3F9F]  }
0x2b: {  	s6 =	sld [smem:$0x3FA0]  }
0x2c: {  	s7 =	sld [smem:$0x3FA1]  }
0x2d: {  	s3 =	simm.s32 $0x108;
	s8 =	sld [smem:$0x3FA2]  }
0x2e: {  	s3 =	simm.s32 @!p0 $0x1082;
	s9 =	sld [smem:$0x3FA3]  }
0x2f: {  	lr =	sadd.s32 s0, s3;
	s0 =	sld [smem:$0x3F9A]  }
0x30: {  	s3 =	sld [smem:$0x3F9D]  }
0x31: {  	[smem:$0x3FA6] =	sst s10  }
0x32: {  	s10 =	sld [smem:$0x3FA4];
	_ =	sdelay $0x3  }
0x33: {  	p0 =	seq.s32 s10, $0x1;
	s10 =	sld [smem:$0x3FA6];
	_ =	sdelay $0x3  }
0x34: {  	[smem:$0x3FA6] =	sst s10  }
0x35: {  	s10 =	sld [smem:$0x3FA5];
	_ =	sdelay $0x3  }
0x36: {  	p1 =	seq.s32 s10, $0x1;
	s10 =	sld [smem:$0x3FA6];
	_ =	sdelay $0x3  }
0x37: {  	[smem:$0x3FA6] =	sst s10  }
0x38: {  	s10 =	sld [smem:$0x3FA7]  }
0x39: {  	_ = 	snop;
	(pc) =	sbr.ind lr, $3  }
0x3a: {  	_ = 	snop  }
0x3b: {  	_ = 	snop  }
0x3c: {  	p2 =	seq.s32 s10, $0x1;
	s10 =	sld [smem:$0x3FA6]  }
0x3d: {  	_ =	shalt  }
0x3e: {  	_ =	shalt  }
0x3f: {  	_ =	shalt  }
0x40: {  	_ =	shalt  }
0x41: {  	_ =	shalt  }
0x42: {  	_ =	shalt  }
0x43: {  	_ =	shalt  }
0x44: {  	_ =	shalt  }
0x45: {  	_ =	shalt  }
0x46: {  	_ =	shalt  }
0x47: {  	_ =	shalt  }
0x48: {  	_ =	shalt  }
0x49: {  	_ =	shalt  }
0x4a: {  	_ =	shalt  }
0x4b: {  	_ =	shalt  }
0x4c: {  	_ =	shalt  }
0x4d: {  	_ =	shalt  }
0x4e: {  	_ =	shalt  }
0x4f: {  	_ =	shalt  }
0x50: {  	_ =	shalt  }
0x51: {  	_ =	shalt  }
0x52: {  	_ =	shalt  }
0x53: {  	_ =	shalt  }
0x54: {  	_ =	shalt  }
0x55: {  	_ =	shalt  }
0x56: {  	_ =	shalt  }
0x57: {  	_ =	shalt  }
0x58: {  	_ =	shalt  }
0x59: {  	_ =	shalt  }
0x5a: {  	_ =	shalt  }
0x5b: {  	_ =	shalt  }
0x5c: {  	_ =	shalt  }
0x5d: {  	_ =	shalt  }
0x5e: {  	_ =	shalt  }
0x5f: {  	_ =	shalt  }
0x60: {  	_ =	shalt  }
0x61: {  	_ =	shalt  }
0x62: {  	_ =	shalt  }
0x63: {  	_ =	shalt  }
0x64: {  	_ =	shalt  }
0x65: {  	_ =	shalt  }
0x66: {  	_ =	shalt  }
0x67: {  	_ =	shalt  }
0x68: {  	_ =	shalt  }
0x69: {  	_ =	shalt  }
0x6a: {  	_ =	shalt  }
0x6b: {  	_ =	shalt  }
0x6c: {  	_ =	shalt  }
0x6d: {  	_ =	shalt  }
0x6e: {  	_ =	shalt  }
0x6f: {  	_ =	shalt  }
0x70: {  	_ =	shalt  }
0x71: {  	_ =	shalt  }
0x72: {  	_ =	shalt  }
0x73: {  	_ =	shalt  }
0x74: {  	_ =	shalt  }
0x75: {  	_ =	shalt  }
0x76: {  	_ =	shalt  }
0x77: {  	_ =	shalt  }
0x78: {  	_ =	shalt  }
0x79: {  	_ =	shalt  }
0x7a: {  	_ =	shalt  }
0x7b: {  	_ =	shalt  }
0x7c: {  	_ =	shalt  }
0x7d: {  	_ =	shalt  }
0x7e: {  	_ =	shalt  }
0x7f: {  	_ =	shalt  }
0x80: {  	_ =	shalt  }
0x81: {  	_ =	shalt  }
0x82: {  	_ =	shalt  }
0x83: {  	_ =	shalt  }
0x84: {  	_ =	shalt  }
0x85: {  	_ =	shalt  }
0x86: {  	_ =	shalt  }
0x87: {  	_ =	shalt  }
.Lfunc_end0:
.L_simem_size_0:
called_computation_lowered:
.L_overlay_start_0:
0x88: {  	s2 =	sld [smem:$0x3FD9]  }
0x89: {  	s3 =	sld [smem:$0x3FFE];
	_ =	sdelay $0x1  }
0x8a: {  	s1 =	srdreg.scid  }
0x8b: {  	s0 =	sand.u32 $0x1, s1  }
0x8c: {  	s17 =	sshll.u32 s0, $0xA;
	s2 =	sadd.s32 s3, s2  }
0x8d: {  	s2 =	sadd.s32 s2, s17  }
0x8e: {  	[smem:$0x3FB2] =	sst s2  }
0x8f: {  	_ = 	snop  }
0x90: {  	s2 =	sld [smem:$0x3FD0];
	(tm) =	ssettm $0x1  }
0x91: {  	s18 =	sld [smem:$0x3FFB];
	_ =	sdelay $0x3  }
0x92: {  	_ =	strace s18  }
0x93: {  	s3 =	sld [smem:$0x3FFC];
	_ =	sdelay $0x3  }
0x94: {  	_ =	strace s3  }
0x95: {  	s3 =	sld [smem:$0x3FFD];
	_ =	sdelay $0x3  }
0x96: {  	_ =	strace s3  }
0x97: {  	_ =	strace $0x8FFFFFFF  }
0x98: {  	s19 =	sld [smem:$0x3FDB];
	_ =	sdelay $0x1  }
0x99: {  	s4 =	simm.s32 $_scs_section_size  }
0x9a: {  	s5 =	simm.s32 $_size__tile_overlayer_lowered;
	s6 =	simm.s32 $_tile_overlayer_lowered  }
0x9b: {  	s22 =	simm.s32 $0x1BFF;
	s21 =	sshll.u32 s6, $0x1;
	s3 =	sadd.s32 s4, s19  }
0x9c: {  	s7 =	simm.s32 $0x0;
	s20 =	sshll.u32 s5, $0x1;
	s5 =	sadd.s32 s21, s3  }
0x9d: {  	[timem:s7], [sflag:s22] =	dma.local [hbm:s5], s20  }
0x9e: {  	_ =	swait.ge [sflag:s22], s20  }
0x9f: {  	s4 =	ssub.s32 $0x0, s20;
	[sflag:s22] =	ssyncset.done $0x0  }
0xa0: {  	[sflag:s22] =	ssyncadd.s32 s4;
	_ =	sdelay $0x1  }
0xa1: {  	s23 =	simm.s32 $0x1B8B  }
0xa2: {  	_ =	swait.ge [sflag:s23], $0x1  }
0xa3: {  	[sflag:s23] =	ssyncset.done $0x0  }
0xa4: {  	s25 =	simm.s32 $0x1B8E;
	s24 =	sld [smem:$0x3FFE];
	[sflag:s23] =	ssyncadd.s32 $0xFFFFFFFF  }
0xa5: {  	s26 =	simm.s32 $execute0_lowered;
	[smem:$0x3FD2] =	sst s25  }
0xa6: {  	s5 =	sshll.u32 s26, $0x1;
	_ =	strace $0x80000046;
	[dreg:$0x1] =	wrdreg $0xFFFFFFFF  }
0xa7: {  	s28 =	simm.s32 $_size_execute0_lowered;
	s3 =	sadd.s32 s3, s5;
	[dreg:$0x0] =	wrdreg $0x0  }
0xa8: {  	s5 =	sshll.u32 s28, $0x1;
	[dreg:$0x2] =	wrdreg s3  }
0xa9: {  	[dreg:$0x3] =	wrdreg s5  }
0xaa: {  	[dreg:$0x4] =	wrdreg $0xC0  }
0xab: {  	_ =	task [dreg:s7], $0x5FFFF  }
0xac: {  	[dreg:$0x1] =	wrdreg $0xFFFFFFFF  }
0xad: {  	[dreg:$0x0] =	wrdreg $0x60  }
0xae: {  	[dreg:$0x2] =	wrdreg s24  }
0xaf: {  	[dreg:$0x3] =	wrdreg s2  }
0xb0: {  	[dreg:$0x4] =	wrdreg $0x6A000  }
0xb1: {  	[dreg:$0x5] =	wrdreg $0x1AA000  }
0xb2: {  	[dreg:$0x6] =	wrdreg $0x1AC780  }
0xb3: {  	[dreg:$0x7] =	wrdreg $0x1AEF00  }
0xb4: {  	[dreg:$0x8] =	wrdreg $0x9  }
0xb5: {  	_ =	task.clear_ibuf [dreg:s7], $0x9FFFF;
	_ =	strace $0x90000046  }
0xb6: {  	s29 =	simm.s32 $0x9;
	_ =	strace $0x80000048  }
0xb7: {  	_ =	swait.ge [sflag:s29], $0x1  }
0xb8: {  	[sflag:s29] =	ssyncadd.s32 $0xFFFFFFFF  }
0xb9: {  	_ =	strace $0x90000048  }
0xba: {  	_ =	sfence  }
0xbb: {  	s30 =	sld [smem:$0x0];
	_ =	sdelay $0x2  }
0xbc: {  	s31 =	sshll.u32 s1, $0xD;
	s1 =	sshrl.u32 s1, $0x2  }
0xbd: {  	s3 =	sand.u32 $0x4000, s31;
	s1 =	sadd.s32 s1, s30  }
0xbe: {  	s0 =	sor.u32 s3, s0;
	s1 =	sshll.u32 s1, $0x11  }
0xbf: {  	s0 =	sor.u32 s1, s0  }
0xc0: {  	s0 =	sadd.s32 $0x8F2B, s0  }
0xc1: {  	[sflag:s0] =	ssyncadd.remote.s32 $0x1  }
0xc2: {  	_ =	sfence.sel $0xFFFF  }
0xc3: {  	[dreg:$0x0] =	wrdreg $0xFFFFFFFF;
	(pc) =	sbr.abs _section_cstart, $3  }
0xc4: {  	[dreg:$0x1] =	wrdreg $0xFFFFFFFF  }
0xc5: {  	_ =	task.clear_ibuf [dreg:s7], $0x2FFFF;
	_ =	strace $0x9FFFFFFF  }
0xc6: {  	(tm) =	ssettm $0x7FFFFFFF  }
0xc7: {  	_ =	shalt  }
tec
execute0_lowered:
.L_overlay_start_1:
0x0: {  	(tag) =	ssettag $0x1  }
0x1: {  	s0 =	rddreg [dreg:$0x0]  }
0x2: {  	s1 =	rddreg [dreg:$0x1]  }
0x3: {  	s2 =	rddreg [dreg:$0x2]  }
0x4: {  	s3 =	rddreg [dreg:$0x3]  }
0x5: {  	s4 =	rddreg [dreg:$0x4]  }
0x6: {  	s5 =	rddreg [dreg:$0x5]  }
0x7: {  	s12 =	stileid.u32;
	s7 =	srdreg.scid;
	s6 =	simm.s32 $0x0  }
0x8: {  	s28 =	simm.s32 $0x600;
	s29 =	simm.s32 $0x100;
	s30 =	simm.s32 $0x400  }
0x9: {  	s31 =	simm.s32 $0x500;
	s10 =	smul.u32 $0x14000, s12;
	s13 =	sand.u32 $0x1, s7  }
0xa: {  	[smem:$0x7FF] =	sst s6;
	s7 =	sadd.s32 $0x2AC00, s0;
	s8 =	sadd.s32 $0x4000, s0  }
0xb: {  	s9 =	sadd.s32 $0x51E00, s0;
	s19 =	smul.u32 $0x50000, s12;
	s20 =	sshll.u32 s12, $0x1  }
0xc: {  	s22 =	sshll.u32 s12, $0x6;
	p0 =	sne.s32 s12, $0x0;
	s11 =	smul.u32 $0x140000, s13  }
0xd: {  	_ =	strace $0x80000047;
	s16 =	ssub.s32 $0x2, s13;
	s17 =	sshll.u32 s13, $0x4  }
0xe: {  	s14 =	sshrl.u32 s10, $0x3;
	s18 =	sshrl.u32 s16, $0x1;
	s21 =	sshrl.u32 s19, $0x2  }
0xf: {  	s11 =	sadd.s32 s10, s11;
	s10 =	sadd.s32 $0x3A00, s0;
	s14 =	sadd.s32 s14, s0  }
0x10: {  	s16 =	ssub.s32 s16, s18;
	s19 =	sadd.s32 s21, s2;
	s15 =	sshrl.u32 s11, $0x3  }
0x11: {  	s11 =	sadd.s32 $0xDE00, s0;
	s23 =	sadd.s32 $0x52400, s14;
	s26 =	smax.u32 s16, $0x1  }
0x12: {  	s18 =	sshrl.u32 s19, $0x3;
	s19 =	sshrl.u32 @!p0 s3, $0x3;
	[dreg:$0x7] =	wrdreg s23  }
0x13: {  	s15 =	sadd.s32 s15, s0;
	s0 =	sadd.s32 s17, s0;
	[dreg:$0xc] =	wrdreg s26  }
0x14: {  	s17 =	sor.u32 s13, s20;
	s20 =	sshrl.u32 @!p0 s4, $0x3;
	[dreg:$0xd] =	wrdreg s19  }
0x15: {  	s21 =	simm.s32 $0x1;
	s15 =	sadd.s32 $0x7A400, s15;
	[dreg:$0xe] =	wrdreg s20  }
0x16: {  	s13 =	sor.u32 $0x1C01, s22;
	s24 =	sadd.s32 $0xE400, s0;
	[dreg:$0x8] =	wrdreg s15  }
0x17: {  	s26 =	simm.s32 $0xC8;
	s25 =	sadd.s32 $0xEE00, s0;
	[dreg:$0x9] =	wrdreg s24  }
0x18: {  	s14 =	smul.u32 $0x2710, s17;
	s0 =	sadd.s32 $0xF800, s0;
	[dreg:$0xa] =	wrdreg s25  }
0x19: {  	v0 =	vimm.f32 $1.000000000e+00;
	[dreg:$0xb] =	wrdreg s0;
	s24 =	simm.s32 $0x200;
	s25 =	simm.s32 $0x300  }
.LBB2_1:
0x1a: {  	s0 =	rddreg [dreg:$0x7]  }
0x1b: {  	[spmem:s18], [sflag:s13] =	dma.local [hbm:s0], $0x2800  }
0x1c: {  	_ =	swait.ge [sflag:s21], $0x2800  }
0x1d: {  	[sflag:s21] =	ssyncset.done $0x0  }
0x1e: {  	s12 =	simm.s32 @!p0 $0x1;
	[sflag:s21] =	ssyncadd.s32 $0xFFFFD800  }
0x1f: {  	[spmem:s19], [sflag:s13] =	dma.local @!p0 [hbm:s11], $0x4F0  }
0x20: {  	_ =	swait.ge @!p0 [sflag:s12], $0x4F0  }
0x21: {  	[sflag:s12] =	ssyncset.done @!p0 $0x0  }
0x22: {  	[sflag:s12] =	ssyncadd.s32 @!p0 $0xFFFFFB10  }
0x23: {  	[spmem:s20], [sflag:s13] =	dma.local @!p0 [hbm:s11], $0x4F0  }
0x24: {  	_ =	swait.ge @!p0 [sflag:s12], $0x4F0  }
0x25: {  	[sflag:s12] =	ssyncset.done @!p0 $0x0  }
0x26: {  	s0 =	sshrl.u32 @!p0 s5, $0x3;
	[sflag:s12] =	ssyncadd.s32 @!p0 $0xFFFFFB10  }
0x27: {  	[spmem:s0], [sflag:s13] =	dma.local @!p0 [hbm:s11], $0x4F0  }
0x28: {  	_ =	swait.ge @!p0 [sflag:s12], $0x4F0  }
0x29: {  	[sflag:s12] =	ssyncset.done @!p0 $0x0  }
0x2a: {  	[sflag:s12] =	ssyncadd.s32 @!p0 $0xFFFFFB10  }
0x2b: {  	[tilespmem:$0x500] =	vst v0  }
0x2c: {  	[tilespmem:$0x510] =	vst v0  }
0x2d: {  	[tilespmem:$0x520] =	vst v0  }
0x2e: {  	[tilespmem:$0x530] =	vst v0  }
0x2f: {  	[tilespmem:$0x540] =	vst v0  }
0x30: {  	[tilespmem:$0x550] =	vst v0  }
0x31: {  	[tilespmem:$0x560] =	vst v0  }
0x32: {  	[tilespmem:$0x570] =	vst v0  }
0x33: {  	[tilespmem:$0x580] =	vst v0  }
0x34: {  	[tilespmem:$0x590] =	vst v0  }
0x35: {  	[tilespmem:$0x5A0] =	vst v0  }
0x36: {  	[tilespmem:$0x5B0] =	vst v0  }
0x37: {  	[tilespmem:$0x5C0] =	vst v0  }
0x38: {  	s23 =	smov.u32 s18;
	s12 =	simm.s32 $0x0;
	[bflag:$0x0] =	sbarrier.arrive $0xFFFF  }
.LBB2_2:
0x39: {  	s15 =	smul.u32 $0xC8, s12;
	_ =	sdelay $0x1  }
0x3a: {  	s15 =	sadd.s32 s14, s15  }
0x3b: {  	s16 =	sshrl.u32 s15, $0x3  }
0x3c: {  	s15 =	simm.s32 $0x0;
	s17 =	sadd.s32 s8, s16  }
0x3d: {  	[tilespmem:s24], [sflag:$0x1] =	stream.linear.gather [hbm4b:s17+s15], $0xC8, $0x38;
	[tilespmem:$0x1B168] =	vst v63  }
0x3e: {  	_ =	swait.ge [sflag:s21], $0xC8  }
0x3f: {  	[sflag:s21] =	ssyncset.done $0x0  }
0x40: {  	s16 =	sadd.s32 s1, s16;
	[sflag:s21] =	ssyncadd.s32 $0xFFFFFF38  }
0x41: {  	[tilespmem:s25], [sflag:$0x1] =	stream.linear.gather [hbm4b:s16+s15], $0xC8, $0x38;
	[tilespmem:$0x1B168] =	vst v63  }
0x42: {  	_ =	swait.ge [sflag:s21], $0xC8  }
0x43: {  	[sflag:s21] =	ssyncset.done $0x0  }
0x44: {  	[sflag:s21] =	ssyncadd.s32 $0xFFFFFF38  }
0x45: {  	[tilespmem:s28], [sflag:$0x1] =	stream.indirect.gather [hbm4b:s7+s26], $0x80, s24, s26, $0xb8;
	[tilespmem:$0x1B168] =	vst v63  }
0x46: {  	_ =	swait.ge [sflag:s21], $0x6400  }
0x47: {  	[sflag:s21] =	ssyncset.done $0x0  }
0x48: {  	[sflag:s21] =	ssyncadd.s32 $0xFFFF9C00  }
0x49: {  	[tilespmem:s15], [sflag:$0x1] =	stream.indirect.gather [hbm4b:s9+s26], $0x1, s24, s26, $0xb8;
	[tilespmem:$0x1B168] =	vst v63  }
0x4a: {  	_ =	swait.ge [sflag:s21], $0xC8  }
0x4b: {  	[sflag:s21] =	ssyncset.done $0x0  }
0x4c: {  	[sflag:s21] =	ssyncadd.s32 $0xFFFFFF38  }
0x4d: {  	[tilespmem:s29], [sflag:$0x1] =	stream.indirect.gather [hbm4b:s10+s26], $0x1, s25, s26, $0xb8;
	[tilespmem:$0x1B168] =	vst v63  }
0x4e: {  	_ =	swait.ge [sflag:s21], $0xC8  }
0x4f: {  	[sflag:s21] =	ssyncset.done $0x0  }
0x50: {  	s16 =	simm.s32 $0x0;
	[sflag:s21] =	ssyncadd.s32 $0xFFFFFF38  }
0x51: {  	v1 =	vld [tilespmem:s16+$0x0]  }
0x52: {  	v2 =	vld [tilespmem:s16+$0x100];
	_ =	sdelay $0x4  }
0x53: {  	v1 =	vadd.f32 v2, v1;
	_ =	sdelay $0x1  }
0x54: {  	s17 =	simm.s32 $0x10;
	v2 =	vmul.f32 $2.000000030e-01, v1  }
0x55: {  	v3 =	vld [tilespmem:s17+$0x0]  }
0x56: {  	v4 =	vld [tilespmem:s17+$0x100];
	v1 =	vmax.f32 v1, v2  }
0x57: {  	s19 =	simm.s32 $0x20;
	v1 =	vmul.f32 $1.442695020e+00, v1  }
0x58: {  	v2 =	vld [tilespmem:s19+$0x0]  }
0x59: {  	(erf) = vpow2.f32 v1;
	v1 =	vld [tilespmem:s19+$0x100];
	_ =	sdelay $0x1  }
0x5a: {  	v3 =	vadd.f32 v4, v3;
	_ =	sdelay $0x1  }
0x5b: {  	v4 =	vmul.f32 $2.000000030e-01, v3  }
0x5c: {  	v5 =	vadd.f32 v1, v2  }
0x5d: {  	v1 =	vmax.f32 v3, v4  }
0x5e: {  	s18 =	simm.s32 $0x30;
	v2 =	vmul.f32 $1.442695020e+00, v1;
	v3 =	vmul.f32 $2.000000030e-01, v5  }
0x5f: {  	v1 =	vld [tilespmem:s18+$0x0]  }
0x60: {  	(erf) = vpow2.f32 v2;
	v2 =	vld [tilespmem:s18+$0x100];
	_ =	sdelay $0x1  }
0x61: {  	s20 =	simm.s32 $0x100;
	v4 =	vmax.f32 v5, v3;
	v3 =	vpop (erf)  }
.LBB2_3:
0x62: {  	s22 =	sshra.s32 s20, $0x2  }
0x63: {  	v4 =	vmul.f32 $1.442695020e+00, v4;
	[tilespmem:s16+$0x400] =	vst v3;
	s16 =	smov.u32 s17;
	s17 =	smov.u32 s19;
	p1 =	sne.s32 s20, $0x300  }
.Ltmp0:
0x64: {  	s20 =	sadd.s32 $0x40, s20;
	v3 =	vadd.f32 v2, v1;
	v1 =	vld [tilespmem:s22+$0x0];
	(pc) =	sbr.rel @p1 .LBB2_3-.Ltmp0, $3  }
0x65: {  	s19 =	smov.u32 s18;
	s18 =	smov.u32 s22;
	v2 =	vld [tilespmem:s22+$0x100];
	(erf) = vpow2.f32 v4  }
0x66: {  	v4 =	vmul.f32 $2.000000030e-01, v3;
	_ =	sdelay $0x1  }
0x67: {  	v4 =	vmax.f32 v3, v4;
	v3 =	vpop (erf)  }
0x68: {  	_ = 	snop  }
0x69: {  	v1 =	vadd.f32 v2, v1;
	_ =	sdelay $0x1  }
0x6a: {  	v2 =	vmul.f32 $2.000000030e-01, v1;
	_ =	sdelay $0x1  }
0x6b: {  	v4 =	vmul.f32 $1.442695020e+00, v4;
	v1 =	vmax.f32 v1, v2  }
0x6c: {  	v1 =	vmul.f32 $1.442695020e+00, v1  }
0x6d: {  	(erf) = vpow2.f32 v4  }
0x6e: {  	(erf) = vpow2.f32 v1;
	_ =	sdelay $0x6  }
0x6f: {  	[tilespmem:s16+$0x400] =	vst v3;
	v1 =	vpop (erf)  }
0x70: {  	[tilespmem:s17+$0x400] =	vst v1;
	v1 =	vpop (erf)  }
0x71: {  	v2 =	vmov s15;
	[tilespmem:s19+$0x400] =	vst v1;
	v1 =	vpop (erf)  }
0x72: {  	s15 =	simm.s32 $0x640;
	[tilespmem:s18+$0x400] =	vst v1  }
0x73: {  	v5 =	vld [tilespmem:s15+$0x30]  }
0x74: {  	v8 =	vld [tilespmem:s15+$0x10]  }
0x75: {  	v6 =	vld [tilespmem:s15+$0xFFFFFFC0]  }
0x76: {  	v2 =	vld.idx.msk [tilespmem:v2+s30+$0x0], $0xffff  }
0x77: {  	v10 =	vld [tilespmem:s15+$0xFFFFFFE0]  }
0x78: {  	v1 =	vld [tilespmem:s15+$0xFFFFFFF0]  }
0x79: {  	v3 =	vld [tilespmem:s15+$0x20]  }
0x7a: {  	v4 =	vld [tilespmem:s15+$0xFFFFFFD0]  }
0x7b: {  	v9 =	vmul.f32 v5, v2;
	v5 =	vld [tilespmem:s15+$0x0]  }
0x7c: {  	v7 =	vmul.f32 v6, v2  }
0x7d: {  	s16 =	simm.s32 $0x1;
	s17 =	simm.s32 $0x640;
	v6 =	vmul.f32 v10, v2;
	v8 =	vmul.f32 v8, v2  }
.LBB2_5:
0x7e: {  	p1 =	sne.s32 s16, $0xC7  }
0x7f: {  	v4 =	vmul.f32 v4, v2;
	v3 =	vmul.f32 v3, v2;
	[tilespmem:s15+$0x30] =	vst v9;
	s17 =	sadd.s32 $0x80, s17;
	s18 =	smov.u32 s16;
	s16 =	sadd.s32 $0x1, s16  }
0x80: {  	[tilespmem:s15+$0xFFFFFFC0] =	vst v7;
	v7 =	vmul.f32 v1, v2;
	v2 =	vmul.f32 v5, v2  }
0x81: {  	[tilespmem:s15+$0x10] =	vst v8  }
0x82: {  	v5 =	vmov s18;
	[tilespmem:s15+$0xFFFFFFE0] =	vst v6  }
0x83: {  	v1 =	vld [tilespmem:s17+$0xFFFFFFF0];
	[tilespmem:s15+$0xFFFFFFF0] =	vst v7  }
0x84: {  	v6 =	vld [tilespmem:s17+$0x30];
	[tilespmem:s15+$0x0] =	vst v2  }
0x85: {  	v8 =	vld [tilespmem:s17+$0x10];
	[tilespmem:s15+$0x20] =	vst v3  }
0x86: {  	v7 =	vld [tilespmem:s17+$0xFFFFFFC0];
	[tilespmem:s15+$0xFFFFFFD0] =	vst v4;
	s15 =	smov.u32 s17  }
0x87: {  	v2 =	vld.idx.msk [tilespmem:v5+s30+$0x0], $0xffff  }
0x88: {  	v10 =	vld [tilespmem:s17+$0xFFFFFFE0]  }
0x89: {  	v3 =	vld [tilespmem:s17+$0x20]  }
.Ltmp1:
0x8a: {  	v4 =	vld [tilespmem:s17+$0xFFFFFFD0];
	(pc) =	sbr.rel @p1 .LBB2_5-.Ltmp1, $3  }
0x8b: {  	v5 =	vld [tilespmem:s17+$0x0];
	_ =	sdelay $0x1  }
0x8c: {  	v7 =	vmul.f32 v7, v2;
	v9 =	vmul.f32 v6, v2  }
0x8d: {  	v8 =	vmul.f32 v8, v2;
	v6 =	vmul.f32 v10, v2  }
0x8e: {  	[tilespmem:s15+$0x30] =	vst v9  }
0x8f: {  	[tilespmem:s15+$0xFFFFFFC0] =	vst v7  }
0x90: {  	v1 =	vmul.f32 v1, v2;
	[tilespmem:s15+$0x10] =	vst v8  }
0x91: {  	v3 =	vmul.f32 v3, v2;
	[tilespmem:s15+$0xFFFFFFE0] =	vst v6  }
0x92: {  	v5 =	vmul.f32 v5, v2;
	[tilespmem:s15+$0xFFFFFFF0] =	vst v1  }
0x93: {  	v1 =	vmul.f32 v4, v2;
	[tilespmem:s15+$0x20] =	vst v3  }
0x94: {  	[tilespmem:s15+$0x0] =	vst v5  }
0x95: {  	[tilespmem:s15+$0xFFFFFFD0] =	vst v1  }
0x96: {  	[spmem:s2] =	stream.indirect.scatter.add.f32 [tilespmem:s28], [sflag:$0x1], $0x80, s25, s26, $0xb8;
	[tilespmem:$0x1B168] =	vst v63  }
0x97: {  	_ =	swait.ge [sflag:s21], $0x6400  }
0x98: {  	[sflag:s21] =	ssyncset.done $0x0  }
0x99: {  	[sflag:s21] =	ssyncadd.s32 $0xFFFF9C00  }
0x9a: {  	[spmem:s3] =	stream.indirect.scatter.add.f32 [tilespmem:s30], [sflag:$0x1], $0x1, s25, s26, $0xb8;
	[tilespmem:$0x1B168] =	vst v63  }
0x9b: {  	_ =	swait.ge [sflag:s21], $0xC8  }
0x9c: {  	[sflag:s21] =	ssyncset.done $0x0  }
0x9d: {  	[sflag:s21] =	ssyncadd.s32 $0xFFFFFF38  }
0x9e: {  	[spmem:s4] =	stream.indirect.scatter.add.f32 [tilespmem:s31], [sflag:$0x1], $0x1, s25, s26, $0xb8;
	[tilespmem:$0x1B168] =	vst v63  }
0x9f: {  	s12 =	sadd.s32 $0x1, s12;
	_ =	swait.ge [sflag:s21], $0xC8  }
0xa0: {  	p1 =	sne.s32 s12, $0x32;
	[sflag:s21] =	ssyncset.done $0x0  }
.Ltmp2:
0xa1: {  	[sflag:s21] =	ssyncadd.s32 $0xFFFFFF38;
	(pc) =	sbr.rel @p1 .LBB2_2-.Ltmp2, $4  }
0xa2: {  	[spmem:s5] =	stream.indirect.scatter.add.f32 [tilespmem:s31], [sflag:$0x1], $0x1, s24, s26, $0xb8;
	[tilespmem:$0x1B168] =	vst v63  }
0xa3: {  	_ =	swait.ge [sflag:s21], $0xC8  }
0xa4: {  	[sflag:s21] =	ssyncset.done $0x0  }
0xa5: {  	[sflag:s21] =	ssyncadd.s32 $0xFFFFFF38  }
0xa6: {  	[bflag:$0x0] =	sbarrier.arrive $0xFFFF  }
0xa7: {  	s12 =	rddreg [dreg:$0x8]  }
0xa8: {  	[hbm:s12], [sflag:s13] =	dma.local [spmem:s23], $0x2800  }
0xa9: {  	s15 =	simm.s32 @!p0 $0x20;
	_ =	swait.ge [sflag:s21], $0x2800  }
0xaa: {  	s16 =	simm.s32 @!p0 $0x10;
	[sflag:s21] =	ssyncset.done $0x0;
	s17 =	rddreg [dreg:$0x9]  }
0xab: {  	s12 =	simm.s32 @!p0 $0x1;
	s19 =	rddreg [dreg:$0xd];
	[sflag:s21] =	ssyncadd.s32 $0xFFFFD800  }
0xac: {  	[hbm:s17@s15], [sflag:s13] =	dma.strided @!p0 [spmem:s19@s16], $0x4F0, s12, $0x10   }
0xad: {  	_ =	swait.ge @!p0 [sflag:s12], $0x4F0  }
0xae: {  	[sflag:s12] =	ssyncset.done @!p0 $0x0;
	s17 =	rddreg [dreg:$0xa]  }
0xaf: {  	s20 =	rddreg [dreg:$0xe];
	[sflag:s12] =	ssyncadd.s32 @!p0 $0xFFFFFB10  }
0xb0: {  	[hbm:s17@s15], [sflag:s13] =	dma.strided @!p0 [spmem:s20@s16], $0x4F0, s12, $0x10   }
0xb1: {  	_ =	swait.ge @!p0 [sflag:s12], $0x4F0  }
0xb2: {  	[sflag:s12] =	ssyncset.done @!p0 $0x0  }
0xb3: {  	s17 =	rddreg [dreg:$0xb];
	[sflag:s12] =	ssyncadd.s32 @!p0 $0xFFFFFB10  }
0xb4: {  	[hbm:s17@s15], [sflag:s13] =	dma.strided @!p0 [spmem:s0@s16], $0x4F0, s12, $0x10   }
0xb5: {  	_ =	swait.ge @!p0 [sflag:s12], $0x4F0  }
0xb6: {  	s18 =	smov.u32 s23;
	s6 =	sadd.s32 $0x1, s6;
	s23 =	rddreg [dreg:$0xc]  }
0xb7: {  	p1 =	sne.s32 s6, s23  }
.Ltmp3:
0xb8: {  	_ = 	snop;
	(pc) =	sbr.rel @p1 .LBB2_1-.Ltmp3, $3  }
0xb9: {  	_ =	sdelay $0x1  }
0xba: {  	[sflag:s12] =	ssyncset.done @!p0 $0x0  }
0xbb: {  	[sflag:s12] =	ssyncadd.s32 @!p0 $0xFFFFFB10  }
0xbc: {  	_ =	sfence.sel $0x180000  }
0xbd: {  	[bflag:$0x0] =	sbarrier.arrive $0xFFFF  }
0xbe: {  	_ =	strace $0x90000047  }
0xbf: {  	[bflag:$0x2] =	sbarrier.arrive $0xFFFF  }
0xc0: {  	s0 =	rddreg [dreg:$0x6]  }
0xc1: {  	s0 =	sadd.s32 @!p0 $0x100000, s0  }
0xc2: {  	[sflag:s0] =	ssyncadd.tile.s32 @!p0 $0x1;
	_ =	shalt  }
.Lfunc_end2:
_tile_overlayer_lowered:
.L_overlay_start_2:
0xc3: {  	(tag) =	ssettag $0x2  }
0xc4: {  	s0 =	rddreg [dreg:$0x0];
	s2 =	stileid.u32  }
0xc5: {  	s1 =	rddreg [dreg:$0x1];
	p0 =	sne.s32 s2, $0x0  }
0xc6: {  	s3 =	rddreg [dreg:$0x2];
	[bflag:$0x3] =	sbarrier.arrive $0xFFFF;
	s2 =	simm.s32 @!p0 $0x1C01  }
0xc7: {  	[timem:s3], [sflag:s2] =	dma.local @!p0 [hbm:s0], s1  }
0xc8: {  	s0 =	simm.s32 @!p0 $0x1  }
0xc9: {  	_ =	swait.ge @!p0 [sflag:s0], s1  }
0xca: {  	s1 =	ssub.s32 @!p0 $0x0, s1;
	[sflag:s0] =	ssyncset.done @!p0 $0x0  }
0xcb: {  	[sflag:s0] =	ssyncadd.s32 @!p0 s1  }
0xcc: {  	[bflag:$0x3] =	sbarrier.arrive $0xFFFF  }
0xcd: {  	_ =	shalt  }

</sc_bundles>
